<compile_context>
chip_gen: v7x
topology: tpu7x:2x2x1
jax: 0.10.2.dev20260603
libtpu: 0.0.44.dev20260713+nightly
codegen_flags: <defaults>
</compile_context>

<pallas_src>
import functools

import jax
import jax.numpy as jnp
from jax import lax
from jax.experimental import pallas as pl
from jax.experimental.pallas import tpu as pltpu
from jax.experimental.pallas import tpu_sc as plsc

NC = 2
NS = 16
LANE = 128
G_OUT = 128
PK = 8
LW = 128
BNP = 784
EB = 512
EBD = 1024


def _mesh():
    return plsc.VectorSubcoreMesh(
        core_axis_name="c", subcore_axis_name="s", num_cores=NC, num_subcores=NS
    )


def _sizes(E, N):
    erows = -(-E // LANE)
    rows_pw = -(-erows // (NC * NS * 16)) * 16
    epad = rows_pw * NC * NS * LANE
    npad = -(-N // (NS * LANE)) * (NS * LANE)
    return epad, npad


def _sc_degree(ei, padb, ones_b, zeros_lf, npad, epad):
    nreal = ei.shape[1]
    nb = (epad // EBD) // (NC * NS)
    npt = npad // NS
    nz = npt // LANE

    @functools.partial(
        pl.kernel,
        mesh=_mesh(),
        out_type=jax.ShapeDtypeStruct((NC, npad, 16), jnp.float32),
        compiler_params=pltpu.CompilerParams(use_tc_tiling_on_sc=False),
        scratch_types=[
            pltpu.VMEM((4, EBD), jnp.int32),
            pltpu.VMEM((EBD, 16), jnp.float32),
            pltpu.VMEM((LANE, 16), jnp.float32),
            pltpu.VMEM_SHARED((npad, 16), jnp.float32),
            pltpu.SemaphoreType.DMA((4,)),
            pltpu.SemaphoreType.DMA((3,)),
        ],
    )
    def k(ei_hbm, pad_hbm, one_hbm, zero_hbm, out_hbm, dstv, onev, zerov, acc, isem, ssem):
        c = lax.axis_index("c")
        sid = lax.axis_index("s")
        wid = sid * NC + c
        pltpu.sync_copy(one_hbm, onev)
        pltpu.sync_copy(zero_hbm, zerov)
        r0 = sid * npt

        def zc(j, carry):
            pltpu.sync_copy(zerov, acc.at[pl.ds(r0 + j * LANE, LANE)])
            return carry

        lax.fori_loop(0, nz, zc, 0)
        plsc.subcore_barrier()
        rb0 = wid * nb

        def idx_start(blk, slot):
            g = rb0 + blk

            @pl.when(g < nreal)
            def _():
                pltpu.async_copy(
                    ei_hbm.at[1, pl.ds(g, 1)], dstv.at[pl.ds(slot, 1)], isem.at[slot]
                )

            @pl.when(g >= nreal)
            def _():
                pltpu.async_copy(
                    pad_hbm.at[1, pl.ds(g - nreal, 1)],
                    dstv.at[pl.ds(slot, 1)],
                    isem.at[slot],
                )

        def idx_wait(blk, slot):
            g = rb0 + blk

            @pl.when(g < nreal)
            def _():
                pltpu.make_async_copy(
                    ei_hbm.at[1, pl.ds(g, 1)], dstv.at[pl.ds(slot, 1)], isem.at[slot]
                ).wait()

            @pl.when(g >= nreal)
            def _():
                pltpu.make_async_copy(
                    pad_hbm.at[1, pl.ds(g - nreal, 1)],
                    dstv.at[pl.ds(slot, 1)],
                    isem.at[slot],
                ).wait()

        def sc_start(slot, sslot):
            pltpu.async_copy(onev, acc.at[dstv.at[slot]], ssem.at[sslot], add=True)

        def sc_wait(slot, sslot):
            pltpu.make_async_copy(
                onev, acc.at[dstv.at[slot]], ssem.at[sslot]
            ).wait()

        idx_start(0, 0)
        if nb > 1:
            idx_start(1, 1)
        idx_wait(0, 0)

        def body(blk, carry):
            cur = lax.rem(blk, 4)

            @pl.when(blk > 1)
            def _():
                sc_wait(lax.rem(blk + 2, 4), lax.rem(blk + 1, 3))

            @pl.when(blk + 1 < nb)
            def _():
                idx_wait(blk + 1, lax.rem(blk + 1, 4))

            sc_start(cur, lax.rem(blk, 3))

            @pl.when(blk + 2 < nb)
            def _():
                idx_start(blk + 2, lax.rem(blk + 2, 4))

            return carry

        lax.fori_loop(0, nb, body, 0)
        sc_wait(lax.rem(nb - 1, 4), lax.rem(nb - 1, 3))
        if nb > 1:
            sc_wait((nb - 2) % 4, (nb - 2) % 3)
        plsc.subcore_barrier()
        pltpu.sync_copy(acc.at[pl.ds(r0, npt)], out_hbm.at[c, pl.ds(r0, npt)])

    return k(ei, padb, ones_b, zeros_lf)


def _sc_aggregate(ei, padb, table, zeros_lf, npad, epad):
    nreal = ei.shape[1]
    nb = (epad // EB) // (NC * NS)
    npt = npad // NS
    nz = npt // LANE

    @functools.partial(
        pl.kernel,
        mesh=_mesh(),
        out_type=jax.ShapeDtypeStruct((NC, npad, 16), jnp.float32),
        compiler_params=pltpu.CompilerParams(use_tc_tiling_on_sc=False),
        scratch_types=[
            pltpu.VMEM((4, EB), jnp.int32),
            pltpu.VMEM((4, EB), jnp.int32),
            pltpu.VMEM((3, EB, 16), jnp.float32),
            pltpu.VMEM((LANE, 16), jnp.float32),
            pltpu.VMEM_SHARED((npad, 16), jnp.float32),
            pltpu.SemaphoreType.DMA((4,)),
            pltpu.SemaphoreType.DMA((4,)),
            pltpu.SemaphoreType.DMA((3,)),
        ],
    )
    def k(
        ei_hbm, pad_hbm, tab_hbm, zero_hbm, out_hbm,
        srcv, dstv, rows, zbuf, acc, gsem, isem, ssem,
    ):
        c = lax.axis_index("c")
        sid = lax.axis_index("s")
        wid = sid * NC + c
        pltpu.sync_copy(zero_hbm, zbuf)
        r0 = sid * npt

        def zc(j, carry):
            pltpu.sync_copy(zbuf, acc.at[pl.ds(r0 + j * LANE, LANE)])
            return carry

        lax.fori_loop(0, nz, zc, 0)
        plsc.subcore_barrier()
        rb0 = wid * nb

        def idx_start(blk, slot):
            g = rb0 + blk

            @pl.when(g < nreal)
            def _():
                pltpu.async_copy(
                    ei_hbm.at[0, pl.ds(g, 1)], srcv.at[pl.ds(slot, 1)], isem.at[slot]
                )
                pltpu.async_copy(
                    ei_hbm.at[1, pl.ds(g, 1)], dstv.at[pl.ds(slot, 1)], isem.at[slot]
                )

            @pl.when(g >= nreal)
            def _():
                pltpu.async_copy(
                    pad_hbm.at[0, pl.ds(g - nreal, 1)],
                    srcv.at[pl.ds(slot, 1)],
                    isem.at[slot],
                )
                pltpu.async_copy(
                    pad_hbm.at[1, pl.ds(g - nreal, 1)],
                    dstv.at[pl.ds(slot, 1)],
                    isem.at[slot],
                )

        def idx_wait(blk, slot):
            g = rb0 + blk

            @pl.when(g < nreal)
            def _():
                pltpu.make_async_copy(
                    ei_hbm.at[0, pl.ds(g, 1)], srcv.at[pl.ds(slot, 1)], isem.at[slot]
                ).wait()
                pltpu.make_async_copy(
                    ei_hbm.at[1, pl.ds(g, 1)], dstv.at[pl.ds(slot, 1)], isem.at[slot]
                ).wait()

            @pl.when(g >= nreal)
            def _():
                pltpu.make_async_copy(
                    pad_hbm.at[0, pl.ds(g - nreal, 1)],
                    srcv.at[pl.ds(slot, 1)],
                    isem.at[slot],
                ).wait()
                pltpu.make_async_copy(
                    pad_hbm.at[1, pl.ds(g - nreal, 1)],
                    dstv.at[pl.ds(slot, 1)],
                    isem.at[slot],
                ).wait()

        def gather_start(islot, rslot):
            pltpu.async_copy(tab_hbm.at[srcv.at[islot]], rows.at[rslot], gsem.at[islot])

        def gather_wait(islot, rslot):
            pltpu.make_async_copy(
                tab_hbm.at[srcv.at[islot]], rows.at[rslot], gsem.at[islot]
            ).wait()

        def sc_start(islot, rslot, sslot):
            pltpu.async_copy(
                rows.at[rslot], acc.at[dstv.at[islot]], ssem.at[sslot], add=True
            )

        def sc_wait(islot, rslot, sslot):
            pltpu.make_async_copy(
                rows.at[rslot], acc.at[dstv.at[islot]], ssem.at[sslot]
            ).wait()

        idx_start(0, 0)
        idx_wait(0, 0)
        gather_start(0, 0)
        if nb > 1:
            idx_start(1, 1)

        def body(blk, carry):
            i_cur = lax.rem(blk, 4)
            i_nxt = lax.rem(blk + 1, 4)
            r_cur = lax.rem(blk, 3)
            r_nxt = lax.rem(blk + 1, 3)

            @pl.when(blk > 1)
            def _():
                sc_wait(lax.rem(blk + 2, 4), r_nxt, lax.rem(blk + 1, 3))

            @pl.when(blk + 1 < nb)
            def _():
                idx_wait(blk + 1, i_nxt)
                gather_start(i_nxt, r_nxt)

            gather_wait(i_cur, r_cur)
            sc_start(i_cur, r_cur, r_cur)

            @pl.when(blk + 2 < nb)
            def _():
                idx_start(blk + 2, lax.rem(blk + 2, 4))

            return carry

        lax.fori_loop(0, nb, body, 0)
        sc_wait(lax.rem(nb - 1, 4), lax.rem(nb - 1, 3), lax.rem(nb - 1, 3))
        if nb > 1:
            sc_wait((nb - 2) % 4, (nb - 2) % 3, (nb - 2) % 3)
        plsc.subcore_barrier()
        pltpu.sync_copy(acc.at[pl.ds(r0, npt)], out_hbm.at[c, pl.ds(r0, npt)])

    return k(ei, padb, table, zeros_lf)


def _tc_xw(xp, bdw1, npad):
    npk = npad // PK
    grid = npk // BNP

    def body(x_ref, w_ref, o_ref):
        o_ref[...] = jnp.dot(
            x_ref[...], w_ref[...], preferred_element_type=jnp.float32
        )

    return pl.pallas_call(
        body,
        grid=(grid,),
        in_specs=[
            pl.BlockSpec((BNP, PK * 4), lambda i: (i, 0)),
            pl.BlockSpec((PK * 4, LW), lambda i: (0, 0)),
        ],
        out_specs=pl.BlockSpec((BNP, LW), lambda i: (i, 0)),
        out_shape=jax.ShapeDtypeStruct((npk, LW), jnp.float32),
    )(xp, bdw1)


def _tc_stage_a(dpp, xwp, npad):
    npk = npad // PK
    grid = npk // BNP

    def body(dp_ref, xw_ref, s_ref, t_ref):
        s = lax.rsqrt(dp_ref[0] + dp_ref[1] + 1.0)
        s_ref[...] = s
        t_ref[...] = xw_ref[...] * s

    return pl.pallas_call(
        body,
        grid=(grid,),
        in_specs=[
            pl.BlockSpec((NC, BNP, LANE), lambda i: (0, i, 0)),
            pl.BlockSpec((BNP, LW), lambda i: (i, 0)),
        ],
        out_specs=[
            pl.BlockSpec((BNP, LW), lambda i: (i, 0)),
            pl.BlockSpec((BNP, LW), lambda i: (i, 0)),
        ],
        out_shape=[
            jax.ShapeDtypeStruct((npk, LW), jnp.float32),
            jax.ShapeDtypeStruct((npk, LW), jnp.float32),
        ],
    )(dpp, xwp)


def _tc_stage_b(g1p, t1p, sp, bdw2, b1t, npad):
    npk = npad // PK
    grid = npk // BNP

    def body(g_ref, t_ref, s_ref, w_ref, b_ref, t2_ref):
        s = s_ref[...]
        h1 = jnp.maximum(s * (g_ref[0] + g_ref[1] + t_ref[...]) + b_ref[...], 0.0)
        hw = jnp.dot(h1, w_ref[...], preferred_element_type=jnp.float32)
        t2_ref[...] = hw * s

    return pl.pallas_call(
        body,
        grid=(grid,),
        in_specs=[
            pl.BlockSpec((NC, BNP, LW), lambda i: (0, i, 0)),
            pl.BlockSpec((BNP, LW), lambda i: (i, 0)),
            pl.BlockSpec((BNP, LW), lambda i: (i, 0)),
            pl.BlockSpec((LW, LW), lambda i: (0, 0)),
            pl.BlockSpec((1, LW), lambda i: (0, 0)),
        ],
        out_specs=pl.BlockSpec((BNP, LW), lambda i: (i, 0)),
        out_shape=jax.ShapeDtypeStruct((npk, LW), jnp.float32),
    )(g1p, t1p, sp, bdw2, b1t)


def _tc_stage_c(g2p, t2p, sp, b2t, batch2d, fc1_w, fc1_br, fc2_w, fc2_br, npad):
    npk = npad // PK
    grid = npk // BNP

    def body(g_ref, t_ref, s_ref, b_ref, bt_ref, f1w, f1b, f2w, f2b, out_ref, pooled):
        i = pl.program_id(0)

        @pl.when(i == 0)
        def _init():
            pooled[...] = jnp.zeros_like(pooled)

        h2 = jnp.maximum(
            s_ref[...] * (g_ref[0] + g_ref[1] + t_ref[...]) + b_ref[...], 0.0
        )
        iota = lax.broadcasted_iota(jnp.int32, (BNP, G_OUT), 1)
        acc = jnp.zeros((G_OUT, 16), jnp.float32)
        for kk in range(PK):
            oh = (bt_ref[:, kk : kk + 1] == iota).astype(jnp.float32)
            acc += lax.dot_general(
                oh,
                h2[:, kk * 16 : (kk + 1) * 16],
                (((0,), (0,)), ((), ())),
                preferred_element_type=jnp.float32,
            )
        pooled[...] += acc

        @pl.when(i == pl.num_programs(0) - 1)
        def _final():
            p = jnp.maximum(
                jnp.dot(pooled[...], f1w[...], preferred_element_type=jnp.float32)
                + f1b[...],
                0.0,
            )
            out_ref[...] = (
                jnp.dot(p, f2w[...], preferred_element_type=jnp.float32) + f2b[...]
            )

    return pl.pallas_call(
        body,
        grid=(grid,),
        in_specs=[
            pl.BlockSpec((NC, BNP, LW), lambda i: (0, i, 0)),
            pl.BlockSpec((BNP, LW), lambda i: (i, 0)),
            pl.BlockSpec((BNP, LW), lambda i: (i, 0)),
            pl.BlockSpec((1, LW), lambda i: (0, 0)),
            pl.BlockSpec((BNP, PK), lambda i: (i, 0)),
            pl.BlockSpec((16, 16), lambda i: (0, 0)),
            pl.BlockSpec((1, 16), lambda i: (0, 0)),
            pl.BlockSpec((16, 1), lambda i: (0, 0)),
            pl.BlockSpec((1, 1), lambda i: (0, 0)),
        ],
        out_specs=pl.BlockSpec((G_OUT, 1), lambda i: (0, 0)),
        out_shape=jax.ShapeDtypeStruct((G_OUT, 1), jnp.float32),
        scratch_shapes=[pltpu.VMEM((G_OUT, 16), jnp.float32)],
    )(g2p, t2p, sp, b2t, batch2d, fc1_w, fc1_br, fc2_w, fc2_br)


def kernel(x, edge_index, batch, W1, b1, W2, b2, fc1_w, fc1_b, fc2_w, fc2_b):
    N, F_IN = x.shape
    E = edge_index.shape[1]
    epad, npad = _sizes(E, N)
    pad = epad - E
    npk = npad // PK

    ei_a = edge_index.reshape(2, E // EB, EB)
    ei_d = edge_index.reshape(2, E // EBD, EBD)
    pad_i = jnp.arange(pad, dtype=jnp.int32)
    padb = jnp.stack([pad_i % N, N + pad_i % (npad - N)])
    pad_a = padb.reshape(2, pad // EB, EB)
    pad_d = padb.reshape(2, pad // EBD, EBD)

    xp = jnp.concatenate([x, jnp.zeros((npad - N, F_IN), x.dtype)]).reshape(
        npk, PK * F_IN
    )
    batch2d = jnp.concatenate(
        [batch, jnp.full((npad - N,), 2**30, jnp.int32)]
    ).reshape(npk, PK)
    ones_b = jnp.ones((EBD, 16), jnp.float32)
    zeros_lf = jnp.zeros((LANE, 16), jnp.float32)

    eye = jnp.eye(PK, dtype=jnp.float32)
    bdw1 = jnp.kron(eye, W1)
    bdw2 = jnp.kron(eye, W2)
    b1t = jnp.tile(b1, PK).reshape(1, PK * 16)
    b2t = jnp.tile(b2, PK).reshape(1, PK * 16)

    xwp = _tc_xw(xp, bdw1, npad)
    dp = _sc_degree(ei_d, pad_d, ones_b, zeros_lf, npad, epad)
    dpp = dp.reshape(NC, npk, LANE)
    sp, t1p = _tc_stage_a(dpp, xwp, npad)
    g1 = _sc_aggregate(ei_a, pad_a, t1p.reshape(npad, 16), zeros_lf, npad, epad)
    t2p = _tc_stage_b(g1.reshape(NC, npk, LW), t1p, sp, bdw2, b1t, npad)
    g2 = _sc_aggregate(ei_a, pad_a, t2p.reshape(npad, 16), zeros_lf, npad, epad)
    return _tc_stage_c(
        g2.reshape(NC, npk, LW),
        t2p,
        sp,
        b2t,
        batch2d,
        fc1_w,
        fc1_b.reshape(1, 16),
        fc2_w,
        fc2_b.reshape(1, 1),
        npad,
    )

# --- scband reference (transcript-rebuilt; emitter-appended) ---
"""Pipeline reference for scband-net-66829691126192 (READ-ONLY COPY).

The authoritative reference and input builder live on the scoring server;
editing this copy changes nothing except your own understanding.
"""

import jax, jax.numpy as jnp
import numpy as np

N = 100000
E = 3200000
F_IN = 4
H = 16
G = 128


def setup_inputs(seed: int = 0):
    key = jax.random.key(seed)
    ks = jax.random.split(key, 12)
    x = jax.random.normal(ks[0], (N, F_IN), dtype=jnp.float32)
    edge_index = jax.random.randint(ks[1], (2, E), 0, N, dtype=jnp.int32)
    batch = jnp.sort(jax.random.randint(ks[2], (N,), 0, G, dtype=jnp.int32))
    W1 = jax.random.normal(ks[3], (F_IN, H), dtype=jnp.float32) * (1.0 / np.sqrt(F_IN))
    b1 = jnp.zeros((H,), dtype=jnp.float32)
    W2 = jax.random.normal(ks[4], (H, H), dtype=jnp.float32) * (1.0 / np.sqrt(H))
    b2 = jnp.zeros((H,), dtype=jnp.float32)
    fc1_w = jax.random.normal(ks[5], (H, H), dtype=jnp.float32) * (1.0 / np.sqrt(H))
    fc1_b = jnp.zeros((H,), dtype=jnp.float32)
    fc2_w = jax.random.normal(ks[6], (H, 1), dtype=jnp.float32) * (1.0 / np.sqrt(H))
    fc2_b = jnp.zeros((1,), dtype=jnp.float32)
    return {"x": x, "edge_index": edge_index, "batch": batch,
            "W1": W1, "b1": b1, "W2": W2, "b2": b2,
            "fc1_w": fc1_w, "fc1_b": fc1_b, "fc2_w": fc2_w, "fc2_b": fc2_b}


def gcn_conv(x, edge_index, W, b, num_nodes):
    # PyG GCNConv: add self-loops, symmetric normalization, scatter-add aggregate
    loop = jnp.arange(num_nodes, dtype=edge_index.dtype)
    src = jnp.concatenate([edge_index[0], loop])
    dst = jnp.concatenate([edge_index[1], loop])
    deg = jnp.zeros((num_nodes,), dtype=jnp.float32).at[dst].add(1.0)
    deg_inv_sqrt = jnp.where(deg > 0, deg ** -0.5, 0.0)
    norm = deg_inv_sqrt[src] * deg_inv_sqrt[dst]
    h = x @ W
    msg = h[src] * norm[:, None]
    out = jnp.zeros((num_nodes, h.shape[1]), dtype=jnp.float32).at[dst].add(msg)
    return out + b


def reference(x, edge_index, batch, W1, b1, W2, b2, fc1_w, fc1_b, fc2_w, fc2_b):
    num_nodes = x.shape[0]
    h = jax.nn.relu(gcn_conv(x, edge_index, W1, b1, num_nodes))
    h = jax.nn.relu(gcn_conv(h, edge_index, W2, b2, num_nodes))
    pooled = jax.ops.segment_sum(h, batch, num_segments=G)
    out = jax.nn.relu(pooled @ fc1_w + fc1_b)
    out = out @ fc2_w + fc2_b
    return out

if __name__ == "__main__":
    import jax
    _d = setup_inputs()
    print(jax.jit(kernel)(*tuple(_d.values())))

</pallas_src>

<mosaic_0001>
#map = affine_map<(d0, d1) -> (0, 0, 0)>
#map1 = affine_map<(d0, d1) -> (0, 0)>
module attributes {stable_mosaic.version = 14 : i64} {
  func.func @k(%arg0: i32, %arg1: i32, %arg2: memref<2x6250x512xi32, #tpu.memory_space<hbm>>, %arg3: memref<2x22x512xi32, #tpu.memory_space<hbm>>, %arg4: memref<100352x16xf32, #tpu.memory_space<hbm>>, %arg5: memref<128x16xf32, #tpu.memory_space<hbm>>, %arg6: memref<2x100352x16xf32, #tpu.memory_space<hbm>>, %arg7: memref<4x512xi32, #tpu.memory_space<vmem>>, %arg8: memref<4x512xi32, #tpu.memory_space<vmem>>, %arg9: memref<3x512x16xf32, #tpu.memory_space<vmem>>, %arg10: memref<128x16xf32, #tpu.memory_space<vmem>>, %arg11: memref<100352x16xf32, #tpu.memory_space<vmem_shared>>, %arg12: memref<4x!tpu.dma_semaphore, #tpu.memory_space<semaphore_mem>>, %arg13: memref<4x!tpu.dma_semaphore, #tpu.memory_space<semaphore_mem>>, %arg14: memref<3x!tpu.dma_semaphore, #tpu.memory_space<semaphore_mem>>) attributes {dimension_semantics = [#tpu.dimension_semantics<core_parallel>, #tpu.dimension_semantics<subcore_parallel>], iteration_bounds = array<i64: 2, 16>, scalar_prefetch = 0 : i64, scratch_operands = 8 : i64, tpu.core_type = #tpu.core_type<sc_vector_subcore>, window_params = [{transform_indices = #map}, {transform_indices = #map}, {transform_indices = #map1}, {transform_indices = #map1}, {transform_indices = #map}]} {
    %mul3A = arith.constant 2 : i32
    %mul3A_0 = arith.muli %arg1, %mul3A : i32
    %add3A = arith.addi %mul3A_0, %arg0 : i32
    "tpu.region"() ({
      %run_scoped3A = tpu.sem_alloc : memref<!tpu.dma_semaphore, #tpu.memory_space<semaphore_mem>>
      tpu.enqueue_dma source(%arg5 : memref<128x16xf32, #tpu.memory_space<hbm>>) target(%arg10 : memref<128x16xf32, #tpu.memory_space<vmem>>) target_semaphore(%run_scoped3A : memref<!tpu.dma_semaphore, #tpu.memory_space<semaphore_mem>>)
      tpu.wait_dma2 semaphore(%run_scoped3A : memref<!tpu.dma_semaphore, #tpu.memory_space<semaphore_mem>>) src(%arg5 : memref<128x16xf32, #tpu.memory_space<hbm>>) dst(%arg10 : memref<128x16xf32, #tpu.memory_space<vmem>>)
      tpu.yield
    }) : () -> ()
    %mul3A_1 = arith.constant 6272 : i32
    %mul3A_2 = arith.muli %arg1, %mul3A_1 : i32
    %scan3A = arith.constant 0 : i32
    %scan3A_3 = arith.constant 0 : i32
    %scan3A_4 = arith.constant 49 : i32
    %scan3A_5 = arith.addi %scan3A_3, %scan3A_4 : i32
    %scan3A_6 = arith.constant 1 : i32
    scf.for %scan3A_97 = %scan3A_3 to %scan3A_5 step %scan3A_6  : i32 {
      %mul3A_98 = arith.constant 128 : i32
      %mul3A_99 = arith.muli %scan3A_97, %mul3A_98 : i32
      %add3A_100 = arith.addi %mul3A_2, %mul3A_99 : i32
      "tpu.region"() ({
        %run_scoped3A = tpu.sem_alloc : memref<!tpu.dma_semaphore, #tpu.memory_space<semaphore_mem>>
        %dma_start3A_101 = arith.constant 0 : i32
        %dma_start3A_102 = tpu.memref_slice %arg11[%add3A_100, %dma_start3A_101] : memref<100352x16xf32, #tpu.memory_space<vmem_shared>> -> memref<128x16xf32, #tpu.memory_space<vmem_shared>>
        %dma_start3A_103 = arith.constant 0 : i32
        %dma_start3A_104 = tpu.memref_slice %arg11[%add3A_100, %dma_start3A_103] : memref<100352x16xf32, #tpu.memory_space<vmem_shared>> -> memref<128x16xf32, #tpu.memory_space<vmem_shared>>
        tpu.enqueue_dma source(%arg10 : memref<128x16xf32, #tpu.memory_space<vmem>>) target(%dma_start3A_104 : memref<128x16xf32, #tpu.memory_space<vmem_shared>>) target_semaphore(%run_scoped3A : memref<!tpu.dma_semaphore, #tpu.memory_space<semaphore_mem>>)
        %dma_wait3A_105 = arith.constant 0 : i32
        %dma_wait3A_106 = tpu.memref_slice %arg11[%add3A_100, %dma_wait3A_105] : memref<100352x16xf32, #tpu.memory_space<vmem_shared>> -> memref<128x16xf32, #tpu.memory_space<vmem_shared>>
        %dma_wait3A_107 = arith.constant 0 : i32
        %dma_wait3A_108 = tpu.memref_slice %arg11[%add3A_100, %dma_wait3A_107] : memref<100352x16xf32, #tpu.memory_space<vmem_shared>> -> memref<128x16xf32, #tpu.memory_space<vmem_shared>>
        tpu.wait_dma2 semaphore(%run_scoped3A : memref<!tpu.dma_semaphore, #tpu.memory_space<semaphore_mem>>) src(%arg10 : memref<128x16xf32, #tpu.memory_space<vmem>>) dst(%dma_wait3A_108 : memref<128x16xf32, #tpu.memory_space<vmem_shared>>)
        tpu.yield
      }) : () -> ()
    }
    %scan3A_7 = arith.constant 49 : i32
    %barrier3A = arith.constant 0 : index
    tpu.barrier barrier_id(%barrier3A)
    %mul3A_8 = arith.constant 196 : i32
    %mul3A_9 = arith.muli %add3A, %mul3A_8 : i32
    %add3A_10 = arith.constant 0 : i32
    %add3A_11 = arith.addi %mul3A_9, %add3A_10 : i32
    %lt3A = arith.constant 6250 : i32
    %lt3A_12 = arith.cmpi slt, %add3A_11, %lt3A : i32
    %convert_element_type3A = arith.extui %lt3A_12 : i1 to i32
    %cond3A = arith.constant 0 : i32
    %cond3A_13 = arith.cmpi ne, %convert_element_type3A, %cond3A : i32
    scf.if %cond3A_13 {
      %dma_start3A_97 = arith.constant 0 : i32
      %dma_start3A_98 = arith.constant 0 : i32
      %dma_start3A_99 = arith.constant 0 : i32
      %dma_start3A_100 = arith.constant 0 : i32
      %dma_start3A_101 = tpu.memref_slice %arg7[%dma_start3A_99, %dma_start3A_100] : memref<4x512xi32, #tpu.memory_space<vmem>> -> memref<1x512xi32, #tpu.memory_space<vmem>>
      %dma_start3A_102 = arith.constant 0 : i32
      %dma_start3A_103 = tpu.memref_slice %arg2[%dma_start3A_97, %add3A_11, %dma_start3A_102] : memref<2x6250x512xi32, #tpu.memory_space<hbm>> -> memref<1x1x512xi32, #tpu.memory_space<hbm>>
      %dma_start3A_104 = tpu.memref_squeeze %dma_start3A_103 : memref<1x1x512xi32, #tpu.memory_space<hbm>> -> memref<1x512xi32, #tpu.memory_space<hbm>>
      %dma_start3A_105 = tpu.memref_slice %arg13[%dma_start3A_98] : memref<4x!tpu.dma_semaphore, #tpu.memory_space<semaphore_mem>> -> memref<1x!tpu.dma_semaphore, #tpu.memory_space<semaphore_mem>>
      %dma_start3A_106 = tpu.memref_squeeze %dma_start3A_105 : memref<1x!tpu.dma_semaphore, #tpu.memory_space<semaphore_mem>> -> memref<!tpu.dma_semaphore, #tpu.memory_space<semaphore_mem>>
      %dma_start3A_107 = arith.constant 0 : i32
      %dma_start3A_108 = arith.constant 0 : i32
      %dma_start3A_109 = tpu.memref_slice %arg7[%dma_start3A_107, %dma_start3A_108] : memref<4x512xi32, #tpu.memory_space<vmem>> -> memref<1x512xi32, #tpu.memory_space<vmem>>
      %dma_start3A_110 = arith.constant 0 : i32
      %dma_start3A_111 = tpu.memref_slice %arg2[%dma_start3A_97, %add3A_11, %dma_start3A_110] : memref<2x6250x512xi32, #tpu.memory_space<hbm>> -> memref<1x1x512xi32, #tpu.memory_space<hbm>>
      %dma_start3A_112 = tpu.memref_squeeze %dma_start3A_111 : memref<1x1x512xi32, #tpu.memory_space<hbm>> -> memref<1x512xi32, #tpu.memory_space<hbm>>
      tpu.enqueue_dma source(%dma_start3A_112 : memref<1x512xi32, #tpu.memory_space<hbm>>) target(%dma_start3A_109 : memref<1x512xi32, #tpu.memory_space<vmem>>) target_semaphore(%dma_start3A_106 : memref<!tpu.dma_semaphore, #tpu.memory_space<semaphore_mem>>)
      %dma_start3A_113 = arith.constant 1 : i32
      %dma_start3A_114 = arith.constant 0 : i32
      %dma_start3A_115 = arith.constant 0 : i32
      %dma_start3A_116 = arith.constant 0 : i32
      %dma_start3A_117 = tpu.memref_slice %arg8[%dma_start3A_115, %dma_start3A_116] : memref<4x512xi32, #tpu.memory_space<vmem>> -> memref<1x512xi32, #tpu.memory_space<vmem>>
      %dma_start3A_118 = arith.constant 0 : i32
      %dma_start3A_119 = tpu.memref_slice %arg2[%dma_start3A_113, %add3A_11, %dma_start3A_118] : memref<2x6250x512xi32, #tpu.memory_space<hbm>> -> memref<1x1x512xi32, #tpu.memory_space<hbm>>
      %dma_start3A_120 = tpu.memref_squeeze %dma_start3A_119 : memref<1x1x512xi32, #tpu.memory_space<hbm>> -> memref<1x512xi32, #tpu.memory_space<hbm>>
      %dma_start3A_121 = tpu.memref_slice %arg13[%dma_start3A_114] : memref<4x!tpu.dma_semaphore, #tpu.memory_space<semaphore_mem>> -> memref<1x!tpu.dma_semaphore, #tpu.memory_space<semaphore_mem>>
      %dma_start3A_122 = tpu.memref_squeeze %dma_start3A_121 : memref<1x!tpu.dma_semaphore, #tpu.memory_space<semaphore_mem>> -> memref<!tpu.dma_semaphore, #tpu.memory_space<semaphore_mem>>
      %dma_start3A_123 = arith.constant 0 : i32
      %dma_start3A_124 = arith.constant 0 : i32
      %dma_start3A_125 = tpu.memref_slice %arg8[%dma_start3A_123, %dma_start3A_124] : memref<4x512xi32, #tpu.memory_space<vmem>> -> memref<1x512xi32, #tpu.memory_space<vmem>>
      %dma_start3A_126 = arith.constant 0 : i32
      %dma_start3A_127 = tpu.memref_slice %arg2[%dma_start3A_113, %add3A_11, %dma_start3A_126] : memref<2x6250x512xi32, #tpu.memory_space<hbm>> -> memref<1x1x512xi32, #tpu.memory_space<hbm>>
      %dma_start3A_128 = tpu.memref_squeeze %dma_start3A_127 : memref<1x1x512xi32, #tpu.memory_space<hbm>> -> memref<1x512xi32, #tpu.memory_space<hbm>>
      tpu.enqueue_dma source(%dma_start3A_128 : memref<1x512xi32, #tpu.memory_space<hbm>>) target(%dma_start3A_125 : memref<1x512xi32, #tpu.memory_space<vmem>>) target_semaphore(%dma_start3A_122 : memref<!tpu.dma_semaphore, #tpu.memory_space<semaphore_mem>>)
    } else {
    }
    %ge3A = arith.constant 6250 : i32
    %ge3A_14 = arith.cmpi sge, %add3A_11, %ge3A : i32
    %convert_element_type3A_15 = arith.extui %ge3A_14 : i1 to i32
    %cond3A_16 = arith.constant 0 : i32
    %cond3A_17 = arith.cmpi ne, %convert_element_type3A_15, %cond3A_16 : i32
    scf.if %cond3A_17 {
      %sub3A = arith.constant 6250 : i32
      %sub3A_97 = arith.subi %add3A_11, %sub3A : i32
      %dma_start3A_98 = arith.constant 0 : i32
      %dma_start3A_99 = arith.constant 0 : i32
      %dma_start3A_100 = arith.constant 0 : i32
      %dma_start3A_101 = arith.constant 0 : i32
      %dma_start3A_102 = tpu.memref_slice %arg7[%dma_start3A_100, %dma_start3A_101] : memref<4x512xi32, #tpu.memory_space<vmem>> -> memref<1x512xi32, #tpu.memory_space<vmem>>
      %dma_start3A_103 = arith.constant 0 : i32
      %dma_start3A_104 = tpu.memref_slice %arg3[%dma_start3A_98, %sub3A_97, %dma_start3A_103] : memref<2x22x512xi32, #tpu.memory_space<hbm>> -> memref<1x1x512xi32, #tpu.memory_space<hbm>>
      %dma_start3A_105 = tpu.memref_squeeze %dma_start3A_104 : memref<1x1x512xi32, #tpu.memory_space<hbm>> -> memref<1x512xi32, #tpu.memory_space<hbm>>
      %dma_start3A_106 = tpu.memref_slice %arg13[%dma_start3A_99] : memref<4x!tpu.dma_semaphore, #tpu.memory_space<semaphore_mem>> -> memref<1x!tpu.dma_semaphore, #tpu.memory_space<semaphore_mem>>
      %dma_start3A_107 = tpu.memref_squeeze %dma_start3A_106 : memref<1x!tpu.dma_semaphore, #tpu.memory_space<semaphore_mem>> -> memref<!tpu.dma_semaphore, #tpu.memory_space<semaphore_mem>>
      %dma_start3A_108 = arith.constant 0 : i32
      %dma_start3A_109 = arith.constant 0 : i32
      %dma_start3A_110 = tpu.memref_slice %arg7[%dma_start3A_108, %dma_start3A_109] : memref<4x512xi32, #tpu.memory_space<vmem>> -> memref<1x512xi32, #tpu.memory_space<vmem>>
      %dma_start3A_111 = arith.constant 0 : i32
      %dma_start3A_112 = tpu.memref_slice %arg3[%dma_start3A_98, %sub3A_97, %dma_start3A_111] : memref<2x22x512xi32, #tpu.memory_space<hbm>> -> memref<1x1x512xi32, #tpu.memory_space<hbm>>
      %dma_start3A_113 = tpu.memref_squeeze %dma_start3A_112 : memref<1x1x512xi32, #tpu.memory_space<hbm>> -> memref<1x512xi32, #tpu.memory_space<hbm>>
      tpu.enqueue_dma source(%dma_start3A_113 : memref<1x512xi32, #tpu.memory_space<hbm>>) target(%dma_start3A_110 : memref<1x512xi32, #tpu.memory_space<vmem>>) target_semaphore(%dma_start3A_107 : memref<!tpu.dma_semaphore, #tpu.memory_space<semaphore_mem>>)
      %sub3A_114 = arith.constant 6250 : i32
      %sub3A_115 = arith.subi %add3A_11, %sub3A_114 : i32
      %dma_start3A_116 = arith.constant 1 : i32
      %dma_start3A_117 = arith.constant 0 : i32
      %dma_start3A_118 = arith.constant 0 : i32
      %dma_start3A_119 = arith.constant 0 : i32
      %dma_start3A_120 = tpu.memref_slice %arg8[%dma_start3A_118, %dma_start3A_119] : memref<4x512xi32, #tpu.memory_space<vmem>> -> memref<1x512xi32, #tpu.memory_space<vmem>>
      %dma_start3A_121 = arith.constant 0 : i32
      %dma_start3A_122 = tpu.memref_slice %arg3[%dma_start3A_116, %sub3A_115, %dma_start3A_121] : memref<2x22x512xi32, #tpu.memory_space<hbm>> -> memref<1x1x512xi32, #tpu.memory_space<hbm>>
      %dma_start3A_123 = tpu.memref_squeeze %dma_start3A_122 : memref<1x1x512xi32, #tpu.memory_space<hbm>> -> memref<1x512xi32, #tpu.memory_space<hbm>>
      %dma_start3A_124 = tpu.memref_slice %arg13[%dma_start3A_117] : memref<4x!tpu.dma_semaphore, #tpu.memory_space<semaphore_mem>> -> memref<1x!tpu.dma_semaphore, #tpu.memory_space<semaphore_mem>>
      %dma_start3A_125 = tpu.memref_squeeze %dma_start3A_124 : memref<1x!tpu.dma_semaphore, #tpu.memory_space<semaphore_mem>> -> memref<!tpu.dma_semaphore, #tpu.memory_space<semaphore_mem>>
      %dma_start3A_126 = arith.constant 0 : i32
      %dma_start3A_127 = arith.constant 0 : i32
      %dma_start3A_128 = tpu.memref_slice %arg8[%dma_start3A_126, %dma_start3A_127] : memref<4x512xi32, #tpu.memory_space<vmem>> -> memref<1x512xi32, #tpu.memory_space<vmem>>
      %dma_start3A_129 = arith.constant 0 : i32
      %dma_start3A_130 = tpu.memref_slice %arg3[%dma_start3A_116, %sub3A_115, %dma_start3A_129] : memref<2x22x512xi32, #tpu.memory_space<hbm>> -> memref<1x1x512xi32, #tpu.memory_space<hbm>>
      %dma_start3A_131 = tpu.memref_squeeze %dma_start3A_130 : memref<1x1x512xi32, #tpu.memory_space<hbm>> -> memref<1x512xi32, #tpu.memory_space<hbm>>
      tpu.enqueue_dma source(%dma_start3A_131 : memref<1x512xi32, #tpu.memory_space<hbm>>) target(%dma_start3A_128 : memref<1x512xi32, #tpu.memory_space<vmem>>) target_semaphore(%dma_start3A_125 : memref<!tpu.dma_semaphore, #tpu.memory_space<semaphore_mem>>)
    } else {
    }
    %add3A_18 = arith.constant 0 : i32
    %add3A_19 = arith.addi %mul3A_9, %add3A_18 : i32
    %lt3A_20 = arith.constant 6250 : i32
    %lt3A_21 = arith.cmpi slt, %add3A_19, %lt3A_20 : i32
    %convert_element_type3A_22 = arith.extui %lt3A_21 : i1 to i32
    %cond3A_23 = arith.constant 0 : i32
    %cond3A_24 = arith.cmpi ne, %convert_element_type3A_22, %cond3A_23 : i32
    scf.if %cond3A_24 {
      %dma_wait3A_97 = arith.constant 0 : i32
      %dma_wait3A_98 = arith.constant 0 : i32
      %dma_wait3A_99 = arith.constant 0 : i32
      %dma_wait3A_100 = arith.constant 0 : i32
      %dma_wait3A_101 = tpu.memref_slice %arg7[%dma_wait3A_99, %dma_wait3A_100] : memref<4x512xi32, #tpu.memory_space<vmem>> -> memref<1x512xi32, #tpu.memory_space<vmem>>
      %dma_wait3A_102 = arith.constant 0 : i32
      %dma_wait3A_103 = tpu.memref_slice %arg2[%dma_wait3A_97, %add3A_19, %dma_wait3A_102] : memref<2x6250x512xi32, #tpu.memory_space<hbm>> -> memref<1x1x512xi32, #tpu.memory_space<hbm>>
      %dma_wait3A_104 = tpu.memref_squeeze %dma_wait3A_103 : memref<1x1x512xi32, #tpu.memory_space<hbm>> -> memref<1x512xi32, #tpu.memory_space<hbm>>
      %dma_wait3A_105 = tpu.memref_slice %arg13[%dma_wait3A_98] : memref<4x!tpu.dma_semaphore, #tpu.memory_space<semaphore_mem>> -> memref<1x!tpu.dma_semaphore, #tpu.memory_space<semaphore_mem>>
      %dma_wait3A_106 = tpu.memref_squeeze %dma_wait3A_105 : memref<1x!tpu.dma_semaphore, #tpu.memory_space<semaphore_mem>> -> memref<!tpu.dma_semaphore, #tpu.memory_space<semaphore_mem>>
      %dma_wait3A_107 = arith.constant 0 : i32
      %dma_wait3A_108 = arith.constant 0 : i32
      %dma_wait3A_109 = tpu.memref_slice %arg7[%dma_wait3A_107, %dma_wait3A_108] : memref<4x512xi32, #tpu.memory_space<vmem>> -> memref<1x512xi32, #tpu.memory_space<vmem>>
      %dma_wait3A_110 = arith.constant 0 : i32
      %dma_wait3A_111 = tpu.memref_slice %arg2[%dma_wait3A_97, %add3A_19, %dma_wait3A_110] : memref<2x6250x512xi32, #tpu.memory_space<hbm>> -> memref<1x1x512xi32, #tpu.memory_space<hbm>>
      %dma_wait3A_112 = tpu.memref_squeeze %dma_wait3A_111 : memref<1x1x512xi32, #tpu.memory_space<hbm>> -> memref<1x512xi32, #tpu.memory_space<hbm>>
      tpu.wait_dma2 semaphore(%dma_wait3A_106 : memref<!tpu.dma_semaphore, #tpu.memory_space<semaphore_mem>>) src(%dma_wait3A_112 : memref<1x512xi32, #tpu.memory_space<hbm>>) dst(%dma_wait3A_109 : memref<1x512xi32, #tpu.memory_space<vmem>>)
      %dma_wait3A_113 = arith.constant 1 : i32
      %dma_wait3A_114 = arith.constant 0 : i32
      %dma_wait3A_115 = arith.constant 0 : i32
      %dma_wait3A_116 = arith.constant 0 : i32
      %dma_wait3A_117 = tpu.memref_slice %arg8[%dma_wait3A_115, %dma_wait3A_116] : memref<4x512xi32, #tpu.memory_space<vmem>> -> memref<1x512xi32, #tpu.memory_space<vmem>>
      %dma_wait3A_118 = arith.constant 0 : i32
      %dma_wait3A_119 = tpu.memref_slice %arg2[%dma_wait3A_113, %add3A_19, %dma_wait3A_118] : memref<2x6250x512xi32, #tpu.memory_space<hbm>> -> memref<1x1x512xi32, #tpu.memory_space<hbm>>
      %dma_wait3A_120 = tpu.memref_squeeze %dma_wait3A_119 : memref<1x1x512xi32, #tpu.memory_space<hbm>> -> memref<1x512xi32, #tpu.memory_space<hbm>>
      %dma_wait3A_121 = tpu.memref_slice %arg13[%dma_wait3A_114] : memref<4x!tpu.dma_semaphore, #tpu.memory_space<semaphore_mem>> -> memref<1x!tpu.dma_semaphore, #tpu.memory_space<semaphore_mem>>
      %dma_wait3A_122 = tpu.memref_squeeze %dma_wait3A_121 : memref<1x!tpu.dma_semaphore, #tpu.memory_space<semaphore_mem>> -> memref<!tpu.dma_semaphore, #tpu.memory_space<semaphore_mem>>
      %dma_wait3A_123 = arith.constant 0 : i32
      %dma_wait3A_124 = arith.constant 0 : i32
      %dma_wait3A_125 = tpu.memref_slice %arg8[%dma_wait3A_123, %dma_wait3A_124] : memref<4x512xi32, #tpu.memory_space<vmem>> -> memref<1x512xi32, #tpu.memory_space<vmem>>
      %dma_wait3A_126 = arith.constant 0 : i32
      %dma_wait3A_127 = tpu.memref_slice %arg2[%dma_wait3A_113, %add3A_19, %dma_wait3A_126] : memref<2x6250x512xi32, #tpu.memory_space<hbm>> -> memref<1x1x512xi32, #tpu.memory_space<hbm>>
      %dma_wait3A_128 = tpu.memref_squeeze %dma_wait3A_127 : memref<1x1x512xi32, #tpu.memory_space<hbm>> -> memref<1x512xi32, #tpu.memory_space<hbm>>
      tpu.wait_dma2 semaphore(%dma_wait3A_122 : memref<!tpu.dma_semaphore, #tpu.memory_space<semaphore_mem>>) src(%dma_wait3A_128 : memref<1x512xi32, #tpu.memory_space<hbm>>) dst(%dma_wait3A_125 : memref<1x512xi32, #tpu.memory_space<vmem>>)
    } else {
    }
    %ge3A_25 = arith.constant 6250 : i32
    %ge3A_26 = arith.cmpi sge, %add3A_19, %ge3A_25 : i32
    %convert_element_type3A_27 = arith.extui %ge3A_26 : i1 to i32
    %cond3A_28 = arith.constant 0 : i32
    %cond3A_29 = arith.cmpi ne, %convert_element_type3A_27, %cond3A_28 : i32
    scf.if %cond3A_29 {
      %sub3A = arith.constant 6250 : i32
      %sub3A_97 = arith.subi %add3A_19, %sub3A : i32
      %dma_wait3A_98 = arith.constant 0 : i32
      %dma_wait3A_99 = arith.constant 0 : i32
      %dma_wait3A_100 = arith.constant 0 : i32
      %dma_wait3A_101 = arith.constant 0 : i32
      %dma_wait3A_102 = tpu.memref_slice %arg7[%dma_wait3A_100, %dma_wait3A_101] : memref<4x512xi32, #tpu.memory_space<vmem>> -> memref<1x512xi32, #tpu.memory_space<vmem>>
      %dma_wait3A_103 = arith.constant 0 : i32
      %dma_wait3A_104 = tpu.memref_slice %arg3[%dma_wait3A_98, %sub3A_97, %dma_wait3A_103] : memref<2x22x512xi32, #tpu.memory_space<hbm>> -> memref<1x1x512xi32, #tpu.memory_space<hbm>>
      %dma_wait3A_105 = tpu.memref_squeeze %dma_wait3A_104 : memref<1x1x512xi32, #tpu.memory_space<hbm>> -> memref<1x512xi32, #tpu.memory_space<hbm>>
      %dma_wait3A_106 = tpu.memref_slice %arg13[%dma_wait3A_99] : memref<4x!tpu.dma_semaphore, #tpu.memory_space<semaphore_mem>> -> memref<1x!tpu.dma_semaphore, #tpu.memory_space<semaphore_mem>>
      %dma_wait3A_107 = tpu.memref_squeeze %dma_wait3A_106 : memref<1x!tpu.dma_semaphore, #tpu.memory_space<semaphore_mem>> -> memref<!tpu.dma_semaphore, #tpu.memory_space<semaphore_mem>>
      %dma_wait3A_108 = arith.constant 0 : i32
      %dma_wait3A_109 = arith.constant 0 : i32
      %dma_wait3A_110 = tpu.memref_slice %arg7[%dma_wait3A_108, %dma_wait3A_109] : memref<4x512xi32, #tpu.memory_space<vmem>> -> memref<1x512xi32, #tpu.memory_space<vmem>>
      %dma_wait3A_111 = arith.constant 0 : i32
      %dma_wait3A_112 = tpu.memref_slice %arg3[%dma_wait3A_98, %sub3A_97, %dma_wait3A_111] : memref<2x22x512xi32, #tpu.memory_space<hbm>> -> memref<1x1x512xi32, #tpu.memory_space<hbm>>
      %dma_wait3A_113 = tpu.memref_squeeze %dma_wait3A_112 : memref<1x1x512xi32, #tpu.memory_space<hbm>> -> memref<1x512xi32, #tpu.memory_space<hbm>>
      tpu.wait_dma2 semaphore(%dma_wait3A_107 : memref<!tpu.dma_semaphore, #tpu.memory_space<semaphore_mem>>) src(%dma_wait3A_113 : memref<1x512xi32, #tpu.memory_space<hbm>>) dst(%dma_wait3A_110 : memref<1x512xi32, #tpu.memory_space<vmem>>)
      %sub3A_114 = arith.constant 6250 : i32
      %sub3A_115 = arith.subi %add3A_19, %sub3A_114 : i32
      %dma_wait3A_116 = arith.constant 1 : i32
      %dma_wait3A_117 = arith.constant 0 : i32
      %dma_wait3A_118 = arith.constant 0 : i32
      %dma_wait3A_119 = arith.constant 0 : i32
      %dma_wait3A_120 = tpu.memref_slice %arg8[%dma_wait3A_118, %dma_wait3A_119] : memref<4x512xi32, #tpu.memory_space<vmem>> -> memref<1x512xi32, #tpu.memory_space<vmem>>
      %dma_wait3A_121 = arith.constant 0 : i32
      %dma_wait3A_122 = tpu.memref_slice %arg3[%dma_wait3A_116, %sub3A_115, %dma_wait3A_121] : memref<2x22x512xi32, #tpu.memory_space<hbm>> -> memref<1x1x512xi32, #tpu.memory_space<hbm>>
      %dma_wait3A_123 = tpu.memref_squeeze %dma_wait3A_122 : memref<1x1x512xi32, #tpu.memory_space<hbm>> -> memref<1x512xi32, #tpu.memory_space<hbm>>
      %dma_wait3A_124 = tpu.memref_slice %arg13[%dma_wait3A_117] : memref<4x!tpu.dma_semaphore, #tpu.memory_space<semaphore_mem>> -> memref<1x!tpu.dma_semaphore, #tpu.memory_space<semaphore_mem>>
      %dma_wait3A_125 = tpu.memref_squeeze %dma_wait3A_124 : memref<1x!tpu.dma_semaphore, #tpu.memory_space<semaphore_mem>> -> memref<!tpu.dma_semaphore, #tpu.memory_space<semaphore_mem>>
      %dma_wait3A_126 = arith.constant 0 : i32
      %dma_wait3A_127 = arith.constant 0 : i32
      %dma_wait3A_128 = tpu.memref_slice %arg8[%dma_wait3A_126, %dma_wait3A_127] : memref<4x512xi32, #tpu.memory_space<vmem>> -> memref<1x512xi32, #tpu.memory_space<vmem>>
      %dma_wait3A_129 = arith.constant 0 : i32
      %dma_wait3A_130 = tpu.memref_slice %arg3[%dma_wait3A_116, %sub3A_115, %dma_wait3A_129] : memref<2x22x512xi32, #tpu.memory_space<hbm>> -> memref<1x1x512xi32, #tpu.memory_space<hbm>>
      %dma_wait3A_131 = tpu.memref_squeeze %dma_wait3A_130 : memref<1x1x512xi32, #tpu.memory_space<hbm>> -> memref<1x512xi32, #tpu.memory_space<hbm>>
      tpu.wait_dma2 semaphore(%dma_wait3A_125 : memref<!tpu.dma_semaphore, #tpu.memory_space<semaphore_mem>>) src(%dma_wait3A_131 : memref<1x512xi32, #tpu.memory_space<hbm>>) dst(%dma_wait3A_128 : memref<1x512xi32, #tpu.memory_space<vmem>>)
    } else {
    }
    %dma_start3A = arith.constant 0 : i32
    %dma_start3A_30 = arith.constant 0 : i32
    %dma_start3A_31 = arith.constant 0 : i32
    %dma_start3A_32 = arith.constant 0 : i32
    %dma_start3A_33 = arith.constant 0 : i32
    %dma_start3A_34 = tpu.memref_slice %arg9[%dma_start3A_30, %dma_start3A_32, %dma_start3A_33] : memref<3x512x16xf32, #tpu.memory_space<vmem>> -> memref<1x512x16xf32, #tpu.memory_space<vmem>>
    %dma_start3A_35 = tpu.memref_squeeze %dma_start3A_34 : memref<1x512x16xf32, #tpu.memory_space<vmem>> -> memref<512x16xf32, #tpu.memory_space<vmem>>
    %dma_start3A_36 = arith.constant 0 : i32
    %dma_start3A_37 = tpu.memref_slice %arg7[%dma_start3A, %dma_start3A_36] : memref<4x512xi32, #tpu.memory_space<vmem>> -> memref<1x512xi32, #tpu.memory_space<vmem>>
    %dma_start3A_38 = tpu.memref_squeeze %dma_start3A_37 : memref<1x512xi32, #tpu.memory_space<vmem>> -> memref<512xi32, #tpu.memory_space<vmem>>
    %dma_start3A_39 = arith.constant 0 : i32
    %dma_start3A_40 = arith.constant 0 : i32
    %dma_start3A_41 = tpu.memref_slice %arg4[%dma_start3A_39, %dma_start3A_40] : memref<100352x16xf32, #tpu.memory_space<hbm>> -> memref<100352x16xf32, #tpu.memory_space<hbm>>
    %dma_start3A_42 = tpu.memref_slice %arg12[%dma_start3A_31] : memref<4x!tpu.dma_semaphore, #tpu.memory_space<semaphore_mem>> -> memref<1x!tpu.dma_semaphore, #tpu.memory_space<semaphore_mem>>
    %dma_start3A_43 = tpu.memref_squeeze %dma_start3A_42 : memref<1x!tpu.dma_semaphore, #tpu.memory_space<semaphore_mem>> -> memref<!tpu.dma_semaphore, #tpu.memory_space<semaphore_mem>>
    tpu.enqueue_indirect_dma source(%dma_start3A_41 : memref<100352x16xf32, #tpu.memory_space<hbm>>) target(%dma_start3A_35 : memref<512x16xf32, #tpu.memory_space<vmem>>) offsets(%dma_start3A_38 : memref<512xi32, #tpu.memory_space<vmem>>) semaphore(%dma_start3A_43 : memref<!tpu.dma_semaphore, #tpu.memory_space<semaphore_mem>>)
    %add3A_44 = arith.constant 1 : i32
    %add3A_45 = arith.addi %mul3A_9, %add3A_44 : i32
    %lt3A_46 = arith.constant 6250 : i32
    %lt3A_47 = arith.cmpi slt, %add3A_45, %lt3A_46 : i32
    %convert_element_type3A_48 = arith.extui %lt3A_47 : i1 to i32
    %cond3A_49 = arith.constant 0 : i32
    %cond3A_50 = arith.cmpi ne, %convert_element_type3A_48, %cond3A_49 : i32
    scf.if %cond3A_50 {
      %dma_start3A_97 = arith.constant 0 : i32
      %dma_start3A_98 = arith.constant 1 : i32
      %dma_start3A_99 = arith.constant 1 : i32
      %dma_start3A_100 = arith.constant 0 : i32
      %dma_start3A_101 = tpu.memref_slice %arg7[%dma_start3A_99, %dma_start3A_100] : memref<4x512xi32, #tpu.memory_space<vmem>> -> memref<1x512xi32, #tpu.memory_space<vmem>>
      %dma_start3A_102 = arith.constant 0 : i32
      %dma_start3A_103 = tpu.memref_slice %arg2[%dma_start3A_97, %add3A_45, %dma_start3A_102] : memref<2x6250x512xi32, #tpu.memory_space<hbm>> -> memref<1x1x512xi32, #tpu.memory_space<hbm>>
      %dma_start3A_104 = tpu.memref_squeeze %dma_start3A_103 : memref<1x1x512xi32, #tpu.memory_space<hbm>> -> memref<1x512xi32, #tpu.memory_space<hbm>>
      %dma_start3A_105 = tpu.memref_slice %arg13[%dma_start3A_98] : memref<4x!tpu.dma_semaphore, #tpu.memory_space<semaphore_mem>> -> memref<1x!tpu.dma_semaphore, #tpu.memory_space<semaphore_mem>>
      %dma_start3A_106 = tpu.memref_squeeze %dma_start3A_105 : memref<1x!tpu.dma_semaphore, #tpu.memory_space<semaphore_mem>> -> memref<!tpu.dma_semaphore, #tpu.memory_space<semaphore_mem>>
      %dma_start3A_107 = arith.constant 1 : i32
      %dma_start3A_108 = arith.constant 0 : i32
      %dma_start3A_109 = tpu.memref_slice %arg7[%dma_start3A_107, %dma_start3A_108] : memref<4x512xi32, #tpu.memory_space<vmem>> -> memref<1x512xi32, #tpu.memory_space<vmem>>
      %dma_start3A_110 = arith.constant 0 : i32
      %dma_start3A_111 = tpu.memref_slice %arg2[%dma_start3A_97, %add3A_45, %dma_start3A_110] : memref<2x6250x512xi32, #tpu.memory_space<hbm>> -> memref<1x1x512xi32, #tpu.memory_space<hbm>>
      %dma_start3A_112 = tpu.memref_squeeze %dma_start3A_111 : memref<1x1x512xi32, #tpu.memory_space<hbm>> -> memref<1x512xi32, #tpu.memory_space<hbm>>
      tpu.enqueue_dma source(%dma_start3A_112 : memref<1x512xi32, #tpu.memory_space<hbm>>) target(%dma_start3A_109 : memref<1x512xi32, #tpu.memory_space<vmem>>) target_semaphore(%dma_start3A_106 : memref<!tpu.dma_semaphore, #tpu.memory_space<semaphore_mem>>)
      %dma_start3A_113 = arith.constant 1 : i32
      %dma_start3A_114 = arith.constant 1 : i32
      %dma_start3A_115 = arith.constant 1 : i32
      %dma_start3A_116 = arith.constant 0 : i32
      %dma_start3A_117 = tpu.memref_slice %arg8[%dma_start3A_115, %dma_start3A_116] : memref<4x512xi32, #tpu.memory_space<vmem>> -> memref<1x512xi32, #tpu.memory_space<vmem>>
      %dma_start3A_118 = arith.constant 0 : i32
      %dma_start3A_119 = tpu.memref_slice %arg2[%dma_start3A_113, %add3A_45, %dma_start3A_118] : memref<2x6250x512xi32, #tpu.memory_space<hbm>> -> memref<1x1x512xi32, #tpu.memory_space<hbm>>
      %dma_start3A_120 = tpu.memref_squeeze %dma_start3A_119 : memref<1x1x512xi32, #tpu.memory_space<hbm>> -> memref<1x512xi32, #tpu.memory_space<hbm>>
      %dma_start3A_121 = tpu.memref_slice %arg13[%dma_start3A_114] : memref<4x!tpu.dma_semaphore, #tpu.memory_space<semaphore_mem>> -> memref<1x!tpu.dma_semaphore, #tpu.memory_space<semaphore_mem>>
      %dma_start3A_122 = tpu.memref_squeeze %dma_start3A_121 : memref<1x!tpu.dma_semaphore, #tpu.memory_space<semaphore_mem>> -> memref<!tpu.dma_semaphore, #tpu.memory_space<semaphore_mem>>
      %dma_start3A_123 = arith.constant 1 : i32
      %dma_start3A_124 = arith.constant 0 : i32
      %dma_start3A_125 = tpu.memref_slice %arg8[%dma_start3A_123, %dma_start3A_124] : memref<4x512xi32, #tpu.memory_space<vmem>> -> memref<1x512xi32, #tpu.memory_space<vmem>>
      %dma_start3A_126 = arith.constant 0 : i32
      %dma_start3A_127 = tpu.memref_slice %arg2[%dma_start3A_113, %add3A_45, %dma_start3A_126] : memref<2x6250x512xi32, #tpu.memory_space<hbm>> -> memref<1x1x512xi32, #tpu.memory_space<hbm>>
      %dma_start3A_128 = tpu.memref_squeeze %dma_start3A_127 : memref<1x1x512xi32, #tpu.memory_space<hbm>> -> memref<1x512xi32, #tpu.memory_space<hbm>>
      tpu.enqueue_dma source(%dma_start3A_128 : memref<1x512xi32, #tpu.memory_space<hbm>>) target(%dma_start3A_125 : memref<1x512xi32, #tpu.memory_space<vmem>>) target_semaphore(%dma_start3A_122 : memref<!tpu.dma_semaphore, #tpu.memory_space<semaphore_mem>>)
    } else {
    }
    %ge3A_51 = arith.constant 6250 : i32
    %ge3A_52 = arith.cmpi sge, %add3A_45, %ge3A_51 : i32
    %convert_element_type3A_53 = arith.extui %ge3A_52 : i1 to i32
    %cond3A_54 = arith.constant 0 : i32
    %cond3A_55 = arith.cmpi ne, %convert_element_type3A_53, %cond3A_54 : i32
    scf.if %cond3A_55 {
      %sub3A = arith.constant 6250 : i32
      %sub3A_97 = arith.subi %add3A_45, %sub3A : i32
      %dma_start3A_98 = arith.constant 0 : i32
      %dma_start3A_99 = arith.constant 1 : i32
      %dma_start3A_100 = arith.constant 1 : i32
      %dma_start3A_101 = arith.constant 0 : i32
      %dma_start3A_102 = tpu.memref_slice %arg7[%dma_start3A_100, %dma_start3A_101] : memref<4x512xi32, #tpu.memory_space<vmem>> -> memref<1x512xi32, #tpu.memory_space<vmem>>
      %dma_start3A_103 = arith.constant 0 : i32
      %dma_start3A_104 = tpu.memref_slice %arg3[%dma_start3A_98, %sub3A_97, %dma_start3A_103] : memref<2x22x512xi32, #tpu.memory_space<hbm>> -> memref<1x1x512xi32, #tpu.memory_space<hbm>>
      %dma_start3A_105 = tpu.memref_squeeze %dma_start3A_104 : memref<1x1x512xi32, #tpu.memory_space<hbm>> -> memref<1x512xi32, #tpu.memory_space<hbm>>
      %dma_start3A_106 = tpu.memref_slice %arg13[%dma_start3A_99] : memref<4x!tpu.dma_semaphore, #tpu.memory_space<semaphore_mem>> -> memref<1x!tpu.dma_semaphore, #tpu.memory_space<semaphore_mem>>
      %dma_start3A_107 = tpu.memref_squeeze %dma_start3A_106 : memref<1x!tpu.dma_semaphore, #tpu.memory_space<semaphore_mem>> -> memref<!tpu.dma_semaphore, #tpu.memory_space<semaphore_mem>>
      %dma_start3A_108 = arith.constant 1 : i32
      %dma_start3A_109 = arith.constant 0 : i32
      %dma_start3A_110 = tpu.memref_slice %arg7[%dma_start3A_108, %dma_start3A_109] : memref<4x512xi32, #tpu.memory_space<vmem>> -> memref<1x512xi32, #tpu.memory_space<vmem>>
      %dma_start3A_111 = arith.constant 0 : i32
      %dma_start3A_112 = tpu.memref_slice %arg3[%dma_start3A_98, %sub3A_97, %dma_start3A_111] : memref<2x22x512xi32, #tpu.memory_space<hbm>> -> memref<1x1x512xi32, #tpu.memory_space<hbm>>
      %dma_start3A_113 = tpu.memref_squeeze %dma_start3A_112 : memref<1x1x512xi32, #tpu.memory_space<hbm>> -> memref<1x512xi32, #tpu.memory_space<hbm>>
      tpu.enqueue_dma source(%dma_start3A_113 : memref<1x512xi32, #tpu.memory_space<hbm>>) target(%dma_start3A_110 : memref<1x512xi32, #tpu.memory_space<vmem>>) target_semaphore(%dma_start3A_107 : memref<!tpu.dma_semaphore, #tpu.memory_space<semaphore_mem>>)
      %sub3A_114 = arith.constant 6250 : i32
      %sub3A_115 = arith.subi %add3A_45, %sub3A_114 : i32
      %dma_start3A_116 = arith.constant 1 : i32
      %dma_start3A_117 = arith.constant 1 : i32
      %dma_start3A_118 = arith.constant 1 : i32
      %dma_start3A_119 = arith.constant 0 : i32
      %dma_start3A_120 = tpu.memref_slice %arg8[%dma_start3A_118, %dma_start3A_119] : memref<4x512xi32, #tpu.memory_space<vmem>> -> memref<1x512xi32, #tpu.memory_space<vmem>>
      %dma_start3A_121 = arith.constant 0 : i32
      %dma_start3A_122 = tpu.memref_slice %arg3[%dma_start3A_116, %sub3A_115, %dma_start3A_121] : memref<2x22x512xi32, #tpu.memory_space<hbm>> -> memref<1x1x512xi32, #tpu.memory_space<hbm>>
      %dma_start3A_123 = tpu.memref_squeeze %dma_start3A_122 : memref<1x1x512xi32, #tpu.memory_space<hbm>> -> memref<1x512xi32, #tpu.memory_space<hbm>>
      %dma_start3A_124 = tpu.memref_slice %arg13[%dma_start3A_117] : memref<4x!tpu.dma_semaphore, #tpu.memory_space<semaphore_mem>> -> memref<1x!tpu.dma_semaphore, #tpu.memory_space<semaphore_mem>>
      %dma_start3A_125 = tpu.memref_squeeze %dma_start3A_124 : memref<1x!tpu.dma_semaphore, #tpu.memory_space<semaphore_mem>> -> memref<!tpu.dma_semaphore, #tpu.memory_space<semaphore_mem>>
      %dma_start3A_126 = arith.constant 1 : i32
      %dma_start3A_127 = arith.constant 0 : i32
      %dma_start3A_128 = tpu.memref_slice %arg8[%dma_start3A_126, %dma_start3A_127] : memref<4x512xi32, #tpu.memory_space<vmem>> -> memref<1x512xi32, #tpu.memory_space<vmem>>
      %dma_start3A_129 = arith.constant 0 : i32
      %dma_start3A_130 = tpu.memref_slice %arg3[%dma_start3A_116, %sub3A_115, %dma_start3A_129] : memref<2x22x512xi32, #tpu.memory_space<hbm>> -> memref<1x1x512xi32, #tpu.memory_space<hbm>>
      %dma_start3A_131 = tpu.memref_squeeze %dma_start3A_130 : memref<1x1x512xi32, #tpu.memory_space<hbm>> -> memref<1x512xi32, #tpu.memory_space<hbm>>
      tpu.enqueue_dma source(%dma_start3A_131 : memref<1x512xi32, #tpu.memory_space<hbm>>) target(%dma_start3A_128 : memref<1x512xi32, #tpu.memory_space<vmem>>) target_semaphore(%dma_start3A_125 : memref<!tpu.dma_semaphore, #tpu.memory_space<semaphore_mem>>)
    } else {
    }
    %scan3A_56 = arith.constant 0 : i32
    %scan3A_57 = arith.constant 0 : i32
    %scan3A_58 = arith.constant 196 : i32
    %scan3A_59 = arith.addi %scan3A_57, %scan3A_58 : i32
    %scan3A_60 = arith.constant 1 : i32
    scf.for %scan3A_97 = %scan3A_57 to %scan3A_59 step %scan3A_60  : i32 {
      %rem3A_98 = arith.constant 4 : i32
      %rem3A_99 = arith.remsi %scan3A_97, %rem3A_98 : i32
      %add3A_100 = arith.constant 1 : i32
      %add3A_101 = arith.addi %scan3A_97, %add3A_100 : i32
      %rem3A_102 = arith.constant 4 : i32
      %rem3A_103 = arith.remsi %add3A_101, %rem3A_102 : i32
      %rem3A_104 = arith.constant 3 : i32
      %rem3A_105 = arith.remsi %scan3A_97, %rem3A_104 : i32
      %add3A_106 = arith.constant 1 : i32
      %add3A_107 = arith.addi %scan3A_97, %add3A_106 : i32
      %rem3A_108 = arith.constant 3 : i32
      %rem3A_109 = arith.remsi %add3A_107, %rem3A_108 : i32
      %gt3A = arith.constant 1 : i32
      %gt3A_110 = arith.cmpi sgt, %scan3A_97, %gt3A : i32
      %convert_element_type3A_111 = arith.extui %gt3A_110 : i1 to i32
      %cond3A_112 = arith.constant 0 : i32
      %cond3A_113 = arith.cmpi ne, %convert_element_type3A_111, %cond3A_112 : i32
      scf.if %cond3A_113 {
        %add3A_152 = arith.constant 2 : i32
        %add3A_153 = arith.addi %scan3A_97, %add3A_152 : i32
        %rem3A_154 = arith.constant 4 : i32
        %rem3A_155 = arith.remsi %add3A_153, %rem3A_154 : i32
        %add3A_156 = arith.constant 1 : i32
        %add3A_157 = arith.addi %scan3A_97, %add3A_156 : i32
        %rem3A_158 = arith.constant 3 : i32
        %rem3A_159 = arith.remsi %add3A_157, %rem3A_158 : i32
        %dma_wait3A_160 = arith.constant 0 : i32
        %dma_wait3A_161 = arith.constant 0 : i32
        %dma_wait3A_162 = tpu.memref_slice %arg9[%rem3A_109, %dma_wait3A_160, %dma_wait3A_161] : memref<3x512x16xf32, #tpu.memory_space<vmem>> -> memref<1x512x16xf32, #tpu.memory_space<vmem>>
        %dma_wait3A_163 = tpu.memref_squeeze %dma_wait3A_162 : memref<1x512x16xf32, #tpu.memory_space<vmem>> -> memref<512x16xf32, #tpu.memory_space<vmem>>
        %dma_wait3A_164 = arith.constant 0 : i32
        %dma_wait3A_165 = tpu.memref_slice %arg8[%rem3A_155, %dma_wait3A_164] : memref<4x512xi32, #tpu.memory_space<vmem>> -> memref<1x512xi32, #tpu.memory_space<vmem>>
        %dma_wait3A_166 = tpu.memref_squeeze %dma_wait3A_165 : memref<1x512xi32, #tpu.memory_space<vmem>> -> memref<512xi32, #tpu.memory_space<vmem>>
        %dma_wait3A_167 = arith.constant 0 : i32
        %dma_wait3A_168 = arith.constant 0 : i32
        %dma_wait3A_169 = tpu.memref_slice %arg11[%dma_wait3A_167, %dma_wait3A_168] : memref<100352x16xf32, #tpu.memory_space<vmem_shared>> -> memref<100352x16xf32, #tpu.memory_space<vmem_shared>>
        %dma_wait3A_170 = tpu.memref_slice %arg14[%rem3A_159] : memref<3x!tpu.dma_semaphore, #tpu.memory_space<semaphore_mem>> -> memref<1x!tpu.dma_semaphore, #tpu.memory_space<semaphore_mem>>
        %dma_wait3A_171 = tpu.memref_squeeze %dma_wait3A_170 : memref<1x!tpu.dma_semaphore, #tpu.memory_space<semaphore_mem>> -> memref<!tpu.dma_semaphore, #tpu.memory_space<semaphore_mem>>
        tpu.wait_indirect_dma semaphore(%dma_wait3A_171 : memref<!tpu.dma_semaphore, #tpu.memory_space<semaphore_mem>>) src(%dma_wait3A_163 : memref<512x16xf32, #tpu.memory_space<vmem>>) dst(%dma_wait3A_169 : memref<100352x16xf32, #tpu.memory_space<vmem_shared>>)
      } else {
      }
      %add3A_114 = arith.constant 1 : i32
      %add3A_115 = arith.addi %scan3A_97, %add3A_114 : i32
      %lt3A_116 = arith.constant 196 : i32
      %lt3A_117 = arith.cmpi slt, %add3A_115, %lt3A_116 : i32
      %convert_element_type3A_118 = arith.extui %lt3A_117 : i1 to i32
      %cond3A_119 = arith.constant 0 : i32
      %cond3A_120 = arith.cmpi ne, %convert_element_type3A_118, %cond3A_119 : i32
      scf.if %cond3A_120 {
        %add3A_152 = arith.constant 1 : i32
        %add3A_153 = arith.addi %scan3A_97, %add3A_152 : i32
        %add3A_154 = arith.addi %mul3A_9, %add3A_153 : i32
        %lt3A_155 = arith.constant 6250 : i32
        %lt3A_156 = arith.cmpi slt, %add3A_154, %lt3A_155 : i32
        %convert_element_type3A_157 = arith.extui %lt3A_156 : i1 to i32
        %cond3A_158 = arith.constant 0 : i32
        %cond3A_159 = arith.cmpi ne, %convert_element_type3A_157, %cond3A_158 : i32
        scf.if %cond3A_159 {
          %dma_wait3A_177 = arith.constant 0 : i32
          %dma_wait3A_178 = arith.constant 0 : i32
          %dma_wait3A_179 = tpu.memref_slice %arg7[%rem3A_103, %dma_wait3A_178] : memref<4x512xi32, #tpu.memory_space<vmem>> -> memref<1x512xi32, #tpu.memory_space<vmem>>
          %dma_wait3A_180 = arith.constant 0 : i32
          %dma_wait3A_181 = tpu.memref_slice %arg2[%dma_wait3A_177, %add3A_154, %dma_wait3A_180] : memref<2x6250x512xi32, #tpu.memory_space<hbm>> -> memref<1x1x512xi32, #tpu.memory_space<hbm>>
          %dma_wait3A_182 = tpu.memref_squeeze %dma_wait3A_181 : memref<1x1x512xi32, #tpu.memory_space<hbm>> -> memref<1x512xi32, #tpu.memory_space<hbm>>
          %dma_wait3A_183 = tpu.memref_slice %arg13[%rem3A_103] : memref<4x!tpu.dma_semaphore, #tpu.memory_space<semaphore_mem>> -> memref<1x!tpu.dma_semaphore, #tpu.memory_space<semaphore_mem>>
          %dma_wait3A_184 = tpu.memref_squeeze %dma_wait3A_183 : memref<1x!tpu.dma_semaphore, #tpu.memory_space<semaphore_mem>> -> memref<!tpu.dma_semaphore, #tpu.memory_space<semaphore_mem>>
          %dma_wait3A_185 = arith.constant 0 : i32
          %dma_wait3A_186 = tpu.memref_slice %arg7[%rem3A_103, %dma_wait3A_185] : memref<4x512xi32, #tpu.memory_space<vmem>> -> memref<1x512xi32, #tpu.memory_space<vmem>>
          %dma_wait3A_187 = arith.constant 0 : i32
          %dma_wait3A_188 = tpu.memref_slice %arg2[%dma_wait3A_177, %add3A_154, %dma_wait3A_187] : memref<2x6250x512xi32, #tpu.memory_space<hbm>> -> memref<1x1x512xi32, #tpu.memory_space<hbm>>
          %dma_wait3A_189 = tpu.memref_squeeze %dma_wait3A_188 : memref<1x1x512xi32, #tpu.memory_space<hbm>> -> memref<1x512xi32, #tpu.memory_space<hbm>>
          tpu.wait_dma2 semaphore(%dma_wait3A_184 : memref<!tpu.dma_semaphore, #tpu.memory_space<semaphore_mem>>) src(%dma_wait3A_189 : memref<1x512xi32, #tpu.memory_space<hbm>>) dst(%dma_wait3A_186 : memref<1x512xi32, #tpu.memory_space<vmem>>)
          %dma_wait3A_190 = arith.constant 1 : i32
          %dma_wait3A_191 = arith.constant 0 : i32
          %dma_wait3A_192 = tpu.memref_slice %arg8[%rem3A_103, %dma_wait3A_191] : memref<4x512xi32, #tpu.memory_space<vmem>> -> memref<1x512xi32, #tpu.memory_space<vmem>>
          %dma_wait3A_193 = arith.constant 0 : i32
          %dma_wait3A_194 = tpu.memref_slice %arg2[%dma_wait3A_190, %add3A_154, %dma_wait3A_193] : memref<2x6250x512xi32, #tpu.memory_space<hbm>> -> memref<1x1x512xi32, #tpu.memory_space<hbm>>
          %dma_wait3A_195 = tpu.memref_squeeze %dma_wait3A_194 : memref<1x1x512xi32, #tpu.memory_space<hbm>> -> memref<1x512xi32, #tpu.memory_space<hbm>>
          %dma_wait3A_196 = tpu.memref_slice %arg13[%rem3A_103] : memref<4x!tpu.dma_semaphore, #tpu.memory_space<semaphore_mem>> -> memref<1x!tpu.dma_semaphore, #tpu.memory_space<semaphore_mem>>
          %dma_wait3A_197 = tpu.memref_squeeze %dma_wait3A_196 : memref<1x!tpu.dma_semaphore, #tpu.memory_space<semaphore_mem>> -> memref<!tpu.dma_semaphore, #tpu.memory_space<semaphore_mem>>
          %dma_wait3A_198 = arith.constant 0 : i32
          %dma_wait3A_199 = tpu.memref_slice %arg8[%rem3A_103, %dma_wait3A_198] : memref<4x512xi32, #tpu.memory_space<vmem>> -> memref<1x512xi32, #tpu.memory_space<vmem>>
          %dma_wait3A_200 = arith.constant 0 : i32
          %dma_wait3A_201 = tpu.memref_slice %arg2[%dma_wait3A_190, %add3A_154, %dma_wait3A_200] : memref<2x6250x512xi32, #tpu.memory_space<hbm>> -> memref<1x1x512xi32, #tpu.memory_space<hbm>>
          %dma_wait3A_202 = tpu.memref_squeeze %dma_wait3A_201 : memref<1x1x512xi32, #tpu.memory_space<hbm>> -> memref<1x512xi32, #tpu.memory_space<hbm>>
          tpu.wait_dma2 semaphore(%dma_wait3A_197 : memref<!tpu.dma_semaphore, #tpu.memory_space<semaphore_mem>>) src(%dma_wait3A_202 : memref<1x512xi32, #tpu.memory_space<hbm>>) dst(%dma_wait3A_199 : memref<1x512xi32, #tpu.memory_space<vmem>>)
        } else {
        }
        %ge3A_160 = arith.constant 6250 : i32
        %ge3A_161 = arith.cmpi sge, %add3A_154, %ge3A_160 : i32
        %convert_element_type3A_162 = arith.extui %ge3A_161 : i1 to i32
        %cond3A_163 = arith.constant 0 : i32
        %cond3A_164 = arith.cmpi ne, %convert_element_type3A_162, %cond3A_163 : i32
        scf.if %cond3A_164 {
          %sub3A = arith.constant 6250 : i32
          %sub3A_177 = arith.subi %add3A_154, %sub3A : i32
          %dma_wait3A_178 = arith.constant 0 : i32
          %dma_wait3A_179 = arith.constant 0 : i32
          %dma_wait3A_180 = tpu.memref_slice %arg7[%rem3A_103, %dma_wait3A_179] : memref<4x512xi32, #tpu.memory_space<vmem>> -> memref<1x512xi32, #tpu.memory_space<vmem>>
          %dma_wait3A_181 = arith.constant 0 : i32
          %dma_wait3A_182 = tpu.memref_slice %arg3[%dma_wait3A_178, %sub3A_177, %dma_wait3A_181] : memref<2x22x512xi32, #tpu.memory_space<hbm>> -> memref<1x1x512xi32, #tpu.memory_space<hbm>>
          %dma_wait3A_183 = tpu.memref_squeeze %dma_wait3A_182 : memref<1x1x512xi32, #tpu.memory_space<hbm>> -> memref<1x512xi32, #tpu.memory_space<hbm>>
          %dma_wait3A_184 = tpu.memref_slice %arg13[%rem3A_103] : memref<4x!tpu.dma_semaphore, #tpu.memory_space<semaphore_mem>> -> memref<1x!tpu.dma_semaphore, #tpu.memory_space<semaphore_mem>>
          %dma_wait3A_185 = tpu.memref_squeeze %dma_wait3A_184 : memref<1x!tpu.dma_semaphore, #tpu.memory_space<semaphore_mem>> -> memref<!tpu.dma_semaphore, #tpu.memory_space<semaphore_mem>>
          %dma_wait3A_186 = arith.constant 0 : i32
          %dma_wait3A_187 = tpu.memref_slice %arg7[%rem3A_103, %dma_wait3A_186] : memref<4x512xi32, #tpu.memory_space<vmem>> -> memref<1x512xi32, #tpu.memory_space<vmem>>
          %dma_wait3A_188 = arith.constant 0 : i32
          %dma_wait3A_189 = tpu.memref_slice %arg3[%dma_wait3A_178, %sub3A_177, %dma_wait3A_188] : memref<2x22x512xi32, #tpu.memory_space<hbm>> -> memref<1x1x512xi32, #tpu.memory_space<hbm>>
          %dma_wait3A_190 = tpu.memref_squeeze %dma_wait3A_189 : memref<1x1x512xi32, #tpu.memory_space<hbm>> -> memref<1x512xi32, #tpu.memory_space<hbm>>
          tpu.wait_dma2 semaphore(%dma_wait3A_185 : memref<!tpu.dma_semaphore, #tpu.memory_space<semaphore_mem>>) src(%dma_wait3A_190 : memref<1x512xi32, #tpu.memory_space<hbm>>) dst(%dma_wait3A_187 : memref<1x512xi32, #tpu.memory_space<vmem>>)
          %sub3A_191 = arith.constant 6250 : i32
          %sub3A_192 = arith.subi %add3A_154, %sub3A_191 : i32
          %dma_wait3A_193 = arith.constant 1 : i32
          %dma_wait3A_194 = arith.constant 0 : i32
          %dma_wait3A_195 = tpu.memref_slice %arg8[%rem3A_103, %dma_wait3A_194] : memref<4x512xi32, #tpu.memory_space<vmem>> -> memref<1x512xi32, #tpu.memory_space<vmem>>
          %dma_wait3A_196 = arith.constant 0 : i32
          %dma_wait3A_197 = tpu.memref_slice %arg3[%dma_wait3A_193, %sub3A_192, %dma_wait3A_196] : memref<2x22x512xi32, #tpu.memory_space<hbm>> -> memref<1x1x512xi32, #tpu.memory_space<hbm>>
          %dma_wait3A_198 = tpu.memref_squeeze %dma_wait3A_197 : memref<1x1x512xi32, #tpu.memory_space<hbm>> -> memref<1x512xi32, #tpu.memory_space<hbm>>
          %dma_wait3A_199 = tpu.memref_slice %arg13[%rem3A_103] : memref<4x!tpu.dma_semaphore, #tpu.memory_space<semaphore_mem>> -> memref<1x!tpu.dma_semaphore, #tpu.memory_space<semaphore_mem>>
          %dma_wait3A_200 = tpu.memref_squeeze %dma_wait3A_199 : memref<1x!tpu.dma_semaphore, #tpu.memory_space<semaphore_mem>> -> memref<!tpu.dma_semaphore, #tpu.memory_space<semaphore_mem>>
          %dma_wait3A_201 = arith.constant 0 : i32
          %dma_wait3A_202 = tpu.memref_slice %arg8[%rem3A_103, %dma_wait3A_201] : memref<4x512xi32, #tpu.memory_space<vmem>> -> memref<1x512xi32, #tpu.memory_space<vmem>>
          %dma_wait3A_203 = arith.constant 0 : i32
          %dma_wait3A_204 = tpu.memref_slice %arg3[%dma_wait3A_193, %sub3A_192, %dma_wait3A_203] : memref<2x22x512xi32, #tpu.memory_space<hbm>> -> memref<1x1x512xi32, #tpu.memory_space<hbm>>
          %dma_wait3A_205 = tpu.memref_squeeze %dma_wait3A_204 : memref<1x1x512xi32, #tpu.memory_space<hbm>> -> memref<1x512xi32, #tpu.memory_space<hbm>>
          tpu.wait_dma2 semaphore(%dma_wait3A_200 : memref<!tpu.dma_semaphore, #tpu.memory_space<semaphore_mem>>) src(%dma_wait3A_205 : memref<1x512xi32, #tpu.memory_space<hbm>>) dst(%dma_wait3A_202 : memref<1x512xi32, #tpu.memory_space<vmem>>)
        } else {
        }
        %dma_start3A_165 = arith.constant 0 : i32
        %dma_start3A_166 = arith.constant 0 : i32
        %dma_start3A_167 = tpu.memref_slice %arg9[%rem3A_109, %dma_start3A_165, %dma_start3A_166] : memref<3x512x16xf32, #tpu.memory_space<vmem>> -> memref<1x512x16xf32, #tpu.memory_space<vmem>>
        %dma_start3A_168 = tpu.memref_squeeze %dma_start3A_167 : memref<1x512x16xf32, #tpu.memory_space<vmem>> -> memref<512x16xf32, #tpu.memory_space<vmem>>
        %dma_start3A_169 = arith.constant 0 : i32
        %dma_start3A_170 = tpu.memref_slice %arg7[%rem3A_103, %dma_start3A_169] : memref<4x512xi32, #tpu.memory_space<vmem>> -> memref<1x512xi32, #tpu.memory_space<vmem>>
        %dma_start3A_171 = tpu.memref_squeeze %dma_start3A_170 : memref<1x512xi32, #tpu.memory_space<vmem>> -> memref<512xi32, #tpu.memory_space<vmem>>
        %dma_start3A_172 = arith.constant 0 : i32
        %dma_start3A_173 = arith.constant 0 : i32
        %dma_start3A_174 = tpu.memref_slice %arg4[%dma_start3A_172, %dma_start3A_173] : memref<100352x16xf32, #tpu.memory_space<hbm>> -> memref<100352x16xf32, #tpu.memory_space<hbm>>
        %dma_start3A_175 = tpu.memref_slice %arg12[%rem3A_103] : memref<4x!tpu.dma_semaphore, #tpu.memory_space<semaphore_mem>> -> memref<1x!tpu.dma_semaphore, #tpu.memory_space<semaphore_mem>>
        %dma_start3A_176 = tpu.memref_squeeze %dma_start3A_175 : memref<1x!tpu.dma_semaphore, #tpu.memory_space<semaphore_mem>> -> memref<!tpu.dma_semaphore, #tpu.memory_space<semaphore_mem>>
        tpu.enqueue_indirect_dma source(%dma_start3A_174 : memref<100352x16xf32, #tpu.memory_space<hbm>>) target(%dma_start3A_168 : memref<512x16xf32, #tpu.memory_space<vmem>>) offsets(%dma_start3A_171 : memref<512xi32, #tpu.memory_space<vmem>>) semaphore(%dma_start3A_176 : memref<!tpu.dma_semaphore, #tpu.memory_space<semaphore_mem>>)
      } else {
      }
      %dma_wait3A_121 = arith.constant 0 : i32
      %dma_wait3A_122 = arith.constant 0 : i32
      %dma_wait3A_123 = tpu.memref_slice %arg9[%rem3A_105, %dma_wait3A_121, %dma_wait3A_122] : memref<3x512x16xf32, #tpu.memory_space<vmem>> -> memref<1x512x16xf32, #tpu.memory_space<vmem>>
      %dma_wait3A_124 = tpu.memref_squeeze %dma_wait3A_123 : memref<1x512x16xf32, #tpu.memory_space<vmem>> -> memref<512x16xf32, #tpu.memory_space<vmem>>
      %dma_wait3A_125 = arith.constant 0 : i32
      %dma_wait3A_126 = tpu.memref_slice %arg7[%rem3A_99, %dma_wait3A_125] : memref<4x512xi32, #tpu.memory_space<vmem>> -> memref<1x512xi32, #tpu.memory_space<vmem>>
      %dma_wait3A_127 = tpu.memref_squeeze %dma_wait3A_126 : memref<1x512xi32, #tpu.memory_space<vmem>> -> memref<512xi32, #tpu.memory_space<vmem>>
      %dma_wait3A_128 = arith.constant 0 : i32
      %dma_wait3A_129 = arith.constant 0 : i32
      %dma_wait3A_130 = tpu.memref_slice %arg4[%dma_wait3A_128, %dma_wait3A_129] : memref<100352x16xf32, #tpu.memory_space<hbm>> -> memref<100352x16xf32, #tpu.memory_space<hbm>>
      %dma_wait3A_131 = tpu.memref_slice %arg12[%rem3A_99] : memref<4x!tpu.dma_semaphore, #tpu.memory_space<semaphore_mem>> -> memref<1x!tpu.dma_semaphore, #tpu.memory_space<semaphore_mem>>
      %dma_wait3A_132 = tpu.memref_squeeze %dma_wait3A_131 : memref<1x!tpu.dma_semaphore, #tpu.memory_space<semaphore_mem>> -> memref<!tpu.dma_semaphore, #tpu.memory_space<semaphore_mem>>
      tpu.wait_indirect_dma semaphore(%dma_wait3A_132 : memref<!tpu.dma_semaphore, #tpu.memory_space<semaphore_mem>>) src(%dma_wait3A_130 : memref<100352x16xf32, #tpu.memory_space<hbm>>) dst(%dma_wait3A_124 : memref<512x16xf32, #tpu.memory_space<vmem>>)
      %dma_start3A_133 = arith.constant 0 : i32
      %dma_start3A_134 = arith.constant 0 : i32
      %dma_start3A_135 = tpu.memref_slice %arg9[%rem3A_105, %dma_start3A_133, %dma_start3A_134] : memref<3x512x16xf32, #tpu.memory_space<vmem>> -> memref<1x512x16xf32, #tpu.memory_space<vmem>>
      %dma_start3A_136 = tpu.memref_squeeze %dma_start3A_135 : memref<1x512x16xf32, #tpu.memory_space<vmem>> -> memref<512x16xf32, #tpu.memory_space<vmem>>
      %dma_start3A_137 = arith.constant 0 : i32
      %dma_start3A_138 = tpu.memref_slice %arg8[%rem3A_99, %dma_start3A_137] : memref<4x512xi32, #tpu.memory_space<vmem>> -> memref<1x512xi32, #tpu.memory_space<vmem>>
      %dma_start3A_139 = tpu.memref_squeeze %dma_start3A_138 : memref<1x512xi32, #tpu.memory_space<vmem>> -> memref<512xi32, #tpu.memory_space<vmem>>
      %dma_start3A_140 = arith.constant 0 : i32
      %dma_start3A_141 = arith.constant 0 : i32
      %dma_start3A_142 = tpu.memref_slice %arg11[%dma_start3A_140, %dma_start3A_141] : memref<100352x16xf32, #tpu.memory_space<vmem_shared>> -> memref<100352x16xf32, #tpu.memory_space<vmem_shared>>
      %dma_start3A_143 = tpu.memref_slice %arg14[%rem3A_105] : memref<3x!tpu.dma_semaphore, #tpu.memory_space<semaphore_mem>> -> memref<1x!tpu.dma_semaphore, #tpu.memory_space<semaphore_mem>>
      %dma_start3A_144 = tpu.memref_squeeze %dma_start3A_143 : memref<1x!tpu.dma_semaphore, #tpu.memory_space<semaphore_mem>> -> memref<!tpu.dma_semaphore, #tpu.memory_space<semaphore_mem>>
      tpu.enqueue_indirect_dma source(%dma_start3A_136 : memref<512x16xf32, #tpu.memory_space<vmem>>) target(%dma_start3A_142 : memref<100352x16xf32, #tpu.memory_space<vmem_shared>>) offsets(%dma_start3A_139 : memref<512xi32, #tpu.memory_space<vmem>>) semaphore(%dma_start3A_144 : memref<!tpu.dma_semaphore, #tpu.memory_space<semaphore_mem>>) {add = true}
      %add3A_145 = arith.constant 2 : i32
      %add3A_146 = arith.addi %scan3A_97, %add3A_145 : i32
      %lt3A_147 = arith.constant 196 : i32
      %lt3A_148 = arith.cmpi slt, %add3A_146, %lt3A_147 : i32
      %convert_element_type3A_149 = arith.extui %lt3A_148 : i1 to i32
      %cond3A_150 = arith.constant 0 : i32
      %cond3A_151 = arith.cmpi ne, %convert_element_type3A_149, %cond3A_150 : i32
      scf.if %cond3A_151 {
        %add3A_152 = arith.constant 2 : i32
        %add3A_153 = arith.addi %scan3A_97, %add3A_152 : i32
        %add3A_154 = arith.constant 2 : i32
        %add3A_155 = arith.addi %scan3A_97, %add3A_154 : i32
        %rem3A_156 = arith.constant 4 : i32
        %rem3A_157 = arith.remsi %add3A_155, %rem3A_156 : i32
        %add3A_158 = arith.addi %mul3A_9, %add3A_153 : i32
        %lt3A_159 = arith.constant 6250 : i32
        %lt3A_160 = arith.cmpi slt, %add3A_158, %lt3A_159 : i32
        %convert_element_type3A_161 = arith.extui %lt3A_160 : i1 to i32
        %cond3A_162 = arith.constant 0 : i32
        %cond3A_163 = arith.cmpi ne, %convert_element_type3A_161, %cond3A_162 : i32
        scf.if %cond3A_163 {
          %dma_start3A_169 = arith.constant 0 : i32
          %dma_start3A_170 = arith.constant 0 : i32
          %dma_start3A_171 = tpu.memref_slice %arg7[%rem3A_157, %dma_start3A_170] : memref<4x512xi32, #tpu.memory_space<vmem>> -> memref<1x512xi32, #tpu.memory_space<vmem>>
          %dma_start3A_172 = arith.constant 0 : i32
          %dma_start3A_173 = tpu.memref_slice %arg2[%dma_start3A_169, %add3A_158, %dma_start3A_172] : memref<2x6250x512xi32, #tpu.memory_space<hbm>> -> memref<1x1x512xi32, #tpu.memory_space<hbm>>
          %dma_start3A_174 = tpu.memref_squeeze %dma_start3A_173 : memref<1x1x512xi32, #tpu.memory_space<hbm>> -> memref<1x512xi32, #tpu.memory_space<hbm>>
          %dma_start3A_175 = tpu.memref_slice %arg13[%rem3A_157] : memref<4x!tpu.dma_semaphore, #tpu.memory_space<semaphore_mem>> -> memref<1x!tpu.dma_semaphore, #tpu.memory_space<semaphore_mem>>
          %dma_start3A_176 = tpu.memref_squeeze %dma_start3A_175 : memref<1x!tpu.dma_semaphore, #tpu.memory_space<semaphore_mem>> -> memref<!tpu.dma_semaphore, #tpu.memory_space<semaphore_mem>>
          %dma_start3A_177 = arith.constant 0 : i32
          %dma_start3A_178 = tpu.memref_slice %arg7[%rem3A_157, %dma_start3A_177] : memref<4x512xi32, #tpu.memory_space<vmem>> -> memref<1x512xi32, #tpu.memory_space<vmem>>
          %dma_start3A_179 = arith.constant 0 : i32
          %dma_start3A_180 = tpu.memref_slice %arg2[%dma_start3A_169, %add3A_158, %dma_start3A_179] : memref<2x6250x512xi32, #tpu.memory_space<hbm>> -> memref<1x1x512xi32, #tpu.memory_space<hbm>>
          %dma_start3A_181 = tpu.memref_squeeze %dma_start3A_180 : memref<1x1x512xi32, #tpu.memory_space<hbm>> -> memref<1x512xi32, #tpu.memory_space<hbm>>
          tpu.enqueue_dma source(%dma_start3A_181 : memref<1x512xi32, #tpu.memory_space<hbm>>) target(%dma_start3A_178 : memref<1x512xi32, #tpu.memory_space<vmem>>) target_semaphore(%dma_start3A_176 : memref<!tpu.dma_semaphore, #tpu.memory_space<semaphore_mem>>)
          %dma_start3A_182 = arith.constant 1 : i32
          %dma_start3A_183 = arith.constant 0 : i32
          %dma_start3A_184 = tpu.memref_slice %arg8[%rem3A_157, %dma_start3A_183] : memref<4x512xi32, #tpu.memory_space<vmem>> -> memref<1x512xi32, #tpu.memory_space<vmem>>
          %dma_start3A_185 = arith.constant 0 : i32
          %dma_start3A_186 = tpu.memref_slice %arg2[%dma_start3A_182, %add3A_158, %dma_start3A_185] : memref<2x6250x512xi32, #tpu.memory_space<hbm>> -> memref<1x1x512xi32, #tpu.memory_space<hbm>>
          %dma_start3A_187 = tpu.memref_squeeze %dma_start3A_186 : memref<1x1x512xi32, #tpu.memory_space<hbm>> -> memref<1x512xi32, #tpu.memory_space<hbm>>
          %dma_start3A_188 = tpu.memref_slice %arg13[%rem3A_157] : memref<4x!tpu.dma_semaphore, #tpu.memory_space<semaphore_mem>> -> memref<1x!tpu.dma_semaphore, #tpu.memory_space<semaphore_mem>>
          %dma_start3A_189 = tpu.memref_squeeze %dma_start3A_188 : memref<1x!tpu.dma_semaphore, #tpu.memory_space<semaphore_mem>> -> memref<!tpu.dma_semaphore, #tpu.memory_space<semaphore_mem>>
          %dma_start3A_190 = arith.constant 0 : i32
          %dma_start3A_191 = tpu.memref_slice %arg8[%rem3A_157, %dma_start3A_190] : memref<4x512xi32, #tpu.memory_space<vmem>> -> memref<1x512xi32, #tpu.memory_space<vmem>>
          %dma_start3A_192 = arith.constant 0 : i32
          %dma_start3A_193 = tpu.memref_slice %arg2[%dma_start3A_182, %add3A_158, %dma_start3A_192] : memref<2x6250x512xi32, #tpu.memory_space<hbm>> -> memref<1x1x512xi32, #tpu.memory_space<hbm>>
          %dma_start3A_194 = tpu.memref_squeeze %dma_start3A_193 : memref<1x1x512xi32, #tpu.memory_space<hbm>> -> memref<1x512xi32, #tpu.memory_space<hbm>>
          tpu.enqueue_dma source(%dma_start3A_194 : memref<1x512xi32, #tpu.memory_space<hbm>>) target(%dma_start3A_191 : memref<1x512xi32, #tpu.memory_space<vmem>>) target_semaphore(%dma_start3A_189 : memref<!tpu.dma_semaphore, #tpu.memory_space<semaphore_mem>>)
        } else {
        }
        %ge3A_164 = arith.constant 6250 : i32
        %ge3A_165 = arith.cmpi sge, %add3A_158, %ge3A_164 : i32
        %convert_element_type3A_166 = arith.extui %ge3A_165 : i1 to i32
        %cond3A_167 = arith.constant 0 : i32
        %cond3A_168 = arith.cmpi ne, %convert_element_type3A_166, %cond3A_167 : i32
        scf.if %cond3A_168 {
          %sub3A = arith.constant 6250 : i32
          %sub3A_169 = arith.subi %add3A_158, %sub3A : i32
          %dma_start3A_170 = arith.constant 0 : i32
          %dma_start3A_171 = arith.constant 0 : i32
          %dma_start3A_172 = tpu.memref_slice %arg7[%rem3A_157, %dma_start3A_171] : memref<4x512xi32, #tpu.memory_space<vmem>> -> memref<1x512xi32, #tpu.memory_space<vmem>>
          %dma_start3A_173 = arith.constant 0 : i32
          %dma_start3A_174 = tpu.memref_slice %arg3[%dma_start3A_170, %sub3A_169, %dma_start3A_173] : memref<2x22x512xi32, #tpu.memory_space<hbm>> -> memref<1x1x512xi32, #tpu.memory_space<hbm>>
          %dma_start3A_175 = tpu.memref_squeeze %dma_start3A_174 : memref<1x1x512xi32, #tpu.memory_space<hbm>> -> memref<1x512xi32, #tpu.memory_space<hbm>>
          %dma_start3A_176 = tpu.memref_slice %arg13[%rem3A_157] : memref<4x!tpu.dma_semaphore, #tpu.memory_space<semaphore_mem>> -> memref<1x!tpu.dma_semaphore, #tpu.memory_space<semaphore_mem>>
          %dma_start3A_177 = tpu.memref_squeeze %dma_start3A_176 : memref<1x!tpu.dma_semaphore, #tpu.memory_space<semaphore_mem>> -> memref<!tpu.dma_semaphore, #tpu.memory_space<semaphore_mem>>
          %dma_start3A_178 = arith.constant 0 : i32
          %dma_start3A_179 = tpu.memref_slice %arg7[%rem3A_157, %dma_start3A_178] : memref<4x512xi32, #tpu.memory_space<vmem>> -> memref<1x512xi32, #tpu.memory_space<vmem>>
          %dma_start3A_180 = arith.constant 0 : i32
          %dma_start3A_181 = tpu.memref_slice %arg3[%dma_start3A_170, %sub3A_169, %dma_start3A_180] : memref<2x22x512xi32, #tpu.memory_space<hbm>> -> memref<1x1x512xi32, #tpu.memory_space<hbm>>
          %dma_start3A_182 = tpu.memref_squeeze %dma_start3A_181 : memref<1x1x512xi32, #tpu.memory_space<hbm>> -> memref<1x512xi32, #tpu.memory_space<hbm>>
          tpu.enqueue_dma source(%dma_start3A_182 : memref<1x512xi32, #tpu.memory_space<hbm>>) target(%dma_start3A_179 : memref<1x512xi32, #tpu.memory_space<vmem>>) target_semaphore(%dma_start3A_177 : memref<!tpu.dma_semaphore, #tpu.memory_space<semaphore_mem>>)
          %sub3A_183 = arith.constant 6250 : i32
          %sub3A_184 = arith.subi %add3A_158, %sub3A_183 : i32
          %dma_start3A_185 = arith.constant 1 : i32
          %dma_start3A_186 = arith.constant 0 : i32
          %dma_start3A_187 = tpu.memref_slice %arg8[%rem3A_157, %dma_start3A_186] : memref<4x512xi32, #tpu.memory_space<vmem>> -> memref<1x512xi32, #tpu.memory_space<vmem>>
          %dma_start3A_188 = arith.constant 0 : i32
          %dma_start3A_189 = tpu.memref_slice %arg3[%dma_start3A_185, %sub3A_184, %dma_start3A_188] : memref<2x22x512xi32, #tpu.memory_space<hbm>> -> memref<1x1x512xi32, #tpu.memory_space<hbm>>
          %dma_start3A_190 = tpu.memref_squeeze %dma_start3A_189 : memref<1x1x512xi32, #tpu.memory_space<hbm>> -> memref<1x512xi32, #tpu.memory_space<hbm>>
          %dma_start3A_191 = tpu.memref_slice %arg13[%rem3A_157] : memref<4x!tpu.dma_semaphore, #tpu.memory_space<semaphore_mem>> -> memref<1x!tpu.dma_semaphore, #tpu.memory_space<semaphore_mem>>
          %dma_start3A_192 = tpu.memref_squeeze %dma_start3A_191 : memref<1x!tpu.dma_semaphore, #tpu.memory_space<semaphore_mem>> -> memref<!tpu.dma_semaphore, #tpu.memory_space<semaphore_mem>>
          %dma_start3A_193 = arith.constant 0 : i32
          %dma_start3A_194 = tpu.memref_slice %arg8[%rem3A_157, %dma_start3A_193] : memref<4x512xi32, #tpu.memory_space<vmem>> -> memref<1x512xi32, #tpu.memory_space<vmem>>
          %dma_start3A_195 = arith.constant 0 : i32
          %dma_start3A_196 = tpu.memref_slice %arg3[%dma_start3A_185, %sub3A_184, %dma_start3A_195] : memref<2x22x512xi32, #tpu.memory_space<hbm>> -> memref<1x1x512xi32, #tpu.memory_space<hbm>>
          %dma_start3A_197 = tpu.memref_squeeze %dma_start3A_196 : memref<1x1x512xi32, #tpu.memory_space<hbm>> -> memref<1x512xi32, #tpu.memory_space<hbm>>
          tpu.enqueue_dma source(%dma_start3A_197 : memref<1x512xi32, #tpu.memory_space<hbm>>) target(%dma_start3A_194 : memref<1x512xi32, #tpu.memory_space<vmem>>) target_semaphore(%dma_start3A_192 : memref<!tpu.dma_semaphore, #tpu.memory_space<semaphore_mem>>)
        } else {
        }
      } else {
      }
    }
    %scan3A_61 = arith.constant 196 : i32
    %rem3A = arith.constant 195 : i32
    %rem3A_62 = arith.constant 4 : i32
    %rem3A_63 = arith.remsi %rem3A, %rem3A_62 : i32
    %rem3A_64 = arith.constant 195 : i32
    %rem3A_65 = arith.constant 3 : i32
    %rem3A_66 = arith.remsi %rem3A_64, %rem3A_65 : i32
    %rem3A_67 = arith.constant 195 : i32
    %rem3A_68 = arith.constant 3 : i32
    %rem3A_69 = arith.remsi %rem3A_67, %rem3A_68 : i32
    %dma_wait3A = arith.constant 0 : i32
    %dma_wait3A_70 = arith.constant 0 : i32
    %dma_wait3A_71 = tpu.memref_slice %arg9[%rem3A_66, %dma_wait3A, %dma_wait3A_70] : memref<3x512x16xf32, #tpu.memory_space<vmem>> -> memref<1x512x16xf32, #tpu.memory_space<vmem>>
    %dma_wait3A_72 = tpu.memref_squeeze %dma_wait3A_71 : memref<1x512x16xf32, #tpu.memory_space<vmem>> -> memref<512x16xf32, #tpu.memory_space<vmem>>
    %dma_wait3A_73 = arith.constant 0 : i32
    %dma_wait3A_74 = tpu.memref_slice %arg8[%rem3A_63, %dma_wait3A_73] : memref<4x512xi32, #tpu.memory_space<vmem>> -> memref<1x512xi32, #tpu.memory_space<vmem>>
    %dma_wait3A_75 = tpu.memref_squeeze %dma_wait3A_74 : memref<1x512xi32, #tpu.memory_space<vmem>> -> memref<512xi32, #tpu.memory_space<vmem>>
    %dma_wait3A_76 = arith.constant 0 : i32
    %dma_wait3A_77 = arith.constant 0 : i32
    %dma_wait3A_78 = tpu.memref_slice %arg11[%dma_wait3A_76, %dma_wait3A_77] : memref<100352x16xf32, #tpu.memory_space<vmem_shared>> -> memref<100352x16xf32, #tpu.memory_space<vmem_shared>>
    %dma_wait3A_79 = tpu.memref_slice %arg14[%rem3A_69] : memref<3x!tpu.dma_semaphore, #tpu.memory_space<semaphore_mem>> -> memref<1x!tpu.dma_semaphore, #tpu.memory_space<semaphore_mem>>
    %dma_wait3A_80 = tpu.memref_squeeze %dma_wait3A_79 : memref<1x!tpu.dma_semaphore, #tpu.memory_space<semaphore_mem>> -> memref<!tpu.dma_semaphore, #tpu.memory_space<semaphore_mem>>
    tpu.wait_indirect_dma semaphore(%dma_wait3A_80 : memref<!tpu.dma_semaphore, #tpu.memory_space<semaphore_mem>>) src(%dma_wait3A_72 : memref<512x16xf32, #tpu.memory_space<vmem>>) dst(%dma_wait3A_78 : memref<100352x16xf32, #tpu.memory_space<vmem_shared>>)
    %dma_wait3A_81 = arith.constant 2 : i32
    %dma_wait3A_82 = arith.constant 2 : i32
    %dma_wait3A_83 = arith.constant 2 : i32
    %dma_wait3A_84 = arith.constant 0 : i32
    %dma_wait3A_85 = arith.constant 0 : i32
    %dma_wait3A_86 = tpu.memref_slice %arg9[%dma_wait3A_81, %dma_wait3A_84, %dma_wait3A_85] : memref<3x512x16xf32, #tpu.memory_space<vmem>> -> memref<1x512x16xf32, #tpu.memory_space<vmem>>
    %dma_wait3A_87 = tpu.memref_squeeze %dma_wait3A_86 : memref<1x512x16xf32, #tpu.memory_space<vmem>> -> memref<512x16xf32, #tpu.memory_space<vmem>>
    %dma_wait3A_88 = arith.constant 0 : i32
    %dma_wait3A_89 = tpu.memref_slice %arg8[%dma_wait3A_82, %dma_wait3A_88] : memref<4x512xi32, #tpu.memory_space<vmem>> -> memref<1x512xi32, #tpu.memory_space<vmem>>
    %dma_wait3A_90 = tpu.memref_squeeze %dma_wait3A_89 : memref<1x512xi32, #tpu.memory_space<vmem>> -> memref<512xi32, #tpu.memory_space<vmem>>
    %dma_wait3A_91 = arith.constant 0 : i32
    %dma_wait3A_92 = arith.constant 0 : i32
    %dma_wait3A_93 = tpu.memref_slice %arg11[%dma_wait3A_91, %dma_wait3A_92] : memref<100352x16xf32, #tpu.memory_space<vmem_shared>> -> memref<100352x16xf32, #tpu.memory_space<vmem_shared>>
    %dma_wait3A_94 = tpu.memref_slice %arg14[%dma_wait3A_83] : memref<3x!tpu.dma_semaphore, #tpu.memory_space<semaphore_mem>> -> memref<1x!tpu.dma_semaphore, #tpu.memory_space<semaphore_mem>>
    %dma_wait3A_95 = tpu.memref_squeeze %dma_wait3A_94 : memref<1x!tpu.dma_semaphore, #tpu.memory_space<semaphore_mem>> -> memref<!tpu.dma_semaphore, #tpu.memory_space<semaphore_mem>>
    tpu.wait_indirect_dma semaphore(%dma_wait3A_95 : memref<!tpu.dma_semaphore, #tpu.memory_space<semaphore_mem>>) src(%dma_wait3A_87 : memref<512x16xf32, #tpu.memory_space<vmem>>) dst(%dma_wait3A_93 : memref<100352x16xf32, #tpu.memory_space<vmem_shared>>)
    %barrier3A_96 = arith.constant 0 : index
    tpu.barrier barrier_id(%barrier3A_96)
    "tpu.region"() ({
      %run_scoped3A = tpu.sem_alloc : memref<!tpu.dma_semaphore, #tpu.memory_space<semaphore_mem>>
      %dma_start3A_97 = arith.constant 0 : i32
      %dma_start3A_98 = tpu.memref_slice %arg6[%arg0, %mul3A_2, %dma_start3A_97] : memref<2x100352x16xf32, #tpu.memory_space<hbm>> -> memref<1x6272x16xf32, #tpu.memory_space<hbm>>
      %dma_start3A_99 = tpu.memref_squeeze %dma_start3A_98 : memref<1x6272x16xf32, #tpu.memory_space<hbm>> -> memref<6272x16xf32, #tpu.memory_space<hbm>>
      %dma_start3A_100 = arith.constant 0 : i32
      %dma_start3A_101 = tpu.memref_slice %arg11[%mul3A_2, %dma_start3A_100] : memref<100352x16xf32, #tpu.memory_space<vmem_shared>> -> memref<6272x16xf32, #tpu.memory_space<vmem_shared>>
      tpu.enqueue_dma source(%dma_start3A_101 : memref<6272x16xf32, #tpu.memory_space<vmem_shared>>) target(%dma_start3A_99 : memref<6272x16xf32, #tpu.memory_space<hbm>>) target_semaphore(%run_scoped3A : memref<!tpu.dma_semaphore, #tpu.memory_space<semaphore_mem>>)
      %dma_wait3A_102 = arith.constant 0 : i32
      %dma_wait3A_103 = tpu.memref_slice %arg6[%arg0, %mul3A_2, %dma_wait3A_102] : memref<2x100352x16xf32, #tpu.memory_space<hbm>> -> memref<1x6272x16xf32, #tpu.memory_space<hbm>>
      %dma_wait3A_104 = tpu.memref_squeeze %dma_wait3A_103 : memref<1x6272x16xf32, #tpu.memory_space<hbm>> -> memref<6272x16xf32, #tpu.memory_space<hbm>>
      %dma_wait3A_105 = arith.constant 0 : i32
      %dma_wait3A_106 = tpu.memref_slice %arg11[%mul3A_2, %dma_wait3A_105] : memref<100352x16xf32, #tpu.memory_space<vmem_shared>> -> memref<6272x16xf32, #tpu.memory_space<vmem_shared>>
      tpu.wait_dma2 semaphore(%run_scoped3A : memref<!tpu.dma_semaphore, #tpu.memory_space<semaphore_mem>>) src(%dma_wait3A_106 : memref<6272x16xf32, #tpu.memory_space<vmem_shared>>) dst(%dma_wait3A_104 : memref<6272x16xf32, #tpu.memory_space<hbm>>)
      tpu.yield
    }) : () -> ()
    return
  }
}

#map = affine_map<(d0, d1) -> (0, 0, 0)>
#map1 = affine_map<(d0, d1) -> (0, 0)>
module attributes {stable_mosaic.version = 14 : i64} {
  func.func @k(%arg0: i32, %arg1: i32, %arg2: memref<2x3125x1024xi32, #tpu.memory_space<hbm>>, %arg3: memref<2x11x1024xi32, #tpu.memory_space<hbm>>, %arg4: memref<1024x16xf32, #tpu.memory_space<hbm>>, %arg5: memref<128x16xf32, #tpu.memory_space<hbm>>, %arg6: memref<2x100352x16xf32, #tpu.memory_space<hbm>>, %arg7: memref<4x1024xi32, #tpu.memory_space<vmem>>, %arg8: memref<1024x16xf32, #tpu.memory_space<vmem>>, %arg9: memref<128x16xf32, #tpu.memory_space<vmem>>, %arg10: memref<100352x16xf32, #tpu.memory_space<vmem_shared>>, %arg11: memref<4x!tpu.dma_semaphore, #tpu.memory_space<semaphore_mem>>, %arg12: memref<3x!tpu.dma_semaphore, #tpu.memory_space<semaphore_mem>>) attributes {dimension_semantics = [#tpu.dimension_semantics<core_parallel>, #tpu.dimension_semantics<subcore_parallel>], iteration_bounds = array<i64: 2, 16>, scalar_prefetch = 0 : i64, scratch_operands = 6 : i64, tpu.core_type = #tpu.core_type<sc_vector_subcore>, window_params = [{transform_indices = #map}, {transform_indices = #map}, {transform_indices = #map1}, {transform_indices = #map1}, {transform_indices = #map}]} {
    %mul3A = arith.constant 2 : i32
    %mul3A_0 = arith.muli %arg1, %mul3A : i32
    %add3A = arith.addi %mul3A_0, %arg0 : i32
    "tpu.region"() ({
      %run_scoped3A = tpu.sem_alloc : memref<!tpu.dma_semaphore, #tpu.memory_space<semaphore_mem>>
      tpu.enqueue_dma source(%arg4 : memref<1024x16xf32, #tpu.memory_space<hbm>>) target(%arg8 : memref<1024x16xf32, #tpu.memory_space<vmem>>) target_semaphore(%run_scoped3A : memref<!tpu.dma_semaphore, #tpu.memory_space<semaphore_mem>>)
      tpu.wait_dma2 semaphore(%run_scoped3A : memref<!tpu.dma_semaphore, #tpu.memory_space<semaphore_mem>>) src(%arg4 : memref<1024x16xf32, #tpu.memory_space<hbm>>) dst(%arg8 : memref<1024x16xf32, #tpu.memory_space<vmem>>)
      tpu.yield
    }) : () -> ()
    "tpu.region"() ({
      %run_scoped3A = tpu.sem_alloc : memref<!tpu.dma_semaphore, #tpu.memory_space<semaphore_mem>>
      tpu.enqueue_dma source(%arg5 : memref<128x16xf32, #tpu.memory_space<hbm>>) target(%arg9 : memref<128x16xf32, #tpu.memory_space<vmem>>) target_semaphore(%run_scoped3A : memref<!tpu.dma_semaphore, #tpu.memory_space<semaphore_mem>>)
      tpu.wait_dma2 semaphore(%run_scoped3A : memref<!tpu.dma_semaphore, #tpu.memory_space<semaphore_mem>>) src(%arg5 : memref<128x16xf32, #tpu.memory_space<hbm>>) dst(%arg9 : memref<128x16xf32, #tpu.memory_space<vmem>>)
      tpu.yield
    }) : () -> ()
    %mul3A_1 = arith.constant 6272 : i32
    %mul3A_2 = arith.muli %arg1, %mul3A_1 : i32
    %scan3A = arith.constant 0 : i32
    %scan3A_3 = arith.constant 0 : i32
    %scan3A_4 = arith.constant 49 : i32
    %scan3A_5 = arith.addi %scan3A_3, %scan3A_4 : i32
    %scan3A_6 = arith.constant 1 : i32
    scf.for %scan3A_71 = %scan3A_3 to %scan3A_5 step %scan3A_6  : i32 {
      %mul3A_72 = arith.constant 128 : i32
      %mul3A_73 = arith.muli %scan3A_71, %mul3A_72 : i32
      %add3A_74 = arith.addi %mul3A_2, %mul3A_73 : i32
      "tpu.region"() ({
        %run_scoped3A = tpu.sem_alloc : memref<!tpu.dma_semaphore, #tpu.memory_space<semaphore_mem>>
        %dma_start3A = arith.constant 0 : i32
        %dma_start3A_75 = tpu.memref_slice %arg10[%add3A_74, %dma_start3A] : memref<100352x16xf32, #tpu.memory_space<vmem_shared>> -> memref<128x16xf32, #tpu.memory_space<vmem_shared>>
        %dma_start3A_76 = arith.constant 0 : i32
        %dma_start3A_77 = tpu.memref_slice %arg10[%add3A_74, %dma_start3A_76] : memref<100352x16xf32, #tpu.memory_space<vmem_shared>> -> memref<128x16xf32, #tpu.memory_space<vmem_shared>>
        tpu.enqueue_dma source(%arg9 : memref<128x16xf32, #tpu.memory_space<vmem>>) target(%dma_start3A_77 : memref<128x16xf32, #tpu.memory_space<vmem_shared>>) target_semaphore(%run_scoped3A : memref<!tpu.dma_semaphore, #tpu.memory_space<semaphore_mem>>)
        %dma_wait3A_78 = arith.constant 0 : i32
        %dma_wait3A_79 = tpu.memref_slice %arg10[%add3A_74, %dma_wait3A_78] : memref<100352x16xf32, #tpu.memory_space<vmem_shared>> -> memref<128x16xf32, #tpu.memory_space<vmem_shared>>
        %dma_wait3A_80 = arith.constant 0 : i32
        %dma_wait3A_81 = tpu.memref_slice %arg10[%add3A_74, %dma_wait3A_80] : memref<100352x16xf32, #tpu.memory_space<vmem_shared>> -> memref<128x16xf32, #tpu.memory_space<vmem_shared>>
        tpu.wait_dma2 semaphore(%run_scoped3A : memref<!tpu.dma_semaphore, #tpu.memory_space<semaphore_mem>>) src(%arg9 : memref<128x16xf32, #tpu.memory_space<vmem>>) dst(%dma_wait3A_81 : memref<128x16xf32, #tpu.memory_space<vmem_shared>>)
        tpu.yield
      }) : () -> ()
    }
    %scan3A_7 = arith.constant 49 : i32
    %barrier3A = arith.constant 0 : index
    tpu.barrier barrier_id(%barrier3A)
    %mul3A_8 = arith.constant 98 : i32
    %mul3A_9 = arith.muli %add3A, %mul3A_8 : i32
    %add3A_10 = arith.constant 0 : i32
    %add3A_11 = arith.addi %mul3A_9, %add3A_10 : i32
    %lt3A = arith.constant 3125 : i32
    %lt3A_12 = arith.cmpi slt, %add3A_11, %lt3A : i32
    %convert_element_type3A = arith.extui %lt3A_12 : i1 to i32
    %cond3A = arith.constant 0 : i32
    %cond3A_13 = arith.cmpi ne, %convert_element_type3A, %cond3A : i32
    scf.if %cond3A_13 {
      %dma_start3A = arith.constant 1 : i32
      %dma_start3A_71 = arith.constant 0 : i32
      %dma_start3A_72 = arith.constant 0 : i32
      %dma_start3A_73 = arith.constant 0 : i32
      %dma_start3A_74 = tpu.memref_slice %arg7[%dma_start3A_72, %dma_start3A_73] : memref<4x1024xi32, #tpu.memory_space<vmem>> -> memref<1x1024xi32, #tpu.memory_space<vmem>>
      %dma_start3A_75 = arith.constant 0 : i32
      %dma_start3A_76 = tpu.memref_slice %arg2[%dma_start3A, %add3A_11, %dma_start3A_75] : memref<2x3125x1024xi32, #tpu.memory_space<hbm>> -> memref<1x1x1024xi32, #tpu.memory_space<hbm>>
      %dma_start3A_77 = tpu.memref_squeeze %dma_start3A_76 : memref<1x1x1024xi32, #tpu.memory_space<hbm>> -> memref<1x1024xi32, #tpu.memory_space<hbm>>
      %dma_start3A_78 = tpu.memref_slice %arg11[%dma_start3A_71] : memref<4x!tpu.dma_semaphore, #tpu.memory_space<semaphore_mem>> -> memref<1x!tpu.dma_semaphore, #tpu.memory_space<semaphore_mem>>
      %dma_start3A_79 = tpu.memref_squeeze %dma_start3A_78 : memref<1x!tpu.dma_semaphore, #tpu.memory_space<semaphore_mem>> -> memref<!tpu.dma_semaphore, #tpu.memory_space<semaphore_mem>>
      %dma_start3A_80 = arith.constant 0 : i32
      %dma_start3A_81 = arith.constant 0 : i32
      %dma_start3A_82 = tpu.memref_slice %arg7[%dma_start3A_80, %dma_start3A_81] : memref<4x1024xi32, #tpu.memory_space<vmem>> -> memref<1x1024xi32, #tpu.memory_space<vmem>>
      %dma_start3A_83 = arith.constant 0 : i32
      %dma_start3A_84 = tpu.memref_slice %arg2[%dma_start3A, %add3A_11, %dma_start3A_83] : memref<2x3125x1024xi32, #tpu.memory_space<hbm>> -> memref<1x1x1024xi32, #tpu.memory_space<hbm>>
      %dma_start3A_85 = tpu.memref_squeeze %dma_start3A_84 : memref<1x1x1024xi32, #tpu.memory_space<hbm>> -> memref<1x1024xi32, #tpu.memory_space<hbm>>
      tpu.enqueue_dma source(%dma_start3A_85 : memref<1x1024xi32, #tpu.memory_space<hbm>>) target(%dma_start3A_82 : memref<1x1024xi32, #tpu.memory_space<vmem>>) target_semaphore(%dma_start3A_79 : memref<!tpu.dma_semaphore, #tpu.memory_space<semaphore_mem>>)
    } else {
    }
    %ge3A = arith.constant 3125 : i32
    %ge3A_14 = arith.cmpi sge, %add3A_11, %ge3A : i32
    %convert_element_type3A_15 = arith.extui %ge3A_14 : i1 to i32
    %cond3A_16 = arith.constant 0 : i32
    %cond3A_17 = arith.cmpi ne, %convert_element_type3A_15, %cond3A_16 : i32
    scf.if %cond3A_17 {
      %sub3A = arith.constant 3125 : i32
      %sub3A_71 = arith.subi %add3A_11, %sub3A : i32
      %dma_start3A = arith.constant 1 : i32
      %dma_start3A_72 = arith.constant 0 : i32
      %dma_start3A_73 = arith.constant 0 : i32
      %dma_start3A_74 = arith.constant 0 : i32
      %dma_start3A_75 = tpu.memref_slice %arg7[%dma_start3A_73, %dma_start3A_74] : memref<4x1024xi32, #tpu.memory_space<vmem>> -> memref<1x1024xi32, #tpu.memory_space<vmem>>
      %dma_start3A_76 = arith.constant 0 : i32
      %dma_start3A_77 = tpu.memref_slice %arg3[%dma_start3A, %sub3A_71, %dma_start3A_76] : memref<2x11x1024xi32, #tpu.memory_space<hbm>> -> memref<1x1x1024xi32, #tpu.memory_space<hbm>>
      %dma_start3A_78 = tpu.memref_squeeze %dma_start3A_77 : memref<1x1x1024xi32, #tpu.memory_space<hbm>> -> memref<1x1024xi32, #tpu.memory_space<hbm>>
      %dma_start3A_79 = tpu.memref_slice %arg11[%dma_start3A_72] : memref<4x!tpu.dma_semaphore, #tpu.memory_space<semaphore_mem>> -> memref<1x!tpu.dma_semaphore, #tpu.memory_space<semaphore_mem>>
      %dma_start3A_80 = tpu.memref_squeeze %dma_start3A_79 : memref<1x!tpu.dma_semaphore, #tpu.memory_space<semaphore_mem>> -> memref<!tpu.dma_semaphore, #tpu.memory_space<semaphore_mem>>
      %dma_start3A_81 = arith.constant 0 : i32
      %dma_start3A_82 = arith.constant 0 : i32
      %dma_start3A_83 = tpu.memref_slice %arg7[%dma_start3A_81, %dma_start3A_82] : memref<4x1024xi32, #tpu.memory_space<vmem>> -> memref<1x1024xi32, #tpu.memory_space<vmem>>
      %dma_start3A_84 = arith.constant 0 : i32
      %dma_start3A_85 = tpu.memref_slice %arg3[%dma_start3A, %sub3A_71, %dma_start3A_84] : memref<2x11x1024xi32, #tpu.memory_space<hbm>> -> memref<1x1x1024xi32, #tpu.memory_space<hbm>>
      %dma_start3A_86 = tpu.memref_squeeze %dma_start3A_85 : memref<1x1x1024xi32, #tpu.memory_space<hbm>> -> memref<1x1024xi32, #tpu.memory_space<hbm>>
      tpu.enqueue_dma source(%dma_start3A_86 : memref<1x1024xi32, #tpu.memory_space<hbm>>) target(%dma_start3A_83 : memref<1x1024xi32, #tpu.memory_space<vmem>>) target_semaphore(%dma_start3A_80 : memref<!tpu.dma_semaphore, #tpu.memory_space<semaphore_mem>>)
    } else {
    }
    %add3A_18 = arith.constant 1 : i32
    %add3A_19 = arith.addi %mul3A_9, %add3A_18 : i32
    %lt3A_20 = arith.constant 3125 : i32
    %lt3A_21 = arith.cmpi slt, %add3A_19, %lt3A_20 : i32
    %convert_element_type3A_22 = arith.extui %lt3A_21 : i1 to i32
    %cond3A_23 = arith.constant 0 : i32
    %cond3A_24 = arith.cmpi ne, %convert_element_type3A_22, %cond3A_23 : i32
    scf.if %cond3A_24 {
      %dma_start3A = arith.constant 1 : i32
      %dma_start3A_71 = arith.constant 1 : i32
      %dma_start3A_72 = arith.constant 1 : i32
      %dma_start3A_73 = arith.constant 0 : i32
      %dma_start3A_74 = tpu.memref_slice %arg7[%dma_start3A_72, %dma_start3A_73] : memref<4x1024xi32, #tpu.memory_space<vmem>> -> memref<1x1024xi32, #tpu.memory_space<vmem>>
      %dma_start3A_75 = arith.constant 0 : i32
      %dma_start3A_76 = tpu.memref_slice %arg2[%dma_start3A, %add3A_19, %dma_start3A_75] : memref<2x3125x1024xi32, #tpu.memory_space<hbm>> -> memref<1x1x1024xi32, #tpu.memory_space<hbm>>
      %dma_start3A_77 = tpu.memref_squeeze %dma_start3A_76 : memref<1x1x1024xi32, #tpu.memory_space<hbm>> -> memref<1x1024xi32, #tpu.memory_space<hbm>>
      %dma_start3A_78 = tpu.memref_slice %arg11[%dma_start3A_71] : memref<4x!tpu.dma_semaphore, #tpu.memory_space<semaphore_mem>> -> memref<1x!tpu.dma_semaphore, #tpu.memory_space<semaphore_mem>>
      %dma_start3A_79 = tpu.memref_squeeze %dma_start3A_78 : memref<1x!tpu.dma_semaphore, #tpu.memory_space<semaphore_mem>> -> memref<!tpu.dma_semaphore, #tpu.memory_space<semaphore_mem>>
      %dma_start3A_80 = arith.constant 1 : i32
      %dma_start3A_81 = arith.constant 0 : i32
      %dma_start3A_82 = tpu.memref_slice %arg7[%dma_start3A_80, %dma_start3A_81] : memref<4x1024xi32, #tpu.memory_space<vmem>> -> memref<1x1024xi32, #tpu.memory_space<vmem>>
      %dma_start3A_83 = arith.constant 0 : i32
      %dma_start3A_84 = tpu.memref_slice %arg2[%dma_start3A, %add3A_19, %dma_start3A_83] : memref<2x3125x1024xi32, #tpu.memory_space<hbm>> -> memref<1x1x1024xi32, #tpu.memory_space<hbm>>
      %dma_start3A_85 = tpu.memref_squeeze %dma_start3A_84 : memref<1x1x1024xi32, #tpu.memory_space<hbm>> -> memref<1x1024xi32, #tpu.memory_space<hbm>>
      tpu.enqueue_dma source(%dma_start3A_85 : memref<1x1024xi32, #tpu.memory_space<hbm>>) target(%dma_start3A_82 : memref<1x1024xi32, #tpu.memory_space<vmem>>) target_semaphore(%dma_start3A_79 : memref<!tpu.dma_semaphore, #tpu.memory_space<semaphore_mem>>)
    } else {
    }
    %ge3A_25 = arith.constant 3125 : i32
    %ge3A_26 = arith.cmpi sge, %add3A_19, %ge3A_25 : i32
    %convert_element_type3A_27 = arith.extui %ge3A_26 : i1 to i32
    %cond3A_28 = arith.constant 0 : i32
    %cond3A_29 = arith.cmpi ne, %convert_element_type3A_27, %cond3A_28 : i32
    scf.if %cond3A_29 {
      %sub3A = arith.constant 3125 : i32
      %sub3A_71 = arith.subi %add3A_19, %sub3A : i32
      %dma_start3A = arith.constant 1 : i32
      %dma_start3A_72 = arith.constant 1 : i32
      %dma_start3A_73 = arith.constant 1 : i32
      %dma_start3A_74 = arith.constant 0 : i32
      %dma_start3A_75 = tpu.memref_slice %arg7[%dma_start3A_73, %dma_start3A_74] : memref<4x1024xi32, #tpu.memory_space<vmem>> -> memref<1x1024xi32, #tpu.memory_space<vmem>>
      %dma_start3A_76 = arith.constant 0 : i32
      %dma_start3A_77 = tpu.memref_slice %arg3[%dma_start3A, %sub3A_71, %dma_start3A_76] : memref<2x11x1024xi32, #tpu.memory_space<hbm>> -> memref<1x1x1024xi32, #tpu.memory_space<hbm>>
      %dma_start3A_78 = tpu.memref_squeeze %dma_start3A_77 : memref<1x1x1024xi32, #tpu.memory_space<hbm>> -> memref<1x1024xi32, #tpu.memory_space<hbm>>
      %dma_start3A_79 = tpu.memref_slice %arg11[%dma_start3A_72] : memref<4x!tpu.dma_semaphore, #tpu.memory_space<semaphore_mem>> -> memref<1x!tpu.dma_semaphore, #tpu.memory_space<semaphore_mem>>
      %dma_start3A_80 = tpu.memref_squeeze %dma_start3A_79 : memref<1x!tpu.dma_semaphore, #tpu.memory_space<semaphore_mem>> -> memref<!tpu.dma_semaphore, #tpu.memory_space<semaphore_mem>>
      %dma_start3A_81 = arith.constant 1 : i32
      %dma_start3A_82 = arith.constant 0 : i32
      %dma_start3A_83 = tpu.memref_slice %arg7[%dma_start3A_81, %dma_start3A_82] : memref<4x1024xi32, #tpu.memory_space<vmem>> -> memref<1x1024xi32, #tpu.memory_space<vmem>>
      %dma_start3A_84 = arith.constant 0 : i32
      %dma_start3A_85 = tpu.memref_slice %arg3[%dma_start3A, %sub3A_71, %dma_start3A_84] : memref<2x11x1024xi32, #tpu.memory_space<hbm>> -> memref<1x1x1024xi32, #tpu.memory_space<hbm>>
      %dma_start3A_86 = tpu.memref_squeeze %dma_start3A_85 : memref<1x1x1024xi32, #tpu.memory_space<hbm>> -> memref<1x1024xi32, #tpu.memory_space<hbm>>
      tpu.enqueue_dma source(%dma_start3A_86 : memref<1x1024xi32, #tpu.memory_space<hbm>>) target(%dma_start3A_83 : memref<1x1024xi32, #tpu.memory_space<vmem>>) target_semaphore(%dma_start3A_80 : memref<!tpu.dma_semaphore, #tpu.memory_space<semaphore_mem>>)
    } else {
    }
    %add3A_30 = arith.constant 0 : i32
    %add3A_31 = arith.addi %mul3A_9, %add3A_30 : i32
    %lt3A_32 = arith.constant 3125 : i32
    %lt3A_33 = arith.cmpi slt, %add3A_31, %lt3A_32 : i32
    %convert_element_type3A_34 = arith.extui %lt3A_33 : i1 to i32
    %cond3A_35 = arith.constant 0 : i32
    %cond3A_36 = arith.cmpi ne, %convert_element_type3A_34, %cond3A_35 : i32
    scf.if %cond3A_36 {
      %dma_wait3A_71 = arith.constant 1 : i32
      %dma_wait3A_72 = arith.constant 0 : i32
      %dma_wait3A_73 = arith.constant 0 : i32
      %dma_wait3A_74 = arith.constant 0 : i32
      %dma_wait3A_75 = tpu.memref_slice %arg7[%dma_wait3A_73, %dma_wait3A_74] : memref<4x1024xi32, #tpu.memory_space<vmem>> -> memref<1x1024xi32, #tpu.memory_space<vmem>>
      %dma_wait3A_76 = arith.constant 0 : i32
      %dma_wait3A_77 = tpu.memref_slice %arg2[%dma_wait3A_71, %add3A_31, %dma_wait3A_76] : memref<2x3125x1024xi32, #tpu.memory_space<hbm>> -> memref<1x1x1024xi32, #tpu.memory_space<hbm>>
      %dma_wait3A_78 = tpu.memref_squeeze %dma_wait3A_77 : memref<1x1x1024xi32, #tpu.memory_space<hbm>> -> memref<1x1024xi32, #tpu.memory_space<hbm>>
      %dma_wait3A_79 = tpu.memref_slice %arg11[%dma_wait3A_72] : memref<4x!tpu.dma_semaphore, #tpu.memory_space<semaphore_mem>> -> memref<1x!tpu.dma_semaphore, #tpu.memory_space<semaphore_mem>>
      %dma_wait3A_80 = tpu.memref_squeeze %dma_wait3A_79 : memref<1x!tpu.dma_semaphore, #tpu.memory_space<semaphore_mem>> -> memref<!tpu.dma_semaphore, #tpu.memory_space<semaphore_mem>>
      %dma_wait3A_81 = arith.constant 0 : i32
      %dma_wait3A_82 = arith.constant 0 : i32
      %dma_wait3A_83 = tpu.memref_slice %arg7[%dma_wait3A_81, %dma_wait3A_82] : memref<4x1024xi32, #tpu.memory_space<vmem>> -> memref<1x1024xi32, #tpu.memory_space<vmem>>
      %dma_wait3A_84 = arith.constant 0 : i32
      %dma_wait3A_85 = tpu.memref_slice %arg2[%dma_wait3A_71, %add3A_31, %dma_wait3A_84] : memref<2x3125x1024xi32, #tpu.memory_space<hbm>> -> memref<1x1x1024xi32, #tpu.memory_space<hbm>>
      %dma_wait3A_86 = tpu.memref_squeeze %dma_wait3A_85 : memref<1x1x1024xi32, #tpu.memory_space<hbm>> -> memref<1x1024xi32, #tpu.memory_space<hbm>>
      tpu.wait_dma2 semaphore(%dma_wait3A_80 : memref<!tpu.dma_semaphore, #tpu.memory_space<semaphore_mem>>) src(%dma_wait3A_86 : memref<1x1024xi32, #tpu.memory_space<hbm>>) dst(%dma_wait3A_83 : memref<1x1024xi32, #tpu.memory_space<vmem>>)
    } else {
    }
    %ge3A_37 = arith.constant 3125 : i32
    %ge3A_38 = arith.cmpi sge, %add3A_31, %ge3A_37 : i32
    %convert_element_type3A_39 = arith.extui %ge3A_38 : i1 to i32
    %cond3A_40 = arith.constant 0 : i32
    %cond3A_41 = arith.cmpi ne, %convert_element_type3A_39, %cond3A_40 : i32
    scf.if %cond3A_41 {
      %sub3A = arith.constant 3125 : i32
      %sub3A_71 = arith.subi %add3A_31, %sub3A : i32
      %dma_wait3A_72 = arith.constant 1 : i32
      %dma_wait3A_73 = arith.constant 0 : i32
      %dma_wait3A_74 = arith.constant 0 : i32
      %dma_wait3A_75 = arith.constant 0 : i32
      %dma_wait3A_76 = tpu.memref_slice %arg7[%dma_wait3A_74, %dma_wait3A_75] : memref<4x1024xi32, #tpu.memory_space<vmem>> -> memref<1x1024xi32, #tpu.memory_space<vmem>>
      %dma_wait3A_77 = arith.constant 0 : i32
      %dma_wait3A_78 = tpu.memref_slice %arg3[%dma_wait3A_72, %sub3A_71, %dma_wait3A_77] : memref<2x11x1024xi32, #tpu.memory_space<hbm>> -> memref<1x1x1024xi32, #tpu.memory_space<hbm>>
      %dma_wait3A_79 = tpu.memref_squeeze %dma_wait3A_78 : memref<1x1x1024xi32, #tpu.memory_space<hbm>> -> memref<1x1024xi32, #tpu.memory_space<hbm>>
      %dma_wait3A_80 = tpu.memref_slice %arg11[%dma_wait3A_73] : memref<4x!tpu.dma_semaphore, #tpu.memory_space<semaphore_mem>> -> memref<1x!tpu.dma_semaphore, #tpu.memory_space<semaphore_mem>>
      %dma_wait3A_81 = tpu.memref_squeeze %dma_wait3A_80 : memref<1x!tpu.dma_semaphore, #tpu.memory_space<semaphore_mem>> -> memref<!tpu.dma_semaphore, #tpu.memory_space<semaphore_mem>>
      %dma_wait3A_82 = arith.constant 0 : i32
      %dma_wait3A_83 = arith.constant 0 : i32
      %dma_wait3A_84 = tpu.memref_slice %arg7[%dma_wait3A_82, %dma_wait3A_83] : memref<4x1024xi32, #tpu.memory_space<vmem>> -> memref<1x1024xi32, #tpu.memory_space<vmem>>
      %dma_wait3A_85 = arith.constant 0 : i32
      %dma_wait3A_86 = tpu.memref_slice %arg3[%dma_wait3A_72, %sub3A_71, %dma_wait3A_85] : memref<2x11x1024xi32, #tpu.memory_space<hbm>> -> memref<1x1x1024xi32, #tpu.memory_space<hbm>>
      %dma_wait3A_87 = tpu.memref_squeeze %dma_wait3A_86 : memref<1x1x1024xi32, #tpu.memory_space<hbm>> -> memref<1x1024xi32, #tpu.memory_space<hbm>>
      tpu.wait_dma2 semaphore(%dma_wait3A_81 : memref<!tpu.dma_semaphore, #tpu.memory_space<semaphore_mem>>) src(%dma_wait3A_87 : memref<1x1024xi32, #tpu.memory_space<hbm>>) dst(%dma_wait3A_84 : memref<1x1024xi32, #tpu.memory_space<vmem>>)
    } else {
    }
    %scan3A_42 = arith.constant 0 : i32
    %scan3A_43 = arith.constant 0 : i32
    %scan3A_44 = arith.constant 98 : i32
    %scan3A_45 = arith.addi %scan3A_43, %scan3A_44 : i32
    %scan3A_46 = arith.constant 1 : i32
    scf.for %scan3A_71 = %scan3A_43 to %scan3A_45 step %scan3A_46  : i32 {
      %rem3A_72 = arith.constant 4 : i32
      %rem3A_73 = arith.remsi %scan3A_71, %rem3A_72 : i32
      %gt3A = arith.constant 1 : i32
      %gt3A_74 = arith.cmpi sgt, %scan3A_71, %gt3A : i32
      %convert_element_type3A_75 = arith.extui %gt3A_74 : i1 to i32
      %cond3A_76 = arith.constant 0 : i32
      %cond3A_77 = arith.cmpi ne, %convert_element_type3A_75, %cond3A_76 : i32
      scf.if %cond3A_77 {
        %add3A_101 = arith.constant 2 : i32
        %add3A_102 = arith.addi %scan3A_71, %add3A_101 : i32
        %rem3A_103 = arith.constant 4 : i32
        %rem3A_104 = arith.remsi %add3A_102, %rem3A_103 : i32
        %add3A_105 = arith.constant 1 : i32
        %add3A_106 = arith.addi %scan3A_71, %add3A_105 : i32
        %rem3A_107 = arith.constant 3 : i32
        %rem3A_108 = arith.remsi %add3A_106, %rem3A_107 : i32
        %dma_wait3A_109 = arith.constant 0 : i32
        %dma_wait3A_110 = tpu.memref_slice %arg7[%rem3A_104, %dma_wait3A_109] : memref<4x1024xi32, #tpu.memory_space<vmem>> -> memref<1x1024xi32, #tpu.memory_space<vmem>>
        %dma_wait3A_111 = tpu.memref_squeeze %dma_wait3A_110 : memref<1x1024xi32, #tpu.memory_space<vmem>> -> memref<1024xi32, #tpu.memory_space<vmem>>
        %dma_wait3A_112 = arith.constant 0 : i32
        %dma_wait3A_113 = arith.constant 0 : i32
        %dma_wait3A_114 = tpu.memref_slice %arg10[%dma_wait3A_112, %dma_wait3A_113] : memref<100352x16xf32, #tpu.memory_space<vmem_shared>> -> memref<100352x16xf32, #tpu.memory_space<vmem_shared>>
        %dma_wait3A_115 = tpu.memref_slice %arg12[%rem3A_108] : memref<3x!tpu.dma_semaphore, #tpu.memory_space<semaphore_mem>> -> memref<1x!tpu.dma_semaphore, #tpu.memory_space<semaphore_mem>>
        %dma_wait3A_116 = tpu.memref_squeeze %dma_wait3A_115 : memref<1x!tpu.dma_semaphore, #tpu.memory_space<semaphore_mem>> -> memref<!tpu.dma_semaphore, #tpu.memory_space<semaphore_mem>>
        tpu.wait_indirect_dma semaphore(%dma_wait3A_116 : memref<!tpu.dma_semaphore, #tpu.memory_space<semaphore_mem>>) src(%arg8 : memref<1024x16xf32, #tpu.memory_space<vmem>>) dst(%dma_wait3A_114 : memref<100352x16xf32, #tpu.memory_space<vmem_shared>>)
      } else {
      }
      %add3A_78 = arith.constant 1 : i32
      %add3A_79 = arith.addi %scan3A_71, %add3A_78 : i32
      %lt3A_80 = arith.constant 98 : i32
      %lt3A_81 = arith.cmpi slt, %add3A_79, %lt3A_80 : i32
      %convert_element_type3A_82 = arith.extui %lt3A_81 : i1 to i32
      %cond3A_83 = arith.constant 0 : i32
      %cond3A_84 = arith.cmpi ne, %convert_element_type3A_82, %cond3A_83 : i32
      scf.if %cond3A_84 {
        %add3A_101 = arith.constant 1 : i32
        %add3A_102 = arith.addi %scan3A_71, %add3A_101 : i32
        %add3A_103 = arith.constant 1 : i32
        %add3A_104 = arith.addi %scan3A_71, %add3A_103 : i32
        %rem3A_105 = arith.constant 4 : i32
        %rem3A_106 = arith.remsi %add3A_104, %rem3A_105 : i32
        %add3A_107 = arith.addi %mul3A_9, %add3A_102 : i32
        %lt3A_108 = arith.constant 3125 : i32
        %lt3A_109 = arith.cmpi slt, %add3A_107, %lt3A_108 : i32
        %convert_element_type3A_110 = arith.extui %lt3A_109 : i1 to i32
        %cond3A_111 = arith.constant 0 : i32
        %cond3A_112 = arith.cmpi ne, %convert_element_type3A_110, %cond3A_111 : i32
        scf.if %cond3A_112 {
          %dma_wait3A_118 = arith.constant 1 : i32
          %dma_wait3A_119 = arith.constant 0 : i32
          %dma_wait3A_120 = tpu.memref_slice %arg7[%rem3A_106, %dma_wait3A_119] : memref<4x1024xi32, #tpu.memory_space<vmem>> -> memref<1x1024xi32, #tpu.memory_space<vmem>>
          %dma_wait3A_121 = arith.constant 0 : i32
          %dma_wait3A_122 = tpu.memref_slice %arg2[%dma_wait3A_118, %add3A_107, %dma_wait3A_121] : memref<2x3125x1024xi32, #tpu.memory_space<hbm>> -> memref<1x1x1024xi32, #tpu.memory_space<hbm>>
          %dma_wait3A_123 = tpu.memref_squeeze %dma_wait3A_122 : memref<1x1x1024xi32, #tpu.memory_space<hbm>> -> memref<1x1024xi32, #tpu.memory_space<hbm>>
          %dma_wait3A_124 = tpu.memref_slice %arg11[%rem3A_106] : memref<4x!tpu.dma_semaphore, #tpu.memory_space<semaphore_mem>> -> memref<1x!tpu.dma_semaphore, #tpu.memory_space<semaphore_mem>>
          %dma_wait3A_125 = tpu.memref_squeeze %dma_wait3A_124 : memref<1x!tpu.dma_semaphore, #tpu.memory_space<semaphore_mem>> -> memref<!tpu.dma_semaphore, #tpu.memory_space<semaphore_mem>>
          %dma_wait3A_126 = arith.constant 0 : i32
          %dma_wait3A_127 = tpu.memref_slice %arg7[%rem3A_106, %dma_wait3A_126] : memref<4x1024xi32, #tpu.memory_space<vmem>> -> memref<1x1024xi32, #tpu.memory_space<vmem>>
          %dma_wait3A_128 = arith.constant 0 : i32
          %dma_wait3A_129 = tpu.memref_slice %arg2[%dma_wait3A_118, %add3A_107, %dma_wait3A_128] : memref<2x3125x1024xi32, #tpu.memory_space<hbm>> -> memref<1x1x1024xi32, #tpu.memory_space<hbm>>
          %dma_wait3A_130 = tpu.memref_squeeze %dma_wait3A_129 : memref<1x1x1024xi32, #tpu.memory_space<hbm>> -> memref<1x1024xi32, #tpu.memory_space<hbm>>
          tpu.wait_dma2 semaphore(%dma_wait3A_125 : memref<!tpu.dma_semaphore, #tpu.memory_space<semaphore_mem>>) src(%dma_wait3A_130 : memref<1x1024xi32, #tpu.memory_space<hbm>>) dst(%dma_wait3A_127 : memref<1x1024xi32, #tpu.memory_space<vmem>>)
        } else {
        }
        %ge3A_113 = arith.constant 3125 : i32
        %ge3A_114 = arith.cmpi sge, %add3A_107, %ge3A_113 : i32
        %convert_element_type3A_115 = arith.extui %ge3A_114 : i1 to i32
        %cond3A_116 = arith.constant 0 : i32
        %cond3A_117 = arith.cmpi ne, %convert_element_type3A_115, %cond3A_116 : i32
        scf.if %cond3A_117 {
          %sub3A = arith.constant 3125 : i32
          %sub3A_118 = arith.subi %add3A_107, %sub3A : i32
          %dma_wait3A_119 = arith.constant 1 : i32
          %dma_wait3A_120 = arith.constant 0 : i32
          %dma_wait3A_121 = tpu.memref_slice %arg7[%rem3A_106, %dma_wait3A_120] : memref<4x1024xi32, #tpu.memory_space<vmem>> -> memref<1x1024xi32, #tpu.memory_space<vmem>>
          %dma_wait3A_122 = arith.constant 0 : i32
          %dma_wait3A_123 = tpu.memref_slice %arg3[%dma_wait3A_119, %sub3A_118, %dma_wait3A_122] : memref<2x11x1024xi32, #tpu.memory_space<hbm>> -> memref<1x1x1024xi32, #tpu.memory_space<hbm>>
          %dma_wait3A_124 = tpu.memref_squeeze %dma_wait3A_123 : memref<1x1x1024xi32, #tpu.memory_space<hbm>> -> memref<1x1024xi32, #tpu.memory_space<hbm>>
          %dma_wait3A_125 = tpu.memref_slice %arg11[%rem3A_106] : memref<4x!tpu.dma_semaphore, #tpu.memory_space<semaphore_mem>> -> memref<1x!tpu.dma_semaphore, #tpu.memory_space<semaphore_mem>>
          %dma_wait3A_126 = tpu.memref_squeeze %dma_wait3A_125 : memref<1x!tpu.dma_semaphore, #tpu.memory_space<semaphore_mem>> -> memref<!tpu.dma_semaphore, #tpu.memory_space<semaphore_mem>>
          %dma_wait3A_127 = arith.constant 0 : i32
          %dma_wait3A_128 = tpu.memref_slice %arg7[%rem3A_106, %dma_wait3A_127] : memref<4x1024xi32, #tpu.memory_space<vmem>> -> memref<1x1024xi32, #tpu.memory_space<vmem>>
          %dma_wait3A_129 = arith.constant 0 : i32
          %dma_wait3A_130 = tpu.memref_slice %arg3[%dma_wait3A_119, %sub3A_118, %dma_wait3A_129] : memref<2x11x1024xi32, #tpu.memory_space<hbm>> -> memref<1x1x1024xi32, #tpu.memory_space<hbm>>
          %dma_wait3A_131 = tpu.memref_squeeze %dma_wait3A_130 : memref<1x1x1024xi32, #tpu.memory_space<hbm>> -> memref<1x1024xi32, #tpu.memory_space<hbm>>
          tpu.wait_dma2 semaphore(%dma_wait3A_126 : memref<!tpu.dma_semaphore, #tpu.memory_space<semaphore_mem>>) src(%dma_wait3A_131 : memref<1x1024xi32, #tpu.memory_space<hbm>>) dst(%dma_wait3A_128 : memref<1x1024xi32, #tpu.memory_space<vmem>>)
        } else {
        }
      } else {
      }
      %rem3A_85 = arith.constant 3 : i32
      %rem3A_86 = arith.remsi %scan3A_71, %rem3A_85 : i32
      %dma_start3A = arith.constant 0 : i32
      %dma_start3A_87 = tpu.memref_slice %arg7[%rem3A_73, %dma_start3A] : memref<4x1024xi32, #tpu.memory_space<vmem>> -> memref<1x1024xi32, #tpu.memory_space<vmem>>
      %dma_start3A_88 = tpu.memref_squeeze %dma_start3A_87 : memref<1x1024xi32, #tpu.memory_space<vmem>> -> memref<1024xi32, #tpu.memory_space<vmem>>
      %dma_start3A_89 = arith.constant 0 : i32
      %dma_start3A_90 = arith.constant 0 : i32
      %dma_start3A_91 = tpu.memref_slice %arg10[%dma_start3A_89, %dma_start3A_90] : memref<100352x16xf32, #tpu.memory_space<vmem_shared>> -> memref<100352x16xf32, #tpu.memory_space<vmem_shared>>
      %dma_start3A_92 = tpu.memref_slice %arg12[%rem3A_86] : memref<3x!tpu.dma_semaphore, #tpu.memory_space<semaphore_mem>> -> memref<1x!tpu.dma_semaphore, #tpu.memory_space<semaphore_mem>>
      %dma_start3A_93 = tpu.memref_squeeze %dma_start3A_92 : memref<1x!tpu.dma_semaphore, #tpu.memory_space<semaphore_mem>> -> memref<!tpu.dma_semaphore, #tpu.memory_space<semaphore_mem>>
      tpu.enqueue_indirect_dma source(%arg8 : memref<1024x16xf32, #tpu.memory_space<vmem>>) target(%dma_start3A_91 : memref<100352x16xf32, #tpu.memory_space<vmem_shared>>) offsets(%dma_start3A_88 : memref<1024xi32, #tpu.memory_space<vmem>>) semaphore(%dma_start3A_93 : memref<!tpu.dma_semaphore, #tpu.memory_space<semaphore_mem>>) {add = true}
      %add3A_94 = arith.constant 2 : i32
      %add3A_95 = arith.addi %scan3A_71, %add3A_94 : i32
      %lt3A_96 = arith.constant 98 : i32
      %lt3A_97 = arith.cmpi slt, %add3A_95, %lt3A_96 : i32
      %convert_element_type3A_98 = arith.extui %lt3A_97 : i1 to i32
      %cond3A_99 = arith.constant 0 : i32
      %cond3A_100 = arith.cmpi ne, %convert_element_type3A_98, %cond3A_99 : i32
      scf.if %cond3A_100 {
        %add3A_101 = arith.constant 2 : i32
        %add3A_102 = arith.addi %scan3A_71, %add3A_101 : i32
        %add3A_103 = arith.constant 2 : i32
        %add3A_104 = arith.addi %scan3A_71, %add3A_103 : i32
        %rem3A_105 = arith.constant 4 : i32
        %rem3A_106 = arith.remsi %add3A_104, %rem3A_105 : i32
        %add3A_107 = arith.addi %mul3A_9, %add3A_102 : i32
        %lt3A_108 = arith.constant 3125 : i32
        %lt3A_109 = arith.cmpi slt, %add3A_107, %lt3A_108 : i32
        %convert_element_type3A_110 = arith.extui %lt3A_109 : i1 to i32
        %cond3A_111 = arith.constant 0 : i32
        %cond3A_112 = arith.cmpi ne, %convert_element_type3A_110, %cond3A_111 : i32
        scf.if %cond3A_112 {
          %dma_start3A_118 = arith.constant 1 : i32
          %dma_start3A_119 = arith.constant 0 : i32
          %dma_start3A_120 = tpu.memref_slice %arg7[%rem3A_106, %dma_start3A_119] : memref<4x1024xi32, #tpu.memory_space<vmem>> -> memref<1x1024xi32, #tpu.memory_space<vmem>>
          %dma_start3A_121 = arith.constant 0 : i32
          %dma_start3A_122 = tpu.memref_slice %arg2[%dma_start3A_118, %add3A_107, %dma_start3A_121] : memref<2x3125x1024xi32, #tpu.memory_space<hbm>> -> memref<1x1x1024xi32, #tpu.memory_space<hbm>>
          %dma_start3A_123 = tpu.memref_squeeze %dma_start3A_122 : memref<1x1x1024xi32, #tpu.memory_space<hbm>> -> memref<1x1024xi32, #tpu.memory_space<hbm>>
          %dma_start3A_124 = tpu.memref_slice %arg11[%rem3A_106] : memref<4x!tpu.dma_semaphore, #tpu.memory_space<semaphore_mem>> -> memref<1x!tpu.dma_semaphore, #tpu.memory_space<semaphore_mem>>
          %dma_start3A_125 = tpu.memref_squeeze %dma_start3A_124 : memref<1x!tpu.dma_semaphore, #tpu.memory_space<semaphore_mem>> -> memref<!tpu.dma_semaphore, #tpu.memory_space<semaphore_mem>>
          %dma_start3A_126 = arith.constant 0 : i32
          %dma_start3A_127 = tpu.memref_slice %arg7[%rem3A_106, %dma_start3A_126] : memref<4x1024xi32, #tpu.memory_space<vmem>> -> memref<1x1024xi32, #tpu.memory_space<vmem>>
          %dma_start3A_128 = arith.constant 0 : i32
          %dma_start3A_129 = tpu.memref_slice %arg2[%dma_start3A_118, %add3A_107, %dma_start3A_128] : memref<2x3125x1024xi32, #tpu.memory_space<hbm>> -> memref<1x1x1024xi32, #tpu.memory_space<hbm>>
          %dma_start3A_130 = tpu.memref_squeeze %dma_start3A_129 : memref<1x1x1024xi32, #tpu.memory_space<hbm>> -> memref<1x1024xi32, #tpu.memory_space<hbm>>
          tpu.enqueue_dma source(%dma_start3A_130 : memref<1x1024xi32, #tpu.memory_space<hbm>>) target(%dma_start3A_127 : memref<1x1024xi32, #tpu.memory_space<vmem>>) target_semaphore(%dma_start3A_125 : memref<!tpu.dma_semaphore, #tpu.memory_space<semaphore_mem>>)
        } else {
        }
        %ge3A_113 = arith.constant 3125 : i32
        %ge3A_114 = arith.cmpi sge, %add3A_107, %ge3A_113 : i32
        %convert_element_type3A_115 = arith.extui %ge3A_114 : i1 to i32
        %cond3A_116 = arith.constant 0 : i32
        %cond3A_117 = arith.cmpi ne, %convert_element_type3A_115, %cond3A_116 : i32
        scf.if %cond3A_117 {
          %sub3A = arith.constant 3125 : i32
          %sub3A_118 = arith.subi %add3A_107, %sub3A : i32
          %dma_start3A_119 = arith.constant 1 : i32
          %dma_start3A_120 = arith.constant 0 : i32
          %dma_start3A_121 = tpu.memref_slice %arg7[%rem3A_106, %dma_start3A_120] : memref<4x1024xi32, #tpu.memory_space<vmem>> -> memref<1x1024xi32, #tpu.memory_space<vmem>>
          %dma_start3A_122 = arith.constant 0 : i32
          %dma_start3A_123 = tpu.memref_slice %arg3[%dma_start3A_119, %sub3A_118, %dma_start3A_122] : memref<2x11x1024xi32, #tpu.memory_space<hbm>> -> memref<1x1x1024xi32, #tpu.memory_space<hbm>>
          %dma_start3A_124 = tpu.memref_squeeze %dma_start3A_123 : memref<1x1x1024xi32, #tpu.memory_space<hbm>> -> memref<1x1024xi32, #tpu.memory_space<hbm>>
          %dma_start3A_125 = tpu.memref_slice %arg11[%rem3A_106] : memref<4x!tpu.dma_semaphore, #tpu.memory_space<semaphore_mem>> -> memref<1x!tpu.dma_semaphore, #tpu.memory_space<semaphore_mem>>
          %dma_start3A_126 = tpu.memref_squeeze %dma_start3A_125 : memref<1x!tpu.dma_semaphore, #tpu.memory_space<semaphore_mem>> -> memref<!tpu.dma_semaphore, #tpu.memory_space<semaphore_mem>>
          %dma_start3A_127 = arith.constant 0 : i32
          %dma_start3A_128 = tpu.memref_slice %arg7[%rem3A_106, %dma_start3A_127] : memref<4x1024xi32, #tpu.memory_space<vmem>> -> memref<1x1024xi32, #tpu.memory_space<vmem>>
          %dma_start3A_129 = arith.constant 0 : i32
          %dma_start3A_130 = tpu.memref_slice %arg3[%dma_start3A_119, %sub3A_118, %dma_start3A_129] : memref<2x11x1024xi32, #tpu.memory_space<hbm>> -> memref<1x1x1024xi32, #tpu.memory_space<hbm>>
          %dma_start3A_131 = tpu.memref_squeeze %dma_start3A_130 : memref<1x1x1024xi32, #tpu.memory_space<hbm>> -> memref<1x1024xi32, #tpu.memory_space<hbm>>
          tpu.enqueue_dma source(%dma_start3A_131 : memref<1x1024xi32, #tpu.memory_space<hbm>>) target(%dma_start3A_128 : memref<1x1024xi32, #tpu.memory_space<vmem>>) target_semaphore(%dma_start3A_126 : memref<!tpu.dma_semaphore, #tpu.memory_space<semaphore_mem>>)
        } else {
        }
      } else {
      }
    }
    %scan3A_47 = arith.constant 98 : i32
    %rem3A = arith.constant 97 : i32
    %rem3A_48 = arith.constant 4 : i32
    %rem3A_49 = arith.remsi %rem3A, %rem3A_48 : i32
    %rem3A_50 = arith.constant 97 : i32
    %rem3A_51 = arith.constant 3 : i32
    %rem3A_52 = arith.remsi %rem3A_50, %rem3A_51 : i32
    %dma_wait3A = arith.constant 0 : i32
    %dma_wait3A_53 = tpu.memref_slice %arg7[%rem3A_49, %dma_wait3A] : memref<4x1024xi32, #tpu.memory_space<vmem>> -> memref<1x1024xi32, #tpu.memory_space<vmem>>
    %dma_wait3A_54 = tpu.memref_squeeze %dma_wait3A_53 : memref<1x1024xi32, #tpu.memory_space<vmem>> -> memref<1024xi32, #tpu.memory_space<vmem>>
    %dma_wait3A_55 = arith.constant 0 : i32
    %dma_wait3A_56 = arith.constant 0 : i32
    %dma_wait3A_57 = tpu.memref_slice %arg10[%dma_wait3A_55, %dma_wait3A_56] : memref<100352x16xf32, #tpu.memory_space<vmem_shared>> -> memref<100352x16xf32, #tpu.memory_space<vmem_shared>>
    %dma_wait3A_58 = tpu.memref_slice %arg12[%rem3A_52] : memref<3x!tpu.dma_semaphore, #tpu.memory_space<semaphore_mem>> -> memref<1x!tpu.dma_semaphore, #tpu.memory_space<semaphore_mem>>
    %dma_wait3A_59 = tpu.memref_squeeze %dma_wait3A_58 : memref<1x!tpu.dma_semaphore, #tpu.memory_space<semaphore_mem>> -> memref<!tpu.dma_semaphore, #tpu.memory_space<semaphore_mem>>
    tpu.wait_indirect_dma semaphore(%dma_wait3A_59 : memref<!tpu.dma_semaphore, #tpu.memory_space<semaphore_mem>>) src(%arg8 : memref<1024x16xf32, #tpu.memory_space<vmem>>) dst(%dma_wait3A_57 : memref<100352x16xf32, #tpu.memory_space<vmem_shared>>)
    %dma_wait3A_60 = arith.constant 0 : i32
    %dma_wait3A_61 = arith.constant 0 : i32
    %dma_wait3A_62 = arith.constant 0 : i32
    %dma_wait3A_63 = tpu.memref_slice %arg7[%dma_wait3A_60, %dma_wait3A_62] : memref<4x1024xi32, #tpu.memory_space<vmem>> -> memref<1x1024xi32, #tpu.memory_space<vmem>>
    %dma_wait3A_64 = tpu.memref_squeeze %dma_wait3A_63 : memref<1x1024xi32, #tpu.memory_space<vmem>> -> memref<1024xi32, #tpu.memory_space<vmem>>
    %dma_wait3A_65 = arith.constant 0 : i32
    %dma_wait3A_66 = arith.constant 0 : i32
    %dma_wait3A_67 = tpu.memref_slice %arg10[%dma_wait3A_65, %dma_wait3A_66] : memref<100352x16xf32, #tpu.memory_space<vmem_shared>> -> memref<100352x16xf32, #tpu.memory_space<vmem_shared>>
    %dma_wait3A_68 = tpu.memref_slice %arg12[%dma_wait3A_61] : memref<3x!tpu.dma_semaphore, #tpu.memory_space<semaphore_mem>> -> memref<1x!tpu.dma_semaphore, #tpu.memory_space<semaphore_mem>>
    %dma_wait3A_69 = tpu.memref_squeeze %dma_wait3A_68 : memref<1x!tpu.dma_semaphore, #tpu.memory_space<semaphore_mem>> -> memref<!tpu.dma_semaphore, #tpu.memory_space<semaphore_mem>>
    tpu.wait_indirect_dma semaphore(%dma_wait3A_69 : memref<!tpu.dma_semaphore, #tpu.memory_space<semaphore_mem>>) src(%arg8 : memref<1024x16xf32, #tpu.memory_space<vmem>>) dst(%dma_wait3A_67 : memref<100352x16xf32, #tpu.memory_space<vmem_shared>>)
    %barrier3A_70 = arith.constant 0 : index
    tpu.barrier barrier_id(%barrier3A_70)
    "tpu.region"() ({
      %run_scoped3A = tpu.sem_alloc : memref<!tpu.dma_semaphore, #tpu.memory_space<semaphore_mem>>
      %dma_start3A = arith.constant 0 : i32
      %dma_start3A_71 = tpu.memref_slice %arg6[%arg0, %mul3A_2, %dma_start3A] : memref<2x100352x16xf32, #tpu.memory_space<hbm>> -> memref<1x6272x16xf32, #tpu.memory_space<hbm>>
      %dma_start3A_72 = tpu.memref_squeeze %dma_start3A_71 : memref<1x6272x16xf32, #tpu.memory_space<hbm>> -> memref<6272x16xf32, #tpu.memory_space<hbm>>
      %dma_start3A_73 = arith.constant 0 : i32
      %dma_start3A_74 = tpu.memref_slice %arg10[%mul3A_2, %dma_start3A_73] : memref<100352x16xf32, #tpu.memory_space<vmem_shared>> -> memref<6272x16xf32, #tpu.memory_space<vmem_shared>>
      tpu.enqueue_dma source(%dma_start3A_74 : memref<6272x16xf32, #tpu.memory_space<vmem_shared>>) target(%dma_start3A_72 : memref<6272x16xf32, #tpu.memory_space<hbm>>) target_semaphore(%run_scoped3A : memref<!tpu.dma_semaphore, #tpu.memory_space<semaphore_mem>>)
      %dma_wait3A_75 = arith.constant 0 : i32
      %dma_wait3A_76 = tpu.memref_slice %arg6[%arg0, %mul3A_2, %dma_wait3A_75] : memref<2x100352x16xf32, #tpu.memory_space<hbm>> -> memref<1x6272x16xf32, #tpu.memory_space<hbm>>
      %dma_wait3A_77 = tpu.memref_squeeze %dma_wait3A_76 : memref<1x6272x16xf32, #tpu.memory_space<hbm>> -> memref<6272x16xf32, #tpu.memory_space<hbm>>
      %dma_wait3A_78 = arith.constant 0 : i32
      %dma_wait3A_79 = tpu.memref_slice %arg10[%mul3A_2, %dma_wait3A_78] : memref<100352x16xf32, #tpu.memory_space<vmem_shared>> -> memref<6272x16xf32, #tpu.memory_space<vmem_shared>>
      tpu.wait_dma2 semaphore(%run_scoped3A : memref<!tpu.dma_semaphore, #tpu.memory_space<semaphore_mem>>) src(%dma_wait3A_79 : memref<6272x16xf32, #tpu.memory_space<vmem_shared>>) dst(%dma_wait3A_77 : memref<6272x16xf32, #tpu.memory_space<hbm>>)
      tpu.yield
    }) : () -> ()
    return
  }
}

#map = affine_map<(d0, d1) -> (0, 0, 0)>
#map1 = affine_map<(d0, d1) -> (0, 0)>
module attributes {stable_mosaic.version = 14 : i64} {
  func.func @k(%arg0: i32, %arg1: i32, %arg2: memref<2x6250x512xi32, #tpu.memory_space<hbm>>, %arg3: memref<2x22x512xi32, #tpu.memory_space<hbm>>, %arg4: memref<100352x16xf32, #tpu.memory_space<hbm>>, %arg5: memref<128x16xf32, #tpu.memory_space<hbm>>, %arg6: memref<2x100352x16xf32, #tpu.memory_space<hbm>>, %arg7: memref<4x512xi32, #tpu.memory_space<vmem>>, %arg8: memref<4x512xi32, #tpu.memory_space<vmem>>, %arg9: memref<3x512x16xf32, #tpu.memory_space<vmem>>, %arg10: memref<128x16xf32, #tpu.memory_space<vmem>>, %arg11: memref<100352x16xf32, #tpu.memory_space<vmem_shared>>, %arg12: memref<4x!tpu.dma_semaphore, #tpu.memory_space<semaphore_mem>>, %arg13: memref<4x!tpu.dma_semaphore, #tpu.memory_space<semaphore_mem>>, %arg14: memref<3x!tpu.dma_semaphore, #tpu.memory_space<semaphore_mem>>) attributes {dimension_semantics = [#tpu.dimension_semantics<core_parallel>, #tpu.dimension_semantics<subcore_parallel>], iteration_bounds = array<i64: 2, 16>, scalar_prefetch = 0 : i64, scratch_operands = 8 : i64, tpu.core_type = #tpu.core_type<sc_vector_subcore>, window_params = [{transform_indices = #map}, {transform_indices = #map}, {transform_indices = #map1}, {transform_indices = #map1}, {transform_indices = #map}]} {
    %mul3A = arith.constant 2 : i32
    %mul3A_0 = arith.muli %arg1, %mul3A : i32
    %add3A = arith.addi %mul3A_0, %arg0 : i32
    "tpu.region"() ({
      %run_scoped3A = tpu.sem_alloc : memref<!tpu.dma_semaphore, #tpu.memory_space<semaphore_mem>>
      tpu.enqueue_dma source(%arg5 : memref<128x16xf32, #tpu.memory_space<hbm>>) target(%arg10 : memref<128x16xf32, #tpu.memory_space<vmem>>) target_semaphore(%run_scoped3A : memref<!tpu.dma_semaphore, #tpu.memory_space<semaphore_mem>>)
      tpu.wait_dma2 semaphore(%run_scoped3A : memref<!tpu.dma_semaphore, #tpu.memory_space<semaphore_mem>>) src(%arg5 : memref<128x16xf32, #tpu.memory_space<hbm>>) dst(%arg10 : memref<128x16xf32, #tpu.memory_space<vmem>>)
      tpu.yield
    }) : () -> ()
    %mul3A_1 = arith.constant 6272 : i32
    %mul3A_2 = arith.muli %arg1, %mul3A_1 : i32
    %scan3A = arith.constant 0 : i32
    %scan3A_3 = arith.constant 0 : i32
    %scan3A_4 = arith.constant 49 : i32
    %scan3A_5 = arith.addi %scan3A_3, %scan3A_4 : i32
    %scan3A_6 = arith.constant 1 : i32
    scf.for %scan3A_97 = %scan3A_3 to %scan3A_5 step %scan3A_6  : i32 {
      %mul3A_98 = arith.constant 128 : i32
      %mul3A_99 = arith.muli %scan3A_97, %mul3A_98 : i32
      %add3A_100 = arith.addi %mul3A_2, %mul3A_99 : i32
      "tpu.region"() ({
        %run_scoped3A = tpu.sem_alloc : memref<!tpu.dma_semaphore, #tpu.memory_space<semaphore_mem>>
        %dma_start3A_101 = arith.constant 0 : i32
        %dma_start3A_102 = tpu.memref_slice %arg11[%add3A_100, %dma_start3A_101] : memref<100352x16xf32, #tpu.memory_space<vmem_shared>> -> memref<128x16xf32, #tpu.memory_space<vmem_shared>>
        %dma_start3A_103 = arith.constant 0 : i32
        %dma_start3A_104 = tpu.memref_slice %arg11[%add3A_100, %dma_start3A_103] : memref<100352x16xf32, #tpu.memory_space<vmem_shared>> -> memref<128x16xf32, #tpu.memory_space<vmem_shared>>
        tpu.enqueue_dma source(%arg10 : memref<128x16xf32, #tpu.memory_space<vmem>>) target(%dma_start3A_104 : memref<128x16xf32, #tpu.memory_space<vmem_shared>>) target_semaphore(%run_scoped3A : memref<!tpu.dma_semaphore, #tpu.memory_space<semaphore_mem>>)
        %dma_wait3A_105 = arith.constant 0 : i32
        %dma_wait3A_106 = tpu.memref_slice %arg11[%add3A_100, %dma_wait3A_105] : memref<100352x16xf32, #tpu.memory_space<vmem_shared>> -> memref<128x16xf32, #tpu.memory_space<vmem_shared>>
        %dma_wait3A_107 = arith.constant 0 : i32
        %dma_wait3A_108 = tpu.memref_slice %arg11[%add3A_100, %dma_wait3A_107] : memref<100352x16xf32, #tpu.memory_space<vmem_shared>> -> memref<128x16xf32, #tpu.memory_space<vmem_shared>>
        tpu.wait_dma2 semaphore(%run_scoped3A : memref<!tpu.dma_semaphore, #tpu.memory_space<semaphore_mem>>) src(%arg10 : memref<128x16xf32, #tpu.memory_space<vmem>>) dst(%dma_wait3A_108 : memref<128x16xf32, #tpu.memory_space<vmem_shared>>)
        tpu.yield
      }) : () -> ()
    }
    %scan3A_7 = arith.constant 49 : i32
    %barrier3A = arith.constant 0 : index
    tpu.barrier barrier_id(%barrier3A)
    %mul3A_8 = arith.constant 196 : i32
    %mul3A_9 = arith.muli %add3A, %mul3A_8 : i32
    %add3A_10 = arith.constant 0 : i32
    %add3A_11 = arith.addi %mul3A_9, %add3A_10 : i32
    %lt3A = arith.constant 6250 : i32
    %lt3A_12 = arith.cmpi slt, %add3A_11, %lt3A : i32
    %convert_element_type3A = arith.extui %lt3A_12 : i1 to i32
    %cond3A = arith.constant 0 : i32
    %cond3A_13 = arith.cmpi ne, %convert_element_type3A, %cond3A : i32
    scf.if %cond3A_13 {
      %dma_start3A_97 = arith.constant 0 : i32
      %dma_start3A_98 = arith.constant 0 : i32
      %dma_start3A_99 = arith.constant 0 : i32
      %dma_start3A_100 = arith.constant 0 : i32
      %dma_start3A_101 = tpu.memref_slice %arg7[%dma_start3A_99, %dma_start3A_100] : memref<4x512xi32, #tpu.memory_space<vmem>> -> memref<1x512xi32, #tpu.memory_space<vmem>>
      %dma_start3A_102 = arith.constant 0 : i32
      %dma_start3A_103 = tpu.memref_slice %arg2[%dma_start3A_97, %add3A_11, %dma_start3A_102] : memref<2x6250x512xi32, #tpu.memory_space<hbm>> -> memref<1x1x512xi32, #tpu.memory_space<hbm>>
      %dma_start3A_104 = tpu.memref_squeeze %dma_start3A_103 : memref<1x1x512xi32, #tpu.memory_space<hbm>> -> memref<1x512xi32, #tpu.memory_space<hbm>>
      %dma_start3A_105 = tpu.memref_slice %arg13[%dma_start3A_98] : memref<4x!tpu.dma_semaphore, #tpu.memory_space<semaphore_mem>> -> memref<1x!tpu.dma_semaphore, #tpu.memory_space<semaphore_mem>>
      %dma_start3A_106 = tpu.memref_squeeze %dma_start3A_105 : memref<1x!tpu.dma_semaphore, #tpu.memory_space<semaphore_mem>> -> memref<!tpu.dma_semaphore, #tpu.memory_space<semaphore_mem>>
      %dma_start3A_107 = arith.constant 0 : i32
      %dma_start3A_108 = arith.constant 0 : i32
      %dma_start3A_109 = tpu.memref_slice %arg7[%dma_start3A_107, %dma_start3A_108] : memref<4x512xi32, #tpu.memory_space<vmem>> -> memref<1x512xi32, #tpu.memory_space<vmem>>
      %dma_start3A_110 = arith.constant 0 : i32
      %dma_start3A_111 = tpu.memref_slice %arg2[%dma_start3A_97, %add3A_11, %dma_start3A_110] : memref<2x6250x512xi32, #tpu.memory_space<hbm>> -> memref<1x1x512xi32, #tpu.memory_space<hbm>>
      %dma_start3A_112 = tpu.memref_squeeze %dma_start3A_111 : memref<1x1x512xi32, #tpu.memory_space<hbm>> -> memref<1x512xi32, #tpu.memory_space<hbm>>
      tpu.enqueue_dma source(%dma_start3A_112 : memref<1x512xi32, #tpu.memory_space<hbm>>) target(%dma_start3A_109 : memref<1x512xi32, #tpu.memory_space<vmem>>) target_semaphore(%dma_start3A_106 : memref<!tpu.dma_semaphore, #tpu.memory_space<semaphore_mem>>)
      %dma_start3A_113 = arith.constant 1 : i32
      %dma_start3A_114 = arith.constant 0 : i32
      %dma_start3A_115 = arith.constant 0 : i32
      %dma_start3A_116 = arith.constant 0 : i32
      %dma_start3A_117 = tpu.memref_slice %arg8[%dma_start3A_115, %dma_start3A_116] : memref<4x512xi32, #tpu.memory_space<vmem>> -> memref<1x512xi32, #tpu.memory_space<vmem>>
      %dma_start3A_118 = arith.constant 0 : i32
      %dma_start3A_119 = tpu.memref_slice %arg2[%dma_start3A_113, %add3A_11, %dma_start3A_118] : memref<2x6250x512xi32, #tpu.memory_space<hbm>> -> memref<1x1x512xi32, #tpu.memory_space<hbm>>
      %dma_start3A_120 = tpu.memref_squeeze %dma_start3A_119 : memref<1x1x512xi32, #tpu.memory_space<hbm>> -> memref<1x512xi32, #tpu.memory_space<hbm>>
      %dma_start3A_121 = tpu.memref_slice %arg13[%dma_start3A_114] : memref<4x!tpu.dma_semaphore, #tpu.memory_space<semaphore_mem>> -> memref<1x!tpu.dma_semaphore, #tpu.memory_space<semaphore_mem>>
      %dma_start3A_122 = tpu.memref_squeeze %dma_start3A_121 : memref<1x!tpu.dma_semaphore, #tpu.memory_space<semaphore_mem>> -> memref<!tpu.dma_semaphore, #tpu.memory_space<semaphore_mem>>
      %dma_start3A_123 = arith.constant 0 : i32
      %dma_start3A_124 = arith.constant 0 : i32
      %dma_start3A_125 = tpu.memref_slice %arg8[%dma_start3A_123, %dma_start3A_124] : memref<4x512xi32, #tpu.memory_space<vmem>> -> memref<1x512xi32, #tpu.memory_space<vmem>>
      %dma_start3A_126 = arith.constant 0 : i32
      %dma_start3A_127 = tpu.memref_slice %arg2[%dma_start3A_113, %add3A_11, %dma_start3A_126] : memref<2x6250x512xi32, #tpu.memory_space<hbm>> -> memref<1x1x512xi32, #tpu.memory_space<hbm>>
      %dma_start3A_128 = tpu.memref_squeeze %dma_start3A_127 : memref<1x1x512xi32, #tpu.memory_space<hbm>> -> memref<1x512xi32, #tpu.memory_space<hbm>>
      tpu.enqueue_dma source(%dma_start3A_128 : memref<1x512xi32, #tpu.memory_space<hbm>>) target(%dma_start3A_125 : memref<1x512xi32, #tpu.memory_space<vmem>>) target_semaphore(%dma_start3A_122 : memref<!tpu.dma_semaphore, #tpu.memory_space<semaphore_mem>>)
    } else {
    }
    %ge3A = arith.constant 6250 : i32
    %ge3A_14 = arith.cmpi sge, %add3A_11, %ge3A : i32
    %convert_element_type3A_15 = arith.extui %ge3A_14 : i1 to i32
    %cond3A_16 = arith.constant 0 : i32
    %cond3A_17 = arith.cmpi ne, %convert_element_type3A_15, %cond3A_16 : i32
    scf.if %cond3A_17 {
      %sub3A = arith.constant 6250 : i32
      %sub3A_97 = arith.subi %add3A_11, %sub3A : i32
      %dma_start3A_98 = arith.constant 0 : i32
      %dma_start3A_99 = arith.constant 0 : i32
      %dma_start3A_100 = arith.constant 0 : i32
      %dma_start3A_101 = arith.constant 0 : i32
      %dma_start3A_102 = tpu.memref_slice %arg7[%dma_start3A_100, %dma_start3A_101] : memref<4x512xi32, #tpu.memory_space<vmem>> -> memref<1x512xi32, #tpu.memory_space<vmem>>
      %dma_start3A_103 = arith.constant 0 : i32
      %dma_start3A_104 = tpu.memref_slice %arg3[%dma_start3A_98, %sub3A_97, %dma_start3A_103] : memref<2x22x512xi32, #tpu.memory_space<hbm>> -> memref<1x1x512xi32, #tpu.memory_space<hbm>>
      %dma_start3A_105 = tpu.memref_squeeze %dma_start3A_104 : memref<1x1x512xi32, #tpu.memory_space<hbm>> -> memref<1x512xi32, #tpu.memory_space<hbm>>
      %dma_start3A_106 = tpu.memref_slice %arg13[%dma_start3A_99] : memref<4x!tpu.dma_semaphore, #tpu.memory_space<semaphore_mem>> -> memref<1x!tpu.dma_semaphore, #tpu.memory_space<semaphore_mem>>
      %dma_start3A_107 = tpu.memref_squeeze %dma_start3A_106 : memref<1x!tpu.dma_semaphore, #tpu.memory_space<semaphore_mem>> -> memref<!tpu.dma_semaphore, #tpu.memory_space<semaphore_mem>>
      %dma_start3A_108 = arith.constant 0 : i32
      %dma_start3A_109 = arith.constant 0 : i32
      %dma_start3A_110 = tpu.memref_slice %arg7[%dma_start3A_108, %dma_start3A_109] : memref<4x512xi32, #tpu.memory_space<vmem>> -> memref<1x512xi32, #tpu.memory_space<vmem>>
      %dma_start3A_111 = arith.constant 0 : i32
      %dma_start3A_112 = tpu.memref_slice %arg3[%dma_start3A_98, %sub3A_97, %dma_start3A_111] : memref<2x22x512xi32, #tpu.memory_space<hbm>> -> memref<1x1x512xi32, #tpu.memory_space<hbm>>
      %dma_start3A_113 = tpu.memref_squeeze %dma_start3A_112 : memref<1x1x512xi32, #tpu.memory_space<hbm>> -> memref<1x512xi32, #tpu.memory_space<hbm>>
      tpu.enqueue_dma source(%dma_start3A_113 : memref<1x512xi32, #tpu.memory_space<hbm>>) target(%dma_start3A_110 : memref<1x512xi32, #tpu.memory_space<vmem>>) target_semaphore(%dma_start3A_107 : memref<!tpu.dma_semaphore, #tpu.memory_space<semaphore_mem>>)
      %sub3A_114 = arith.constant 6250 : i32
      %sub3A_115 = arith.subi %add3A_11, %sub3A_114 : i32
      %dma_start3A_116 = arith.constant 1 : i32
      %dma_start3A_117 = arith.constant 0 : i32
      %dma_start3A_118 = arith.constant 0 : i32
      %dma_start3A_119 = arith.constant 0 : i32
      %dma_start3A_120 = tpu.memref_slice %arg8[%dma_start3A_118, %dma_start3A_119] : memref<4x512xi32, #tpu.memory_space<vmem>> -> memref<1x512xi32, #tpu.memory_space<vmem>>
      %dma_start3A_121 = arith.constant 0 : i32
      %dma_start3A_122 = tpu.memref_slice %arg3[%dma_start3A_116, %sub3A_115, %dma_start3A_121] : memref<2x22x512xi32, #tpu.memory_space<hbm>> -> memref<1x1x512xi32, #tpu.memory_space<hbm>>
      %dma_start3A_123 = tpu.memref_squeeze %dma_start3A_122 : memref<1x1x512xi32, #tpu.memory_space<hbm>> -> memref<1x512xi32, #tpu.memory_space<hbm>>
      %dma_start3A_124 = tpu.memref_slice %arg13[%dma_start3A_117] : memref<4x!tpu.dma_semaphore, #tpu.memory_space<semaphore_mem>> -> memref<1x!tpu.dma_semaphore, #tpu.memory_space<semaphore_mem>>
      %dma_start3A_125 = tpu.memref_squeeze %dma_start3A_124 : memref<1x!tpu.dma_semaphore, #tpu.memory_space<semaphore_mem>> -> memref<!tpu.dma_semaphore, #tpu.memory_space<semaphore_mem>>
      %dma_start3A_126 = arith.constant 0 : i32
      %dma_start3A_127 = arith.constant 0 : i32
      %dma_start3A_128 = tpu.memref_slice %arg8[%dma_start3A_126, %dma_start3A_127] : memref<4x512xi32, #tpu.memory_space<vmem>> -> memref<1x512xi32, #tpu.memory_space<vmem>>
      %dma_start3A_129 = arith.constant 0 : i32
      %dma_start3A_130 = tpu.memref_slice %arg3[%dma_start3A_116, %sub3A_115, %dma_start3A_129] : memref<2x22x512xi32, #tpu.memory_space<hbm>> -> memref<1x1x512xi32, #tpu.memory_space<hbm>>
      %dma_start3A_131 = tpu.memref_squeeze %dma_start3A_130 : memref<1x1x512xi32, #tpu.memory_space<hbm>> -> memref<1x512xi32, #tpu.memory_space<hbm>>
      tpu.enqueue_dma source(%dma_start3A_131 : memref<1x512xi32, #tpu.memory_space<hbm>>) target(%dma_start3A_128 : memref<1x512xi32, #tpu.memory_space<vmem>>) target_semaphore(%dma_start3A_125 : memref<!tpu.dma_semaphore, #tpu.memory_space<semaphore_mem>>)
    } else {
    }
    %add3A_18 = arith.constant 0 : i32
    %add3A_19 = arith.addi %mul3A_9, %add3A_18 : i32
    %lt3A_20 = arith.constant 6250 : i32
    %lt3A_21 = arith.cmpi slt, %add3A_19, %lt3A_20 : i32
    %convert_element_type3A_22 = arith.extui %lt3A_21 : i1 to i32
    %cond3A_23 = arith.constant 0 : i32
    %cond3A_24 = arith.cmpi ne, %convert_element_type3A_22, %cond3A_23 : i32
    scf.if %cond3A_24 {
      %dma_wait3A_97 = arith.constant 0 : i32
      %dma_wait3A_98 = arith.constant 0 : i32
      %dma_wait3A_99 = arith.constant 0 : i32
      %dma_wait3A_100 = arith.constant 0 : i32
      %dma_wait3A_101 = tpu.memref_slice %arg7[%dma_wait3A_99, %dma_wait3A_100] : memref<4x512xi32, #tpu.memory_space<vmem>> -> memref<1x512xi32, #tpu.memory_space<vmem>>
      %dma_wait3A_102 = arith.constant 0 : i32
      %dma_wait3A_103 = tpu.memref_slice %arg2[%dma_wait3A_97, %add3A_19, %dma_wait3A_102] : memref<2x6250x512xi32, #tpu.memory_space<hbm>> -> memref<1x1x512xi32, #tpu.memory_space<hbm>>
      %dma_wait3A_104 = tpu.memref_squeeze %dma_wait3A_103 : memref<1x1x512xi32, #tpu.memory_space<hbm>> -> memref<1x512xi32, #tpu.memory_space<hbm>>
      %dma_wait3A_105 = tpu.memref_slice %arg13[%dma_wait3A_98] : memref<4x!tpu.dma_semaphore, #tpu.memory_space<semaphore_mem>> -> memref<1x!tpu.dma_semaphore, #tpu.memory_space<semaphore_mem>>
      %dma_wait3A_106 = tpu.memref_squeeze %dma_wait3A_105 : memref<1x!tpu.dma_semaphore, #tpu.memory_space<semaphore_mem>> -> memref<!tpu.dma_semaphore, #tpu.memory_space<semaphore_mem>>
      %dma_wait3A_107 = arith.constant 0 : i32
      %dma_wait3A_108 = arith.constant 0 : i32
      %dma_wait3A_109 = tpu.memref_slice %arg7[%dma_wait3A_107, %dma_wait3A_108] : memref<4x512xi32, #tpu.memory_space<vmem>> -> memref<1x512xi32, #tpu.memory_space<vmem>>
      %dma_wait3A_110 = arith.constant 0 : i32
      %dma_wait3A_111 = tpu.memref_slice %arg2[%dma_wait3A_97, %add3A_19, %dma_wait3A_110] : memref<2x6250x512xi32, #tpu.memory_space<hbm>> -> memref<1x1x512xi32, #tpu.memory_space<hbm>>
      %dma_wait3A_112 = tpu.memref_squeeze %dma_wait3A_111 : memref<1x1x512xi32, #tpu.memory_space<hbm>> -> memref<1x512xi32, #tpu.memory_space<hbm>>
      tpu.wait_dma2 semaphore(%dma_wait3A_106 : memref<!tpu.dma_semaphore, #tpu.memory_space<semaphore_mem>>) src(%dma_wait3A_112 : memref<1x512xi32, #tpu.memory_space<hbm>>) dst(%dma_wait3A_109 : memref<1x512xi32, #tpu.memory_space<vmem>>)
      %dma_wait3A_113 = arith.constant 1 : i32
      %dma_wait3A_114 = arith.constant 0 : i32
      %dma_wait3A_115 = arith.constant 0 : i32
      %dma_wait3A_116 = arith.constant 0 : i32
      %dma_wait3A_117 = tpu.memref_slice %arg8[%dma_wait3A_115, %dma_wait3A_116] : memref<4x512xi32, #tpu.memory_space<vmem>> -> memref<1x512xi32, #tpu.memory_space<vmem>>
      %dma_wait3A_118 = arith.constant 0 : i32
      %dma_wait3A_119 = tpu.memref_slice %arg2[%dma_wait3A_113, %add3A_19, %dma_wait3A_118] : memref<2x6250x512xi32, #tpu.memory_space<hbm>> -> memref<1x1x512xi32, #tpu.memory_space<hbm>>
      %dma_wait3A_120 = tpu.memref_squeeze %dma_wait3A_119 : memref<1x1x512xi32, #tpu.memory_space<hbm>> -> memref<1x512xi32, #tpu.memory_space<hbm>>
      %dma_wait3A_121 = tpu.memref_slice %arg13[%dma_wait3A_114] : memref<4x!tpu.dma_semaphore, #tpu.memory_space<semaphore_mem>> -> memref<1x!tpu.dma_semaphore, #tpu.memory_space<semaphore_mem>>
      %dma_wait3A_122 = tpu.memref_squeeze %dma_wait3A_121 : memref<1x!tpu.dma_semaphore, #tpu.memory_space<semaphore_mem>> -> memref<!tpu.dma_semaphore, #tpu.memory_space<semaphore_mem>>
      %dma_wait3A_123 = arith.constant 0 : i32
      %dma_wait3A_124 = arith.constant 0 : i32
      %dma_wait3A_125 = tpu.memref_slice %arg8[%dma_wait3A_123, %dma_wait3A_124] : memref<4x512xi32, #tpu.memory_space<vmem>> -> memref<1x512xi32, #tpu.memory_space<vmem>>
      %dma_wait3A_126 = arith.constant 0 : i32
      %dma_wait3A_127 = tpu.memref_slice %arg2[%dma_wait3A_113, %add3A_19, %dma_wait3A_126] : memref<2x6250x512xi32, #tpu.memory_space<hbm>> -> memref<1x1x512xi32, #tpu.memory_space<hbm>>
      %dma_wait3A_128 = tpu.memref_squeeze %dma_wait3A_127 : memref<1x1x512xi32, #tpu.memory_space<hbm>> -> memref<1x512xi32, #tpu.memory_space<hbm>>
      tpu.wait_dma2 semaphore(%dma_wait3A_122 : memref<!tpu.dma_semaphore, #tpu.memory_space<semaphore_mem>>) src(%dma_wait3A_128 : memref<1x512xi32, #tpu.memory_space<hbm>>) dst(%dma_wait3A_125 : memref<1x512xi32, #tpu.memory_space<vmem>>)
    } else {
    }
    %ge3A_25 = arith.constant 6250 : i32
    %ge3A_26 = arith.cmpi sge, %add3A_19, %ge3A_25 : i32
    %convert_element_type3A_27 = arith.extui %ge3A_26 : i1 to i32
    %cond3A_28 = arith.constant 0 : i32
    %cond3A_29 = arith.cmpi ne, %convert_element_type3A_27, %cond3A_28 : i32
    scf.if %cond3A_29 {
      %sub3A = arith.constant 6250 : i32
      %sub3A_97 = arith.subi %add3A_19, %sub3A : i32
      %dma_wait3A_98 = arith.constant 0 : i32
      %dma_wait3A_99 = arith.constant 0 : i32
      %dma_wait3A_100 = arith.constant 0 : i32
      %dma_wait3A_101 = arith.constant 0 : i32
      %dma_wait3A_102 = tpu.memref_slice %arg7[%dma_wait3A_100, %dma_wait3A_101] : memref<4x512xi32, #tpu.memory_space<vmem>> -> memref<1x512xi32, #tpu.memory_space<vmem>>
      %dma_wait3A_103 = arith.constant 0 : i32
      %dma_wait3A_104 = tpu.memref_slice %arg3[%dma_wait3A_98, %sub3A_97, %dma_wait3A_103] : memref<2x22x512xi32, #tpu.memory_space<hbm>> -> memref<1x1x512xi32, #tpu.memory_space<hbm>>
      %dma_wait3A_105 = tpu.memref_squeeze %dma_wait3A_104 : memref<1x1x512xi32, #tpu.memory_space<hbm>> -> memref<1x512xi32, #tpu.memory_space<hbm>>
      %dma_wait3A_106 = tpu.memref_slice %arg13[%dma_wait3A_99] : memref<4x!tpu.dma_semaphore, #tpu.memory_space<semaphore_mem>> -> memref<1x!tpu.dma_semaphore, #tpu.memory_space<semaphore_mem>>
      %dma_wait3A_107 = tpu.memref_squeeze %dma_wait3A_106 : memref<1x!tpu.dma_semaphore, #tpu.memory_space<semaphore_mem>> -> memref<!tpu.dma_semaphore, #tpu.memory_space<semaphore_mem>>
      %dma_wait3A_108 = arith.constant 0 : i32
      %dma_wait3A_109 = arith.constant 0 : i32
      %dma_wait3A_110 = tpu.memref_slice %arg7[%dma_wait3A_108, %dma_wait3A_109] : memref<4x512xi32, #tpu.memory_space<vmem>> -> memref<1x512xi32, #tpu.memory_space<vmem>>
      %dma_wait3A_111 = arith.constant 0 : i32
      %dma_wait3A_112 = tpu.memref_slice %arg3[%dma_wait3A_98, %sub3A_97, %dma_wait3A_111] : memref<2x22x512xi32, #tpu.memory_space<hbm>> -> memref<1x1x512xi32, #tpu.memory_space<hbm>>
      %dma_wait3A_113 = tpu.memref_squeeze %dma_wait3A_112 : memref<1x1x512xi32, #tpu.memory_space<hbm>> -> memref<1x512xi32, #tpu.memory_space<hbm>>
      tpu.wait_dma2 semaphore(%dma_wait3A_107 : memref<!tpu.dma_semaphore, #tpu.memory_space<semaphore_mem>>) src(%dma_wait3A_113 : memref<1x512xi32, #tpu.memory_space<hbm>>) dst(%dma_wait3A_110 : memref<1x512xi32, #tpu.memory_space<vmem>>)
      %sub3A_114 = arith.constant 6250 : i32
      %sub3A_115 = arith.subi %add3A_19, %sub3A_114 : i32
      %dma_wait3A_116 = arith.constant 1 : i32
      %dma_wait3A_117 = arith.constant 0 : i32
      %dma_wait3A_118 = arith.constant 0 : i32
      %dma_wait3A_119 = arith.constant 0 : i32
      %dma_wait3A_120 = tpu.memref_slice %arg8[%dma_wait3A_118, %dma_wait3A_119] : memref<4x512xi32, #tpu.memory_space<vmem>> -> memref<1x512xi32, #tpu.memory_space<vmem>>
      %dma_wait3A_121 = arith.constant 0 : i32
      %dma_wait3A_122 = tpu.memref_slice %arg3[%dma_wait3A_116, %sub3A_115, %dma_wait3A_121] : memref<2x22x512xi32, #tpu.memory_space<hbm>> -> memref<1x1x512xi32, #tpu.memory_space<hbm>>
      %dma_wait3A_123 = tpu.memref_squeeze %dma_wait3A_122 : memref<1x1x512xi32, #tpu.memory_space<hbm>> -> memref<1x512xi32, #tpu.memory_space<hbm>>
      %dma_wait3A_124 = tpu.memref_slice %arg13[%dma_wait3A_117] : memref<4x!tpu.dma_semaphore, #tpu.memory_space<semaphore_mem>> -> memref<1x!tpu.dma_semaphore, #tpu.memory_space<semaphore_mem>>
      %dma_wait3A_125 = tpu.memref_squeeze %dma_wait3A_124 : memref<1x!tpu.dma_semaphore, #tpu.memory_space<semaphore_mem>> -> memref<!tpu.dma_semaphore, #tpu.memory_space<semaphore_mem>>
      %dma_wait3A_126 = arith.constant 0 : i32
      %dma_wait3A_127 = arith.constant 0 : i32
      %dma_wait3A_128 = tpu.memref_slice %arg8[%dma_wait3A_126, %dma_wait3A_127] : memref<4x512xi32, #tpu.memory_space<vmem>> -> memref<1x512xi32, #tpu.memory_space<vmem>>
      %dma_wait3A_129 = arith.constant 0 : i32
      %dma_wait3A_130 = tpu.memref_slice %arg3[%dma_wait3A_116, %sub3A_115, %dma_wait3A_129] : memref<2x22x512xi32, #tpu.memory_space<hbm>> -> memref<1x1x512xi32, #tpu.memory_space<hbm>>
      %dma_wait3A_131 = tpu.memref_squeeze %dma_wait3A_130 : memref<1x1x512xi32, #tpu.memory_space<hbm>> -> memref<1x512xi32, #tpu.memory_space<hbm>>
      tpu.wait_dma2 semaphore(%dma_wait3A_125 : memref<!tpu.dma_semaphore, #tpu.memory_space<semaphore_mem>>) src(%dma_wait3A_131 : memref<1x512xi32, #tpu.memory_space<hbm>>) dst(%dma_wait3A_128 : memref<1x512xi32, #tpu.memory_space<vmem>>)
    } else {
    }
    %dma_start3A = arith.constant 0 : i32
    %dma_start3A_30 = arith.constant 0 : i32
    %dma_start3A_31 = arith.constant 0 : i32
    %dma_start3A_32 = arith.constant 0 : i32
    %dma_start3A_33 = arith.constant 0 : i32
    %dma_start3A_34 = tpu.memref_slice %arg9[%dma_start3A_30, %dma_start3A_32, %dma_start3A_33] : memref<3x512x16xf32, #tpu.memory_space<vmem>> -> memref<1x512x16xf32, #tpu.memory_space<vmem>>
    %dma_start3A_35 = tpu.memref_squeeze %dma_start3A_34 : memref<1x512x16xf32, #tpu.memory_space<vmem>> -> memref<512x16xf32, #tpu.memory_space<vmem>>
    %dma_start3A_36 = arith.constant 0 : i32
    %dma_start3A_37 = tpu.memref_slice %arg7[%dma_start3A, %dma_start3A_36] : memref<4x512xi32, #tpu.memory_space<vmem>> -> memref<1x512xi32, #tpu.memory_space<vmem>>
    %dma_start3A_38 = tpu.memref_squeeze %dma_start3A_37 : memref<1x512xi32, #tpu.memory_space<vmem>> -> memref<512xi32, #tpu.memory_space<vmem>>
    %dma_start3A_39 = arith.constant 0 : i32
    %dma_start3A_40 = arith.constant 0 : i32
    %dma_start3A_41 = tpu.memref_slice %arg4[%dma_start3A_39, %dma_start3A_40] : memref<100352x16xf32, #tpu.memory_space<hbm>> -> memref<100352x16xf32, #tpu.memory_space<hbm>>
    %dma_start3A_42 = tpu.memref_slice %arg12[%dma_start3A_31] : memref<4x!tpu.dma_semaphore, #tpu.memory_space<semaphore_mem>> -> memref<1x!tpu.dma_semaphore, #tpu.memory_space<semaphore_mem>>
    %dma_start3A_43 = tpu.memref_squeeze %dma_start3A_42 : memref<1x!tpu.dma_semaphore, #tpu.memory_space<semaphore_mem>> -> memref<!tpu.dma_semaphore, #tpu.memory_space<semaphore_mem>>
    tpu.enqueue_indirect_dma source(%dma_start3A_41 : memref<100352x16xf32, #tpu.memory_space<hbm>>) target(%dma_start3A_35 : memref<512x16xf32, #tpu.memory_space<vmem>>) offsets(%dma_start3A_38 : memref<512xi32, #tpu.memory_space<vmem>>) semaphore(%dma_start3A_43 : memref<!tpu.dma_semaphore, #tpu.memory_space<semaphore_mem>>)
    %add3A_44 = arith.constant 1 : i32
    %add3A_45 = arith.addi %mul3A_9, %add3A_44 : i32
    %lt3A_46 = arith.constant 6250 : i32
    %lt3A_47 = arith.cmpi slt, %add3A_45, %lt3A_46 : i32
    %convert_element_type3A_48 = arith.extui %lt3A_47 : i1 to i32
    %cond3A_49 = arith.constant 0 : i32
    %cond3A_50 = arith.cmpi ne, %convert_element_type3A_48, %cond3A_49 : i32
    scf.if %cond3A_50 {
      %dma_start3A_97 = arith.constant 0 : i32
      %dma_start3A_98 = arith.constant 1 : i32
      %dma_start3A_99 = arith.constant 1 : i32
      %dma_start3A_100 = arith.constant 0 : i32
      %dma_start3A_101 = tpu.memref_slice %arg7[%dma_start3A_99, %dma_start3A_100] : memref<4x512xi32, #tpu.memory_space<vmem>> -> memref<1x512xi32, #tpu.memory_space<vmem>>
      %dma_start3A_102 = arith.constant 0 : i32
      %dma_start3A_103 = tpu.memref_slice %arg2[%dma_start3A_97, %add3A_45, %dma_start3A_102] : memref<2x6250x512xi32, #tpu.memory_space<hbm>> -> memref<1x1x512xi32, #tpu.memory_space<hbm>>
      %dma_start3A_104 = tpu.memref_squeeze %dma_start3A_103 : memref<1x1x512xi32, #tpu.memory_space<hbm>> -> memref<1x512xi32, #tpu.memory_space<hbm>>
      %dma_start3A_105 = tpu.memref_slice %arg13[%dma_start3A_98] : memref<4x!tpu.dma_semaphore, #tpu.memory_space<semaphore_mem>> -> memref<1x!tpu.dma_semaphore, #tpu.memory_space<semaphore_mem>>
      %dma_start3A_106 = tpu.memref_squeeze %dma_start3A_105 : memref<1x!tpu.dma_semaphore, #tpu.memory_space<semaphore_mem>> -> memref<!tpu.dma_semaphore, #tpu.memory_space<semaphore_mem>>
      %dma_start3A_107 = arith.constant 1 : i32
      %dma_start3A_108 = arith.constant 0 : i32
      %dma_start3A_109 = tpu.memref_slice %arg7[%dma_start3A_107, %dma_start3A_108] : memref<4x512xi32, #tpu.memory_space<vmem>> -> memref<1x512xi32, #tpu.memory_space<vmem>>
      %dma_start3A_110 = arith.constant 0 : i32
      %dma_start3A_111 = tpu.memref_slice %arg2[%dma_start3A_97, %add3A_45, %dma_start3A_110] : memref<2x6250x512xi32, #tpu.memory_space<hbm>> -> memref<1x1x512xi32, #tpu.memory_space<hbm>>
      %dma_start3A_112 = tpu.memref_squeeze %dma_start3A_111 : memref<1x1x512xi32, #tpu.memory_space<hbm>> -> memref<1x512xi32, #tpu.memory_space<hbm>>
      tpu.enqueue_dma source(%dma_start3A_112 : memref<1x512xi32, #tpu.memory_space<hbm>>) target(%dma_start3A_109 : memref<1x512xi32, #tpu.memory_space<vmem>>) target_semaphore(%dma_start3A_106 : memref<!tpu.dma_semaphore, #tpu.memory_space<semaphore_mem>>)
      %dma_start3A_113 = arith.constant 1 : i32
      %dma_start3A_114 = arith.constant 1 : i32
      %dma_start3A_115 = arith.constant 1 : i32
      %dma_start3A_116 = arith.constant 0 : i32
      %dma_start3A_117 = tpu.memref_slice %arg8[%dma_start3A_115, %dma_start3A_116] : memref<4x512xi32, #tpu.memory_space<vmem>> -> memref<1x512xi32, #tpu.memory_space<vmem>>
      %dma_start3A_118 = arith.constant 0 : i32
      %dma_start3A_119 = tpu.memref_slice %arg2[%dma_start3A_113, %add3A_45, %dma_start3A_118] : memref<2x6250x512xi32, #tpu.memory_space<hbm>> -> memref<1x1x512xi32, #tpu.memory_space<hbm>>
      %dma_start3A_120 = tpu.memref_squeeze %dma_start3A_119 : memref<1x1x512xi32, #tpu.memory_space<hbm>> -> memref<1x512xi32, #tpu.memory_space<hbm>>
      %dma_start3A_121 = tpu.memref_slice %arg13[%dma_start3A_114] : memref<4x!tpu.dma_semaphore, #tpu.memory_space<semaphore_mem>> -> memref<1x!tpu.dma_semaphore, #tpu.memory_space<semaphore_mem>>
      %dma_start3A_122 = tpu.memref_squeeze %dma_start3A_121 : memref<1x!tpu.dma_semaphore, #tpu.memory_space<semaphore_mem>> -> memref<!tpu.dma_semaphore, #tpu.memory_space<semaphore_mem>>
      %dma_start3A_123 = arith.constant 1 : i32
      %dma_start3A_124 = arith.constant 0 : i32
      %dma_start3A_125 = tpu.memref_slice %arg8[%dma_start3A_123, %dma_start3A_124] : memref<4x512xi32, #tpu.memory_space<vmem>> -> memref<1x512xi32, #tpu.memory_space<vmem>>
      %dma_start3A_126 = arith.constant 0 : i32
      %dma_start3A_127 = tpu.memref_slice %arg2[%dma_start3A_113, %add3A_45, %dma_start3A_126] : memref<2x6250x512xi32, #tpu.memory_space<hbm>> -> memref<1x1x512xi32, #tpu.memory_space<hbm>>
      %dma_start3A_128 = tpu.memref_squeeze %dma_start3A_127 : memref<1x1x512xi32, #tpu.memory_space<hbm>> -> memref<1x512xi32, #tpu.memory_space<hbm>>
      tpu.enqueue_dma source(%dma_start3A_128 : memref<1x512xi32, #tpu.memory_space<hbm>>) target(%dma_start3A_125 : memref<1x512xi32, #tpu.memory_space<vmem>>) target_semaphore(%dma_start3A_122 : memref<!tpu.dma_semaphore, #tpu.memory_space<semaphore_mem>>)
    } else {
    }
    %ge3A_51 = arith.constant 6250 : i32
    %ge3A_52 = arith.cmpi sge, %add3A_45, %ge3A_51 : i32
    %convert_element_type3A_53 = arith.extui %ge3A_52 : i1 to i32
    %cond3A_54 = arith.constant 0 : i32
    %cond3A_55 = arith.cmpi ne, %convert_element_type3A_53, %cond3A_54 : i32
    scf.if %cond3A_55 {
      %sub3A = arith.constant 6250 : i32
      %sub3A_97 = arith.subi %add3A_45, %sub3A : i32
      %dma_start3A_98 = arith.constant 0 : i32
      %dma_start3A_99 = arith.constant 1 : i32
      %dma_start3A_100 = arith.constant 1 : i32
      %dma_start3A_101 = arith.constant 0 : i32
      %dma_start3A_102 = tpu.memref_slice %arg7[%dma_start3A_100, %dma_start3A_101] : memref<4x512xi32, #tpu.memory_space<vmem>> -> memref<1x512xi32, #tpu.memory_space<vmem>>
      %dma_start3A_103 = arith.constant 0 : i32
      %dma_start3A_104 = tpu.memref_slice %arg3[%dma_start3A_98, %sub3A_97, %dma_start3A_103] : memref<2x22x512xi32, #tpu.memory_space<hbm>> -> memref<1x1x512xi32, #tpu.memory_space<hbm>>
      %dma_start3A_105 = tpu.memref_squeeze %dma_start3A_104 : memref<1x1x512xi32, #tpu.memory_space<hbm>> -> memref<1x512xi32, #tpu.memory_space<hbm>>
      %dma_start3A_106 = tpu.memref_slice %arg13[%dma_start3A_99] : memref<4x!tpu.dma_semaphore, #tpu.memory_space<semaphore_mem>> -> memref<1x!tpu.dma_semaphore, #tpu.memory_space<semaphore_mem>>
      %dma_start3A_107 = tpu.memref_squeeze %dma_start3A_106 : memref<1x!tpu.dma_semaphore, #tpu.memory_space<semaphore_mem>> -> memref<!tpu.dma_semaphore, #tpu.memory_space<semaphore_mem>>
      %dma_start3A_108 = arith.constant 1 : i32
      %dma_start3A_109 = arith.constant 0 : i32
      %dma_start3A_110 = tpu.memref_slice %arg7[%dma_start3A_108, %dma_start3A_109] : memref<4x512xi32, #tpu.memory_space<vmem>> -> memref<1x512xi32, #tpu.memory_space<vmem>>
      %dma_start3A_111 = arith.constant 0 : i32
      %dma_start3A_112 = tpu.memref_slice %arg3[%dma_start3A_98, %sub3A_97, %dma_start3A_111] : memref<2x22x512xi32, #tpu.memory_space<hbm>> -> memref<1x1x512xi32, #tpu.memory_space<hbm>>
      %dma_start3A_113 = tpu.memref_squeeze %dma_start3A_112 : memref<1x1x512xi32, #tpu.memory_space<hbm>> -> memref<1x512xi32, #tpu.memory_space<hbm>>
      tpu.enqueue_dma source(%dma_start3A_113 : memref<1x512xi32, #tpu.memory_space<hbm>>) target(%dma_start3A_110 : memref<1x512xi32, #tpu.memory_space<vmem>>) target_semaphore(%dma_start3A_107 : memref<!tpu.dma_semaphore, #tpu.memory_space<semaphore_mem>>)
      %sub3A_114 = arith.constant 6250 : i32
      %sub3A_115 = arith.subi %add3A_45, %sub3A_114 : i32
      %dma_start3A_116 = arith.constant 1 : i32
      %dma_start3A_117 = arith.constant 1 : i32
      %dma_start3A_118 = arith.constant 1 : i32
      %dma_start3A_119 = arith.constant 0 : i32
      %dma_start3A_120 = tpu.memref_slice %arg8[%dma_start3A_118, %dma_start3A_119] : memref<4x512xi32, #tpu.memory_space<vmem>> -> memref<1x512xi32, #tpu.memory_space<vmem>>
      %dma_start3A_121 = arith.constant 0 : i32
      %dma_start3A_122 = tpu.memref_slice %arg3[%dma_start3A_116, %sub3A_115, %dma_start3A_121] : memref<2x22x512xi32, #tpu.memory_space<hbm>> -> memref<1x1x512xi32, #tpu.memory_space<hbm>>
      %dma_start3A_123 = tpu.memref_squeeze %dma_start3A_122 : memref<1x1x512xi32, #tpu.memory_space<hbm>> -> memref<1x512xi32, #tpu.memory_space<hbm>>
      %dma_start3A_124 = tpu.memref_slice %arg13[%dma_start3A_117] : memref<4x!tpu.dma_semaphore, #tpu.memory_space<semaphore_mem>> -> memref<1x!tpu.dma_semaphore, #tpu.memory_space<semaphore_mem>>
      %dma_start3A_125 = tpu.memref_squeeze %dma_start3A_124 : memref<1x!tpu.dma_semaphore, #tpu.memory_space<semaphore_mem>> -> memref<!tpu.dma_semaphore, #tpu.memory_space<semaphore_mem>>
      %dma_start3A_126 = arith.constant 1 : i32
      %dma_start3A_127 = arith.constant 0 : i32
      %dma_start3A_128 = tpu.memref_slice %arg8[%dma_start3A_126, %dma_start3A_127] : memref<4x512xi32, #tpu.memory_space<vmem>> -> memref<1x512xi32, #tpu.memory_space<vmem>>
      %dma_start3A_129 = arith.constant 0 : i32
      %dma_start3A_130 = tpu.memref_slice %arg3[%dma_start3A_116, %sub3A_115, %dma_start3A_129] : memref<2x22x512xi32, #tpu.memory_space<hbm>> -> memref<1x1x512xi32, #tpu.memory_space<hbm>>
      %dma_start3A_131 = tpu.memref_squeeze %dma_start3A_130 : memref<1x1x512xi32, #tpu.memory_space<hbm>> -> memref<1x512xi32, #tpu.memory_space<hbm>>
      tpu.enqueue_dma source(%dma_start3A_131 : memref<1x512xi32, #tpu.memory_space<hbm>>) target(%dma_start3A_128 : memref<1x512xi32, #tpu.memory_space<vmem>>) target_semaphore(%dma_start3A_125 : memref<!tpu.dma_semaphore, #tpu.memory_space<semaphore_mem>>)
    } else {
    }
    %scan3A_56 = arith.constant 0 : i32
    %scan3A_57 = arith.constant 0 : i32
    %scan3A_58 = arith.constant 196 : i32
    %scan3A_59 = arith.addi %scan3A_57, %scan3A_58 : i32
    %scan3A_60 = arith.constant 1 : i32
    scf.for %scan3A_97 = %scan3A_57 to %scan3A_59 step %scan3A_60  : i32 {
      %rem3A_98 = arith.constant 4 : i32
      %rem3A_99 = arith.remsi %scan3A_97, %rem3A_98 : i32
      %add3A_100 = arith.constant 1 : i32
      %add3A_101 = arith.addi %scan3A_97, %add3A_100 : i32
      %rem3A_102 = arith.constant 4 : i32
      %rem3A_103 = arith.remsi %add3A_101, %rem3A_102 : i32
      %rem3A_104 = arith.constant 3 : i32
      %rem3A_105 = arith.remsi %scan3A_97, %rem3A_104 : i32
      %add3A_106 = arith.constant 1 : i32
      %add3A_107 = arith.addi %scan3A_97, %add3A_106 : i32
      %rem3A_108 = arith.constant 3 : i32
      %rem3A_109 = arith.remsi %add3A_107, %rem3A_108 : i32
      %gt3A = arith.constant 1 : i32
      %gt3A_110 = arith.cmpi sgt, %scan3A_97, %gt3A : i32
      %convert_element_type3A_111 = arith.extui %gt3A_110 : i1 to i32
      %cond3A_112 = arith.constant 0 : i32
      %cond3A_113 = arith.cmpi ne, %convert_element_type3A_111, %cond3A_112 : i32
      scf.if %cond3A_113 {
        %add3A_152 = arith.constant 2 : i32
        %add3A_153 = arith.addi %scan3A_97, %add3A_152 : i32
        %rem3A_154 = arith.constant 4 : i32
        %rem3A_155 = arith.remsi %add3A_153, %rem3A_154 : i32
        %add3A_156 = arith.constant 1 : i32
        %add3A_157 = arith.addi %scan3A_97, %add3A_156 : i32
        %rem3A_158 = arith.constant 3 : i32
        %rem3A_159 = arith.remsi %add3A_157, %rem3A_158 : i32
        %dma_wait3A_160 = arith.constant 0 : i32
        %dma_wait3A_161 = arith.constant 0 : i32
        %dma_wait3A_162 = tpu.memref_slice %arg9[%rem3A_109, %dma_wait3A_160, %dma_wait3A_161] : memref<3x512x16xf32, #tpu.memory_space<vmem>> -> memref<1x512x16xf32, #tpu.memory_space<vmem>>
        %dma_wait3A_163 = tpu.memref_squeeze %dma_wait3A_162 : memref<1x512x16xf32, #tpu.memory_space<vmem>> -> memref<512x16xf32, #tpu.memory_space<vmem>>
        %dma_wait3A_164 = arith.constant 0 : i32
        %dma_wait3A_165 = tpu.memref_slice %arg8[%rem3A_155, %dma_wait3A_164] : memref<4x512xi32, #tpu.memory_space<vmem>> -> memref<1x512xi32, #tpu.memory_space<vmem>>
        %dma_wait3A_166 = tpu.memref_squeeze %dma_wait3A_165 : memref<1x512xi32, #tpu.memory_space<vmem>> -> memref<512xi32, #tpu.memory_space<vmem>>
        %dma_wait3A_167 = arith.constant 0 : i32
        %dma_wait3A_168 = arith.constant 0 : i32
        %dma_wait3A_169 = tpu.memref_slice %arg11[%dma_wait3A_167, %dma_wait3A_168] : memref<100352x16xf32, #tpu.memory_space<vmem_shared>> -> memref<100352x16xf32, #tpu.memory_space<vmem_shared>>
        %dma_wait3A_170 = tpu.memref_slice %arg14[%rem3A_159] : memref<3x!tpu.dma_semaphore, #tpu.memory_space<semaphore_mem>> -> memref<1x!tpu.dma_semaphore, #tpu.memory_space<semaphore_mem>>
        %dma_wait3A_171 = tpu.memref_squeeze %dma_wait3A_170 : memref<1x!tpu.dma_semaphore, #tpu.memory_space<semaphore_mem>> -> memref<!tpu.dma_semaphore, #tpu.memory_space<semaphore_mem>>
        tpu.wait_indirect_dma semaphore(%dma_wait3A_171 : memref<!tpu.dma_semaphore, #tpu.memory_space<semaphore_mem>>) src(%dma_wait3A_163 : memref<512x16xf32, #tpu.memory_space<vmem>>) dst(%dma_wait3A_169 : memref<100352x16xf32, #tpu.memory_space<vmem_shared>>)
      } else {
      }
      %add3A_114 = arith.constant 1 : i32
      %add3A_115 = arith.addi %scan3A_97, %add3A_114 : i32
      %lt3A_116 = arith.constant 196 : i32
      %lt3A_117 = arith.cmpi slt, %add3A_115, %lt3A_116 : i32
      %convert_element_type3A_118 = arith.extui %lt3A_117 : i1 to i32
      %cond3A_119 = arith.constant 0 : i32
      %cond3A_120 = arith.cmpi ne, %convert_element_type3A_118, %cond3A_119 : i32
      scf.if %cond3A_120 {
        %add3A_152 = arith.constant 1 : i32
        %add3A_153 = arith.addi %scan3A_97, %add3A_152 : i32
        %add3A_154 = arith.addi %mul3A_9, %add3A_153 : i32
        %lt3A_155 = arith.constant 6250 : i32
        %lt3A_156 = arith.cmpi slt, %add3A_154, %lt3A_155 : i32
        %convert_element_type3A_157 = arith.extui %lt3A_156 : i1 to i32
        %cond3A_158 = arith.constant 0 : i32
        %cond3A_159 = arith.cmpi ne, %convert_element_type3A_157, %cond3A_158 : i32
        scf.if %cond3A_159 {
          %dma_wait3A_177 = arith.constant 0 : i32
          %dma_wait3A_178 = arith.constant 0 : i32
          %dma_wait3A_179 = tpu.memref_slice %arg7[%rem3A_103, %dma_wait3A_178] : memref<4x512xi32, #tpu.memory_space<vmem>> -> memref<1x512xi32, #tpu.memory_space<vmem>>
          %dma_wait3A_180 = arith.constant 0 : i32
          %dma_wait3A_181 = tpu.memref_slice %arg2[%dma_wait3A_177, %add3A_154, %dma_wait3A_180] : memref<2x6250x512xi32, #tpu.memory_space<hbm>> -> memref<1x1x512xi32, #tpu.memory_space<hbm>>
          %dma_wait3A_182 = tpu.memref_squeeze %dma_wait3A_181 : memref<1x1x512xi32, #tpu.memory_space<hbm>> -> memref<1x512xi32, #tpu.memory_space<hbm>>
          %dma_wait3A_183 = tpu.memref_slice %arg13[%rem3A_103] : memref<4x!tpu.dma_semaphore, #tpu.memory_space<semaphore_mem>> -> memref<1x!tpu.dma_semaphore, #tpu.memory_space<semaphore_mem>>
          %dma_wait3A_184 = tpu.memref_squeeze %dma_wait3A_183 : memref<1x!tpu.dma_semaphore, #tpu.memory_space<semaphore_mem>> -> memref<!tpu.dma_semaphore, #tpu.memory_space<semaphore_mem>>
          %dma_wait3A_185 = arith.constant 0 : i32
          %dma_wait3A_186 = tpu.memref_slice %arg7[%rem3A_103, %dma_wait3A_185] : memref<4x512xi32, #tpu.memory_space<vmem>> -> memref<1x512xi32, #tpu.memory_space<vmem>>
          %dma_wait3A_187 = arith.constant 0 : i32
          %dma_wait3A_188 = tpu.memref_slice %arg2[%dma_wait3A_177, %add3A_154, %dma_wait3A_187] : memref<2x6250x512xi32, #tpu.memory_space<hbm>> -> memref<1x1x512xi32, #tpu.memory_space<hbm>>
          %dma_wait3A_189 = tpu.memref_squeeze %dma_wait3A_188 : memref<1x1x512xi32, #tpu.memory_space<hbm>> -> memref<1x512xi32, #tpu.memory_space<hbm>>
          tpu.wait_dma2 semaphore(%dma_wait3A_184 : memref<!tpu.dma_semaphore, #tpu.memory_space<semaphore_mem>>) src(%dma_wait3A_189 : memref<1x512xi32, #tpu.memory_space<hbm>>) dst(%dma_wait3A_186 : memref<1x512xi32, #tpu.memory_space<vmem>>)
          %dma_wait3A_190 = arith.constant 1 : i32
          %dma_wait3A_191 = arith.constant 0 : i32
          %dma_wait3A_192 = tpu.memref_slice %arg8[%rem3A_103, %dma_wait3A_191] : memref<4x512xi32, #tpu.memory_space<vmem>> -> memref<1x512xi32, #tpu.memory_space<vmem>>
          %dma_wait3A_193 = arith.constant 0 : i32
          %dma_wait3A_194 = tpu.memref_slice %arg2[%dma_wait3A_190, %add3A_154, %dma_wait3A_193] : memref<2x6250x512xi32, #tpu.memory_space<hbm>> -> memref<1x1x512xi32, #tpu.memory_space<hbm>>
          %dma_wait3A_195 = tpu.memref_squeeze %dma_wait3A_194 : memref<1x1x512xi32, #tpu.memory_space<hbm>> -> memref<1x512xi32, #tpu.memory_space<hbm>>
          %dma_wait3A_196 = tpu.memref_slice %arg13[%rem3A_103] : memref<4x!tpu.dma_semaphore, #tpu.memory_space<semaphore_mem>> -> memref<1x!tpu.dma_semaphore, #tpu.memory_space<semaphore_mem>>
          %dma_wait3A_197 = tpu.memref_squeeze %dma_wait3A_196 : memref<1x!tpu.dma_semaphore, #tpu.memory_space<semaphore_mem>> -> memref<!tpu.dma_semaphore, #tpu.memory_space<semaphore_mem>>
          %dma_wait3A_198 = arith.constant 0 : i32
          %dma_wait3A_199 = tpu.memref_slice %arg8[%rem3A_103, %dma_wait3A_198] : memref<4x512xi32, #tpu.memory_space<vmem>> -> memref<1x512xi32, #tpu.memory_space<vmem>>
          %dma_wait3A_200 = arith.constant 0 : i32
          %dma_wait3A_201 = tpu.memref_slice %arg2[%dma_wait3A_190, %add3A_154, %dma_wait3A_200] : memref<2x6250x512xi32, #tpu.memory_space<hbm>> -> memref<1x1x512xi32, #tpu.memory_space<hbm>>
          %dma_wait3A_202 = tpu.memref_squeeze %dma_wait3A_201 : memref<1x1x512xi32, #tpu.memory_space<hbm>> -> memref<1x512xi32, #tpu.memory_space<hbm>>
          tpu.wait_dma2 semaphore(%dma_wait3A_197 : memref<!tpu.dma_semaphore, #tpu.memory_space<semaphore_mem>>) src(%dma_wait3A_202 : memref<1x512xi32, #tpu.memory_space<hbm>>) dst(%dma_wait3A_199 : memref<1x512xi32, #tpu.memory_space<vmem>>)
        } else {
        }
        %ge3A_160 = arith.constant 6250 : i32
        %ge3A_161 = arith.cmpi sge, %add3A_154, %ge3A_160 : i32
        %convert_element_type3A_162 = arith.extui %ge3A_161 : i1 to i32
        %cond3A_163 = arith.constant 0 : i32
        %cond3A_164 = arith.cmpi ne, %convert_element_type3A_162, %cond3A_163 : i32
        scf.if %cond3A_164 {
          %sub3A = arith.constant 6250 : i32
          %sub3A_177 = arith.subi %add3A_154, %sub3A : i32
          %dma_wait3A_178 = arith.constant 0 : i32
          %dma_wait3A_179 = arith.constant 0 : i32
          %dma_wait3A_180 = tpu.memref_slice %arg7[%rem3A_103, %dma_wait3A_179] : memref<4x512xi32, #tpu.memory_space<vmem>> -> memref<1x512xi32, #tpu.memory_space<vmem>>
          %dma_wait3A_181 = arith.constant 0 : i32
          %dma_wait3A_182 = tpu.memref_slice %arg3[%dma_wait3A_178, %sub3A_177, %dma_wait3A_181] : memref<2x22x512xi32, #tpu.memory_space<hbm>> -> memref<1x1x512xi32, #tpu.memory_space<hbm>>
          %dma_wait3A_183 = tpu.memref_squeeze %dma_wait3A_182 : memref<1x1x512xi32, #tpu.memory_space<hbm>> -> memref<1x512xi32, #tpu.memory_space<hbm>>
          %dma_wait3A_184 = tpu.memref_slice %arg13[%rem3A_103] : memref<4x!tpu.dma_semaphore, #tpu.memory_space<semaphore_mem>> -> memref<1x!tpu.dma_semaphore, #tpu.memory_space<semaphore_mem>>
          %dma_wait3A_185 = tpu.memref_squeeze %dma_wait3A_184 : memref<1x!tpu.dma_semaphore, #tpu.memory_space<semaphore_mem>> -> memref<!tpu.dma_semaphore, #tpu.memory_space<semaphore_mem>>
          %dma_wait3A_186 = arith.constant 0 : i32
          %dma_wait3A_187 = tpu.memref_slice %arg7[%rem3A_103, %dma_wait3A_186] : memref<4x512xi32, #tpu.memory_space<vmem>> -> memref<1x512xi32, #tpu.memory_space<vmem>>
          %dma_wait3A_188 = arith.constant 0 : i32
          %dma_wait3A_189 = tpu.memref_slice %arg3[%dma_wait3A_178, %sub3A_177, %dma_wait3A_188] : memref<2x22x512xi32, #tpu.memory_space<hbm>> -> memref<1x1x512xi32, #tpu.memory_space<hbm>>
          %dma_wait3A_190 = tpu.memref_squeeze %dma_wait3A_189 : memref<1x1x512xi32, #tpu.memory_space<hbm>> -> memref<1x512xi32, #tpu.memory_space<hbm>>
          tpu.wait_dma2 semaphore(%dma_wait3A_185 : memref<!tpu.dma_semaphore, #tpu.memory_space<semaphore_mem>>) src(%dma_wait3A_190 : memref<1x512xi32, #tpu.memory_space<hbm>>) dst(%dma_wait3A_187 : memref<1x512xi32, #tpu.memory_space<vmem>>)
          %sub3A_191 = arith.constant 6250 : i32
          %sub3A_192 = arith.subi %add3A_154, %sub3A_191 : i32
          %dma_wait3A_193 = arith.constant 1 : i32
          %dma_wait3A_194 = arith.constant 0 : i32
          %dma_wait3A_195 = tpu.memref_slice %arg8[%rem3A_103, %dma_wait3A_194] : memref<4x512xi32, #tpu.memory_space<vmem>> -> memref<1x512xi32, #tpu.memory_space<vmem>>
          %dma_wait3A_196 = arith.constant 0 : i32
          %dma_wait3A_197 = tpu.memref_slice %arg3[%dma_wait3A_193, %sub3A_192, %dma_wait3A_196] : memref<2x22x512xi32, #tpu.memory_space<hbm>> -> memref<1x1x512xi32, #tpu.memory_space<hbm>>
          %dma_wait3A_198 = tpu.memref_squeeze %dma_wait3A_197 : memref<1x1x512xi32, #tpu.memory_space<hbm>> -> memref<1x512xi32, #tpu.memory_space<hbm>>
          %dma_wait3A_199 = tpu.memref_slice %arg13[%rem3A_103] : memref<4x!tpu.dma_semaphore, #tpu.memory_space<semaphore_mem>> -> memref<1x!tpu.dma_semaphore, #tpu.memory_space<semaphore_mem>>
          %dma_wait3A_200 = tpu.memref_squeeze %dma_wait3A_199 : memref<1x!tpu.dma_semaphore, #tpu.memory_space<semaphore_mem>> -> memref<!tpu.dma_semaphore, #tpu.memory_space<semaphore_mem>>
          %dma_wait3A_201 = arith.constant 0 : i32
          %dma_wait3A_202 = tpu.memref_slice %arg8[%rem3A_103, %dma_wait3A_201] : memref<4x512xi32, #tpu.memory_space<vmem>> -> memref<1x512xi32, #tpu.memory_space<vmem>>
          %dma_wait3A_203 = arith.constant 0 : i32
          %dma_wait3A_204 = tpu.memref_slice %arg3[%dma_wait3A_193, %sub3A_192, %dma_wait3A_203] : memref<2x22x512xi32, #tpu.memory_space<hbm>> -> memref<1x1x512xi32, #tpu.memory_space<hbm>>
          %dma_wait3A_205 = tpu.memref_squeeze %dma_wait3A_204 : memref<1x1x512xi32, #tpu.memory_space<hbm>> -> memref<1x512xi32, #tpu.memory_space<hbm>>
          tpu.wait_dma2 semaphore(%dma_wait3A_200 : memref<!tpu.dma_semaphore, #tpu.memory_space<semaphore_mem>>) src(%dma_wait3A_205 : memref<1x512xi32, #tpu.memory_space<hbm>>) dst(%dma_wait3A_202 : memref<1x512xi32, #tpu.memory_space<vmem>>)
        } else {
        }
        %dma_start3A_165 = arith.constant 0 : i32
        %dma_start3A_166 = arith.constant 0 : i32
        %dma_start3A_167 = tpu.memref_slice %arg9[%rem3A_109, %dma_start3A_165, %dma_start3A_166] : memref<3x512x16xf32, #tpu.memory_space<vmem>> -> memref<1x512x16xf32, #tpu.memory_space<vmem>>
        %dma_start3A_168 = tpu.memref_squeeze %dma_start3A_167 : memref<1x512x16xf32, #tpu.memory_space<vmem>> -> memref<512x16xf32, #tpu.memory_space<vmem>>
        %dma_start3A_169 = arith.constant 0 : i32
        %dma_start3A_170 = tpu.memref_slice %arg7[%rem3A_103, %dma_start3A_169] : memref<4x512xi32, #tpu.memory_space<vmem>> -> memref<1x512xi32, #tpu.memory_space<vmem>>
        %dma_start3A_171 = tpu.memref_squeeze %dma_start3A_170 : memref<1x512xi32, #tpu.memory_space<vmem>> -> memref<512xi32, #tpu.memory_space<vmem>>
        %dma_start3A_172 = arith.constant 0 : i32
        %dma_start3A_173 = arith.constant 0 : i32
        %dma_start3A_174 = tpu.memref_slice %arg4[%dma_start3A_172, %dma_start3A_173] : memref<100352x16xf32, #tpu.memory_space<hbm>> -> memref<100352x16xf32, #tpu.memory_space<hbm>>
        %dma_start3A_175 = tpu.memref_slice %arg12[%rem3A_103] : memref<4x!tpu.dma_semaphore, #tpu.memory_space<semaphore_mem>> -> memref<1x!tpu.dma_semaphore, #tpu.memory_space<semaphore_mem>>
        %dma_start3A_176 = tpu.memref_squeeze %dma_start3A_175 : memref<1x!tpu.dma_semaphore, #tpu.memory_space<semaphore_mem>> -> memref<!tpu.dma_semaphore, #tpu.memory_space<semaphore_mem>>
        tpu.enqueue_indirect_dma source(%dma_start3A_174 : memref<100352x16xf32, #tpu.memory_space<hbm>>) target(%dma_start3A_168 : memref<512x16xf32, #tpu.memory_space<vmem>>) offsets(%dma_start3A_171 : memref<512xi32, #tpu.memory_space<vmem>>) semaphore(%dma_start3A_176 : memref<!tpu.dma_semaphore, #tpu.memory_space<semaphore_mem>>)
      } else {
      }
      %dma_wait3A_121 = arith.constant 0 : i32
      %dma_wait3A_122 = arith.constant 0 : i32
      %dma_wait3A_123 = tpu.memref_slice %arg9[%rem3A_105, %dma_wait3A_121, %dma_wait3A_122] : memref<3x512x16xf32, #tpu.memory_space<vmem>> -> memref<1x512x16xf32, #tpu.memory_space<vmem>>
      %dma_wait3A_124 = tpu.memref_squeeze %dma_wait3A_123 : memref<1x512x16xf32, #tpu.memory_space<vmem>> -> memref<512x16xf32, #tpu.memory_space<vmem>>
      %dma_wait3A_125 = arith.constant 0 : i32
      %dma_wait3A_126 = tpu.memref_slice %arg7[%rem3A_99, %dma_wait3A_125] : memref<4x512xi32, #tpu.memory_space<vmem>> -> memref<1x512xi32, #tpu.memory_space<vmem>>
      %dma_wait3A_127 = tpu.memref_squeeze %dma_wait3A_126 : memref<1x512xi32, #tpu.memory_space<vmem>> -> memref<512xi32, #tpu.memory_space<vmem>>
      %dma_wait3A_128 = arith.constant 0 : i32
      %dma_wait3A_129 = arith.constant 0 : i32
      %dma_wait3A_130 = tpu.memref_slice %arg4[%dma_wait3A_128, %dma_wait3A_129] : memref<100352x16xf32, #tpu.memory_space<hbm>> -> memref<100352x16xf32, #tpu.memory_space<hbm>>
      %dma_wait3A_131 = tpu.memref_slice %arg12[%rem3A_99] : memref<4x!tpu.dma_semaphore, #tpu.memory_space<semaphore_mem>> -> memref<1x!tpu.dma_semaphore, #tpu.memory_space<semaphore_mem>>
      %dma_wait3A_132 = tpu.memref_squeeze %dma_wait3A_131 : memref<1x!tpu.dma_semaphore, #tpu.memory_space<semaphore_mem>> -> memref<!tpu.dma_semaphore, #tpu.memory_space<semaphore_mem>>
      tpu.wait_indirect_dma semaphore(%dma_wait3A_132 : memref<!tpu.dma_semaphore, #tpu.memory_space<semaphore_mem>>) src(%dma_wait3A_130 : memref<100352x16xf32, #tpu.memory_space<hbm>>) dst(%dma_wait3A_124 : memref<512x16xf32, #tpu.memory_space<vmem>>)
      %dma_start3A_133 = arith.constant 0 : i32
      %dma_start3A_134 = arith.constant 0 : i32
      %dma_start3A_135 = tpu.memref_slice %arg9[%rem3A_105, %dma_start3A_133, %dma_start3A_134] : memref<3x512x16xf32, #tpu.memory_space<vmem>> -> memref<1x512x16xf32, #tpu.memory_space<vmem>>
      %dma_start3A_136 = tpu.memref_squeeze %dma_start3A_135 : memref<1x512x16xf32, #tpu.memory_space<vmem>> -> memref<512x16xf32, #tpu.memory_space<vmem>>
      %dma_start3A_137 = arith.constant 0 : i32
      %dma_start3A_138 = tpu.memref_slice %arg8[%rem3A_99, %dma_start3A_137] : memref<4x512xi32, #tpu.memory_space<vmem>> -> memref<1x512xi32, #tpu.memory_space<vmem>>
      %dma_start3A_139 = tpu.memref_squeeze %dma_start3A_138 : memref<1x512xi32, #tpu.memory_space<vmem>> -> memref<512xi32, #tpu.memory_space<vmem>>
      %dma_start3A_140 = arith.constant 0 : i32
      %dma_start3A_141 = arith.constant 0 : i32
      %dma_start3A_142 = tpu.memref_slice %arg11[%dma_start3A_140, %dma_start3A_141] : memref<100352x16xf32, #tpu.memory_space<vmem_shared>> -> memref<100352x16xf32, #tpu.memory_space<vmem_shared>>
      %dma_start3A_143 = tpu.memref_slice %arg14[%rem3A_105] : memref<3x!tpu.dma_semaphore, #tpu.memory_space<semaphore_mem>> -> memref<1x!tpu.dma_semaphore, #tpu.memory_space<semaphore_mem>>
      %dma_start3A_144 = tpu.memref_squeeze %dma_start3A_143 : memref<1x!tpu.dma_semaphore, #tpu.memory_space<semaphore_mem>> -> memref<!tpu.dma_semaphore, #tpu.memory_space<semaphore_mem>>
      tpu.enqueue_indirect_dma source(%dma_start3A_136 : memref<512x16xf32, #tpu.memory_space<vmem>>) target(%dma_start3A_142 : memref<100352x16xf32, #tpu.memory_space<vmem_shared>>) offsets(%dma_start3A_139 : memref<512xi32, #tpu.memory_space<vmem>>) semaphore(%dma_start3A_144 : memref<!tpu.dma_semaphore, #tpu.memory_space<semaphore_mem>>) {add = true}
      %add3A_145 = arith.constant 2 : i32
      %add3A_146 = arith.addi %scan3A_97, %add3A_145 : i32
      %lt3A_147 = arith.constant 196 : i32
      %lt3A_148 = arith.cmpi slt, %add3A_146, %lt3A_147 : i32
      %convert_element_type3A_149 = arith.extui %lt3A_148 : i1 to i32
      %cond3A_150 = arith.constant 0 : i32
      %cond3A_151 = arith.cmpi ne, %convert_element_type3A_149, %cond3A_150 : i32
      scf.if %cond3A_151 {
        %add3A_152 = arith.constant 2 : i32
        %add3A_153 = arith.addi %scan3A_97, %add3A_152 : i32
        %add3A_154 = arith.constant 2 : i32
        %add3A_155 = arith.addi %scan3A_97, %add3A_154 : i32
        %rem3A_156 = arith.constant 4 : i32
        %rem3A_157 = arith.remsi %add3A_155, %rem3A_156 : i32
        %add3A_158 = arith.addi %mul3A_9, %add3A_153 : i32
        %lt3A_159 = arith.constant 6250 : i32
        %lt3A_160 = arith.cmpi slt, %add3A_158, %lt3A_159 : i32
        %convert_element_type3A_161 = arith.extui %lt3A_160 : i1 to i32
        %cond3A_162 = arith.constant 0 : i32
        %cond3A_163 = arith.cmpi ne, %convert_element_type3A_161, %cond3A_162 : i32
        scf.if %cond3A_163 {
          %dma_start3A_169 = arith.constant 0 : i32
          %dma_start3A_170 = arith.constant 0 : i32
          %dma_start3A_171 = tpu.memref_slice %arg7[%rem3A_157, %dma_start3A_170] : memref<4x512xi32, #tpu.memory_space<vmem>> -> memref<1x512xi32, #tpu.memory_space<vmem>>
          %dma_start3A_172 = arith.constant 0 : i32
          %dma_start3A_173 = tpu.memref_slice %arg2[%dma_start3A_169, %add3A_158, %dma_start3A_172] : memref<2x6250x512xi32, #tpu.memory_space<hbm>> -> memref<1x1x512xi32, #tpu.memory_space<hbm>>
          %dma_start3A_174 = tpu.memref_squeeze %dma_start3A_173 : memref<1x1x512xi32, #tpu.memory_space<hbm>> -> memref<1x512xi32, #tpu.memory_space<hbm>>
          %dma_start3A_175 = tpu.memref_slice %arg13[%rem3A_157] : memref<4x!tpu.dma_semaphore, #tpu.memory_space<semaphore_mem>> -> memref<1x!tpu.dma_semaphore, #tpu.memory_space<semaphore_mem>>
          %dma_start3A_176 = tpu.memref_squeeze %dma_start3A_175 : memref<1x!tpu.dma_semaphore, #tpu.memory_space<semaphore_mem>> -> memref<!tpu.dma_semaphore, #tpu.memory_space<semaphore_mem>>
          %dma_start3A_177 = arith.constant 0 : i32
          %dma_start3A_178 = tpu.memref_slice %arg7[%rem3A_157, %dma_start3A_177] : memref<4x512xi32, #tpu.memory_space<vmem>> -> memref<1x512xi32, #tpu.memory_space<vmem>>
          %dma_start3A_179 = arith.constant 0 : i32
          %dma_start3A_180 = tpu.memref_slice %arg2[%dma_start3A_169, %add3A_158, %dma_start3A_179] : memref<2x6250x512xi32, #tpu.memory_space<hbm>> -> memref<1x1x512xi32, #tpu.memory_space<hbm>>
          %dma_start3A_181 = tpu.memref_squeeze %dma_start3A_180 : memref<1x1x512xi32, #tpu.memory_space<hbm>> -> memref<1x512xi32, #tpu.memory_space<hbm>>
          tpu.enqueue_dma source(%dma_start3A_181 : memref<1x512xi32, #tpu.memory_space<hbm>>) target(%dma_start3A_178 : memref<1x512xi32, #tpu.memory_space<vmem>>) target_semaphore(%dma_start3A_176 : memref<!tpu.dma_semaphore, #tpu.memory_space<semaphore_mem>>)
          %dma_start3A_182 = arith.constant 1 : i32
          %dma_start3A_183 = arith.constant 0 : i32
          %dma_start3A_184 = tpu.memref_slice %arg8[%rem3A_157, %dma_start3A_183] : memref<4x512xi32, #tpu.memory_space<vmem>> -> memref<1x512xi32, #tpu.memory_space<vmem>>
          %dma_start3A_185 = arith.constant 0 : i32
          %dma_start3A_186 = tpu.memref_slice %arg2[%dma_start3A_182, %add3A_158, %dma_start3A_185] : memref<2x6250x512xi32, #tpu.memory_space<hbm>> -> memref<1x1x512xi32, #tpu.memory_space<hbm>>
          %dma_start3A_187 = tpu.memref_squeeze %dma_start3A_186 : memref<1x1x512xi32, #tpu.memory_space<hbm>> -> memref<1x512xi32, #tpu.memory_space<hbm>>
          %dma_start3A_188 = tpu.memref_slice %arg13[%rem3A_157] : memref<4x!tpu.dma_semaphore, #tpu.memory_space<semaphore_mem>> -> memref<1x!tpu.dma_semaphore, #tpu.memory_space<semaphore_mem>>
          %dma_start3A_189 = tpu.memref_squeeze %dma_start3A_188 : memref<1x!tpu.dma_semaphore, #tpu.memory_space<semaphore_mem>> -> memref<!tpu.dma_semaphore, #tpu.memory_space<semaphore_mem>>
          %dma_start3A_190 = arith.constant 0 : i32
          %dma_start3A_191 = tpu.memref_slice %arg8[%rem3A_157, %dma_start3A_190] : memref<4x512xi32, #tpu.memory_space<vmem>> -> memref<1x512xi32, #tpu.memory_space<vmem>>
          %dma_start3A_192 = arith.constant 0 : i32
          %dma_start3A_193 = tpu.memref_slice %arg2[%dma_start3A_182, %add3A_158, %dma_start3A_192] : memref<2x6250x512xi32, #tpu.memory_space<hbm>> -> memref<1x1x512xi32, #tpu.memory_space<hbm>>
          %dma_start3A_194 = tpu.memref_squeeze %dma_start3A_193 : memref<1x1x512xi32, #tpu.memory_space<hbm>> -> memref<1x512xi32, #tpu.memory_space<hbm>>
          tpu.enqueue_dma source(%dma_start3A_194 : memref<1x512xi32, #tpu.memory_space<hbm>>) target(%dma_start3A_191 : memref<1x512xi32, #tpu.memory_space<vmem>>) target_semaphore(%dma_start3A_189 : memref<!tpu.dma_semaphore, #tpu.memory_space<semaphore_mem>>)
        } else {
        }
        %ge3A_164 = arith.constant 6250 : i32
        %ge3A_165 = arith.cmpi sge, %add3A_158, %ge3A_164 : i32
        %convert_element_type3A_166 = arith.extui %ge3A_165 : i1 to i32
        %cond3A_167 = arith.constant 0 : i32
        %cond3A_168 = arith.cmpi ne, %convert_element_type3A_166, %cond3A_167 : i32
        scf.if %cond3A_168 {
          %sub3A = arith.constant 6250 : i32
          %sub3A_169 = arith.subi %add3A_158, %sub3A : i32
          %dma_start3A_170 = arith.constant 0 : i32
          %dma_start3A_171 = arith.constant 0 : i32
          %dma_start3A_172 = tpu.memref_slice %arg7[%rem3A_157, %dma_start3A_171] : memref<4x512xi32, #tpu.memory_space<vmem>> -> memref<1x512xi32, #tpu.memory_space<vmem>>
          %dma_start3A_173 = arith.constant 0 : i32
          %dma_start3A_174 = tpu.memref_slice %arg3[%dma_start3A_170, %sub3A_169, %dma_start3A_173] : memref<2x22x512xi32, #tpu.memory_space<hbm>> -> memref<1x1x512xi32, #tpu.memory_space<hbm>>
          %dma_start3A_175 = tpu.memref_squeeze %dma_start3A_174 : memref<1x1x512xi32, #tpu.memory_space<hbm>> -> memref<1x512xi32, #tpu.memory_space<hbm>>
          %dma_start3A_176 = tpu.memref_slice %arg13[%rem3A_157] : memref<4x!tpu.dma_semaphore, #tpu.memory_space<semaphore_mem>> -> memref<1x!tpu.dma_semaphore, #tpu.memory_space<semaphore_mem>>
          %dma_start3A_177 = tpu.memref_squeeze %dma_start3A_176 : memref<1x!tpu.dma_semaphore, #tpu.memory_space<semaphore_mem>> -> memref<!tpu.dma_semaphore, #tpu.memory_space<semaphore_mem>>
          %dma_start3A_178 = arith.constant 0 : i32
          %dma_start3A_179 = tpu.memref_slice %arg7[%rem3A_157, %dma_start3A_178] : memref<4x512xi32, #tpu.memory_space<vmem>> -> memref<1x512xi32, #tpu.memory_space<vmem>>
          %dma_start3A_180 = arith.constant 0 : i32
          %dma_start3A_181 = tpu.memref_slice %arg3[%dma_start3A_170, %sub3A_169, %dma_start3A_180] : memref<2x22x512xi32, #tpu.memory_space<hbm>> -> memref<1x1x512xi32, #tpu.memory_space<hbm>>
          %dma_start3A_182 = tpu.memref_squeeze %dma_start3A_181 : memref<1x1x512xi32, #tpu.memory_space<hbm>> -> memref<1x512xi32, #tpu.memory_space<hbm>>
          tpu.enqueue_dma source(%dma_start3A_182 : memref<1x512xi32, #tpu.memory_space<hbm>>) target(%dma_start3A_179 : memref<1x512xi32, #tpu.memory_space<vmem>>) target_semaphore(%dma_start3A_177 : memref<!tpu.dma_semaphore, #tpu.memory_space<semaphore_mem>>)
          %sub3A_183 = arith.constant 6250 : i32
          %sub3A_184 = arith.subi %add3A_158, %sub3A_183 : i32
          %dma_start3A_185 = arith.constant 1 : i32
          %dma_start3A_186 = arith.constant 0 : i32
          %dma_start3A_187 = tpu.memref_slice %arg8[%rem3A_157, %dma_start3A_186] : memref<4x512xi32, #tpu.memory_space<vmem>> -> memref<1x512xi32, #tpu.memory_space<vmem>>
          %dma_start3A_188 = arith.constant 0 : i32
          %dma_start3A_189 = tpu.memref_slice %arg3[%dma_start3A_185, %sub3A_184, %dma_start3A_188] : memref<2x22x512xi32, #tpu.memory_space<hbm>> -> memref<1x1x512xi32, #tpu.memory_space<hbm>>
          %dma_start3A_190 = tpu.memref_squeeze %dma_start3A_189 : memref<1x1x512xi32, #tpu.memory_space<hbm>> -> memref<1x512xi32, #tpu.memory_space<hbm>>
          %dma_start3A_191 = tpu.memref_slice %arg13[%rem3A_157] : memref<4x!tpu.dma_semaphore, #tpu.memory_space<semaphore_mem>> -> memref<1x!tpu.dma_semaphore, #tpu.memory_space<semaphore_mem>>
          %dma_start3A_192 = tpu.memref_squeeze %dma_start3A_191 : memref<1x!tpu.dma_semaphore, #tpu.memory_space<semaphore_mem>> -> memref<!tpu.dma_semaphore, #tpu.memory_space<semaphore_mem>>
          %dma_start3A_193 = arith.constant 0 : i32
          %dma_start3A_194 = tpu.memref_slice %arg8[%rem3A_157, %dma_start3A_193] : memref<4x512xi32, #tpu.memory_space<vmem>> -> memref<1x512xi32, #tpu.memory_space<vmem>>
          %dma_start3A_195 = arith.constant 0 : i32
          %dma_start3A_196 = tpu.memref_slice %arg3[%dma_start3A_185, %sub3A_184, %dma_start3A_195] : memref<2x22x512xi32, #tpu.memory_space<hbm>> -> memref<1x1x512xi32, #tpu.memory_space<hbm>>
          %dma_start3A_197 = tpu.memref_squeeze %dma_start3A_196 : memref<1x1x512xi32, #tpu.memory_space<hbm>> -> memref<1x512xi32, #tpu.memory_space<hbm>>
          tpu.enqueue_dma source(%dma_start3A_197 : memref<1x512xi32, #tpu.memory_space<hbm>>) target(%dma_start3A_194 : memref<1x512xi32, #tpu.memory_space<vmem>>) target_semaphore(%dma_start3A_192 : memref<!tpu.dma_semaphore, #tpu.memory_space<semaphore_mem>>)
        } else {
        }
      } else {
      }
    }
    %scan3A_61 = arith.constant 196 : i32
    %rem3A = arith.constant 195 : i32
    %rem3A_62 = arith.constant 4 : i32
    %rem3A_63 = arith.remsi %rem3A, %rem3A_62 : i32
    %rem3A_64 = arith.constant 195 : i32
    %rem3A_65 = arith.constant 3 : i32
    %rem3A_66 = arith.remsi %rem3A_64, %rem3A_65 : i32
    %rem3A_67 = arith.constant 195 : i32
    %rem3A_68 = arith.constant 3 : i32
    %rem3A_69 = arith.remsi %rem3A_67, %rem3A_68 : i32
    %dma_wait3A = arith.constant 0 : i32
    %dma_wait3A_70 = arith.constant 0 : i32
    %dma_wait3A_71 = tpu.memref_slice %arg9[%rem3A_66, %dma_wait3A, %dma_wait3A_70] : memref<3x512x16xf32, #tpu.memory_space<vmem>> -> memref<1x512x16xf32, #tpu.memory_space<vmem>>
    %dma_wait3A_72 = tpu.memref_squeeze %dma_wait3A_71 : memref<1x512x16xf32, #tpu.memory_space<vmem>> -> memref<512x16xf32, #tpu.memory_space<vmem>>
    %dma_wait3A_73 = arith.constant 0 : i32
    %dma_wait3A_74 = tpu.memref_slice %arg8[%rem3A_63, %dma_wait3A_73] : memref<4x512xi32, #tpu.memory_space<vmem>> -> memref<1x512xi32, #tpu.memory_space<vmem>>
    %dma_wait3A_75 = tpu.memref_squeeze %dma_wait3A_74 : memref<1x512xi32, #tpu.memory_space<vmem>> -> memref<512xi32, #tpu.memory_space<vmem>>
    %dma_wait3A_76 = arith.constant 0 : i32
    %dma_wait3A_77 = arith.constant 0 : i32
    %dma_wait3A_78 = tpu.memref_slice %arg11[%dma_wait3A_76, %dma_wait3A_77] : memref<100352x16xf32, #tpu.memory_space<vmem_shared>> -> memref<100352x16xf32, #tpu.memory_space<vmem_shared>>
    %dma_wait3A_79 = tpu.memref_slice %arg14[%rem3A_69] : memref<3x!tpu.dma_semaphore, #tpu.memory_space<semaphore_mem>> -> memref<1x!tpu.dma_semaphore, #tpu.memory_space<semaphore_mem>>
    %dma_wait3A_80 = tpu.memref_squeeze %dma_wait3A_79 : memref<1x!tpu.dma_semaphore, #tpu.memory_space<semaphore_mem>> -> memref<!tpu.dma_semaphore, #tpu.memory_space<semaphore_mem>>
    tpu.wait_indirect_dma semaphore(%dma_wait3A_80 : memref<!tpu.dma_semaphore, #tpu.memory_space<semaphore_mem>>) src(%dma_wait3A_72 : memref<512x16xf32, #tpu.memory_space<vmem>>) dst(%dma_wait3A_78 : memref<100352x16xf32, #tpu.memory_space<vmem_shared>>)
    %dma_wait3A_81 = arith.constant 2 : i32
    %dma_wait3A_82 = arith.constant 2 : i32
    %dma_wait3A_83 = arith.constant 2 : i32
    %dma_wait3A_84 = arith.constant 0 : i32
    %dma_wait3A_85 = arith.constant 0 : i32
    %dma_wait3A_86 = tpu.memref_slice %arg9[%dma_wait3A_81, %dma_wait3A_84, %dma_wait3A_85] : memref<3x512x16xf32, #tpu.memory_space<vmem>> -> memref<1x512x16xf32, #tpu.memory_space<vmem>>
    %dma_wait3A_87 = tpu.memref_squeeze %dma_wait3A_86 : memref<1x512x16xf32, #tpu.memory_space<vmem>> -> memref<512x16xf32, #tpu.memory_space<vmem>>
    %dma_wait3A_88 = arith.constant 0 : i32
    %dma_wait3A_89 = tpu.memref_slice %arg8[%dma_wait3A_82, %dma_wait3A_88] : memref<4x512xi32, #tpu.memory_space<vmem>> -> memref<1x512xi32, #tpu.memory_space<vmem>>
    %dma_wait3A_90 = tpu.memref_squeeze %dma_wait3A_89 : memref<1x512xi32, #tpu.memory_space<vmem>> -> memref<512xi32, #tpu.memory_space<vmem>>
    %dma_wait3A_91 = arith.constant 0 : i32
    %dma_wait3A_92 = arith.constant 0 : i32
    %dma_wait3A_93 = tpu.memref_slice %arg11[%dma_wait3A_91, %dma_wait3A_92] : memref<100352x16xf32, #tpu.memory_space<vmem_shared>> -> memref<100352x16xf32, #tpu.memory_space<vmem_shared>>
    %dma_wait3A_94 = tpu.memref_slice %arg14[%dma_wait3A_83] : memref<3x!tpu.dma_semaphore, #tpu.memory_space<semaphore_mem>> -> memref<1x!tpu.dma_semaphore, #tpu.memory_space<semaphore_mem>>
    %dma_wait3A_95 = tpu.memref_squeeze %dma_wait3A_94 : memref<1x!tpu.dma_semaphore, #tpu.memory_space<semaphore_mem>> -> memref<!tpu.dma_semaphore, #tpu.memory_space<semaphore_mem>>
    tpu.wait_indirect_dma semaphore(%dma_wait3A_95 : memref<!tpu.dma_semaphore, #tpu.memory_space<semaphore_mem>>) src(%dma_wait3A_87 : memref<512x16xf32, #tpu.memory_space<vmem>>) dst(%dma_wait3A_93 : memref<100352x16xf32, #tpu.memory_space<vmem_shared>>)
    %barrier3A_96 = arith.constant 0 : index
    tpu.barrier barrier_id(%barrier3A_96)
    "tpu.region"() ({
      %run_scoped3A = tpu.sem_alloc : memref<!tpu.dma_semaphore, #tpu.memory_space<semaphore_mem>>
      %dma_start3A_97 = arith.constant 0 : i32
      %dma_start3A_98 = tpu.memref_slice %arg6[%arg0, %mul3A_2, %dma_start3A_97] : memref<2x100352x16xf32, #tpu.memory_space<hbm>> -> memref<1x6272x16xf32, #tpu.memory_space<hbm>>
      %dma_start3A_99 = tpu.memref_squeeze %dma_start3A_98 : memref<1x6272x16xf32, #tpu.memory_space<hbm>> -> memref<6272x16xf32, #tpu.memory_space<hbm>>
      %dma_start3A_100 = arith.constant 0 : i32
      %dma_start3A_101 = tpu.memref_slice %arg11[%mul3A_2, %dma_start3A_100] : memref<100352x16xf32, #tpu.memory_space<vmem_shared>> -> memref<6272x16xf32, #tpu.memory_space<vmem_shared>>
      tpu.enqueue_dma source(%dma_start3A_101 : memref<6272x16xf32, #tpu.memory_space<vmem_shared>>) target(%dma_start3A_99 : memref<6272x16xf32, #tpu.memory_space<hbm>>) target_semaphore(%run_scoped3A : memref<!tpu.dma_semaphore, #tpu.memory_space<semaphore_mem>>)
      %dma_wait3A_102 = arith.constant 0 : i32
      %dma_wait3A_103 = tpu.memref_slice %arg6[%arg0, %mul3A_2, %dma_wait3A_102] : memref<2x100352x16xf32, #tpu.memory_space<hbm>> -> memref<1x6272x16xf32, #tpu.memory_space<hbm>>
      %dma_wait3A_104 = tpu.memref_squeeze %dma_wait3A_103 : memref<1x6272x16xf32, #tpu.memory_space<hbm>> -> memref<6272x16xf32, #tpu.memory_space<hbm>>
      %dma_wait3A_105 = arith.constant 0 : i32
      %dma_wait3A_106 = tpu.memref_slice %arg11[%mul3A_2, %dma_wait3A_105] : memref<100352x16xf32, #tpu.memory_space<vmem_shared>> -> memref<6272x16xf32, #tpu.memory_space<vmem_shared>>
      tpu.wait_dma2 semaphore(%run_scoped3A : memref<!tpu.dma_semaphore, #tpu.memory_space<semaphore_mem>>) src(%dma_wait3A_106 : memref<6272x16xf32, #tpu.memory_space<vmem_shared>>) dst(%dma_wait3A_104 : memref<6272x16xf32, #tpu.memory_space<hbm>>)
      tpu.yield
    }) : () -> ()
    return
  }
}

module attributes {stable_mosaic.version = 14 : i64} {
  func.func @body(%arg0: i32, %arg1: memref<784x32xf32, #tpu.memory_space<vmem>>, %arg2: memref<32x128xf32, #tpu.memory_space<vmem>>, %arg3: memref<784x128xf32, #tpu.memory_space<vmem>>) attributes {dimension_semantics = [#tpu.dimension_semantics<arbitrary>], iteration_bounds = array<i64: 16>, scalar_prefetch = 0 : i64, scratch_operands = 0 : i64, tpu.core_type = #tpu.core_type<tc>, window_params = [{transform_indices = @transform_0, window_bounds = array<i64: 784, 32>}, {pipeline_mode = #tpu.pipeline_mode<synchronous>, transform_indices = @transform_1, window_bounds = array<i64: 32, 128>}, {transform_indices = @transform_2, window_bounds = array<i64: 784, 128>}]} {
    %get3A = arith.constant 0 : index
    %get3A_0 = arith.constant 0 : index
    %get3A_1 = vector.load %arg1[%get3A, %get3A_0] : memref<784x32xf32, #tpu.memory_space<vmem>>, vector<784x32xf32>
    %get3A_2 = arith.constant 0 : index
    %get3A_3 = arith.constant 0 : index
    %get3A_4 = vector.load %arg2[%get3A_2, %get3A_3] : memref<32x128xf32, #tpu.memory_space<vmem>>, vector<32x128xf32>
    %dot_general3A = arith.constant dense<0.000000e+00> : vector<784x128xf32>
    %dot_general3A_5 = tpu.matmul %get3A_1, %get3A_4, %dot_general3A {dimension_numbers = #tpu.dot_dimension_numbers<[1], [0], [0], [1], [0, 0, 1, 1], [], []>, transpose_lhs_hint = false} : vector<784x32xf32>, vector<32x128xf32>, vector<784x128xf32> -> vector<784x128xf32>
    %swap3A = arith.constant 0 : index
    %swap3A_6 = arith.constant 0 : index
    %swap3A_7 = vector.load %arg3[%swap3A, %swap3A_6] : memref<784x128xf32, #tpu.memory_space<vmem>>, vector<784x128xf32>
    tpu.vector_store %arg3[%swap3A, %swap3A_6], %dot_general3A_5 {strides = array<i32>} : memref<784x128xf32, #tpu.memory_space<vmem>>, vector<784x128xf32>,
    return
  }
  func.func @transform_0(%arg0: i32) -> (i32, i32) {
    %c0_i32 = arith.constant 0 : i32
    %c0_i32_0 = arith.constant 0 : i32
    return %arg0, %c0_i32 : i32, i32
  }
  func.func @transform_1(%arg0: i32) -> (i32, i32) {
    %c0_i32 = arith.constant 0 : i32
    %c0_i32_0 = arith.constant 0 : i32
    %c0_i32_1 = arith.constant 0 : i32
    return %c0_i32, %c0_i32_0 : i32, i32
  }
  func.func @transform_2(%arg0: i32) -> (i32, i32) {
    %c0_i32 = arith.constant 0 : i32
    %c0_i32_0 = arith.constant 0 : i32
    return %arg0, %c0_i32 : i32, i32
  }
}

module attributes {stable_mosaic.version = 14 : i64} {
  func.func @body(%arg0: i32, %arg1: memref<2x784x128xf32, #tpu.memory_space<vmem>>, %arg2: memref<784x128xf32, #tpu.memory_space<vmem>>, %arg3: memref<784x128xf32, #tpu.memory_space<vmem>>, %arg4: memref<784x128xf32, #tpu.memory_space<vmem>>) attributes {dimension_semantics = [#tpu.dimension_semantics<arbitrary>], iteration_bounds = array<i64: 16>, scalar_prefetch = 0 : i64, scratch_operands = 0 : i64, tpu.core_type = #tpu.core_type<tc>, window_params = [{transform_indices = @transform_0, window_bounds = array<i64: 2, 784, 128>}, {transform_indices = @transform_1, window_bounds = array<i64: 784, 128>}, {transform_indices = @transform_2, window_bounds = array<i64: 784, 128>}, {transform_indices = @transform_3, window_bounds = array<i64: 784, 128>}]} {
    %get3A = arith.constant 0 : index
    %get3A_0 = arith.constant 0 : index
    %get3A_1 = arith.constant 0 : index
    %get3A_2 = vector.load %arg1[%get3A, %get3A_0, %get3A_1] : memref<2x784x128xf32, #tpu.memory_space<vmem>>, vector<1x784x128xf32>
    %get3A_3 = vector.shape_cast %get3A_2 : vector<1x784x128xf32> to vector<784x128xf32>
    %get3A_4 = arith.constant 1 : index
    %get3A_5 = arith.constant 0 : index
    %get3A_6 = arith.constant 0 : index
    %get3A_7 = vector.load %arg1[%get3A_4, %get3A_5, %get3A_6] : memref<2x784x128xf32, #tpu.memory_space<vmem>>, vector<1x784x128xf32>
    %get3A_8 = vector.shape_cast %get3A_7 : vector<1x784x128xf32> to vector<784x128xf32>
    %add3A = arith.addf %get3A_3, %get3A_8 : vector<784x128xf32>
    %add3A_9 = arith.constant 1.000000e+00 : f32
    %add3A_10 = vector.broadcast %add3A_9 : f32 to vector<784x128xf32>
    %add3A_11 = arith.addf %add3A, %add3A_10 : vector<784x128xf32>
    %rsqrt3A = math.rsqrt %add3A_11 : vector<784x128xf32>
    %swap3A = arith.constant 0 : index
    %swap3A_12 = arith.constant 0 : index
    %swap3A_13 = vector.load %arg3[%swap3A, %swap3A_12] : memref<784x128xf32, #tpu.memory_space<vmem>>, vector<784x128xf32>
    tpu.vector_store %arg3[%swap3A, %swap3A_12], %rsqrt3A {strides = array<i32>} : memref<784x128xf32, #tpu.memory_space<vmem>>, vector<784x128xf32>,
    %get3A_14 = arith.constant 0 : index
    %get3A_15 = arith.constant 0 : index
    %get3A_16 = vector.load %arg2[%get3A_14, %get3A_15] : memref<784x128xf32, #tpu.memory_space<vmem>>, vector<784x128xf32>
    %mul3A = arith.mulf %get3A_16, %rsqrt3A : vector<784x128xf32>
    %swap3A_17 = arith.constant 0 : index
    %swap3A_18 = arith.constant 0 : index
    %swap3A_19 = vector.load %arg4[%swap3A_17, %swap3A_18] : memref<784x128xf32, #tpu.memory_space<vmem>>, vector<784x128xf32>
    tpu.vector_store %arg4[%swap3A_17, %swap3A_18], %mul3A {strides = array<i32>} : memref<784x128xf32, #tpu.memory_space<vmem>>, vector<784x128xf32>,
    return
  }
  func.func @transform_0(%arg0: i32) -> (i32, i32, i32) {
    %c0_i32 = arith.constant 0 : i32
    %c0_i32_0 = arith.constant 0 : i32
    %c0_i32_1 = arith.constant 0 : i32
    return %c0_i32, %arg0, %c0_i32_0 : i32, i32, i32
  }
  func.func @transform_1(%arg0: i32) -> (i32, i32) {
    %c0_i32 = arith.constant 0 : i32
    %c0_i32_0 = arith.constant 0 : i32
    return %arg0, %c0_i32 : i32, i32
  }
  func.func @transform_2(%arg0: i32) -> (i32, i32) {
    %c0_i32 = arith.constant 0 : i32
    %c0_i32_0 = arith.constant 0 : i32
    return %arg0, %c0_i32 : i32, i32
  }
  func.func @transform_3(%arg0: i32) -> (i32, i32) {
    %c0_i32 = arith.constant 0 : i32
    %c0_i32_0 = arith.constant 0 : i32
    return %arg0, %c0_i32 : i32, i32
  }
}

module attributes {stable_mosaic.version = 14 : i64} {
  func.func @body(%arg0: i32, %arg1: memref<2x784x128xf32, #tpu.memory_space<vmem>>, %arg2: memref<784x128xf32, #tpu.memory_space<vmem>>, %arg3: memref<784x128xf32, #tpu.memory_space<vmem>>, %arg4: memref<128x128xf32, #tpu.memory_space<vmem>>, %arg5: memref<1x128xf32, #tpu.memory_space<vmem>>, %arg6: memref<784x128xf32, #tpu.memory_space<vmem>>) attributes {dimension_semantics = [#tpu.dimension_semantics<arbitrary>], iteration_bounds = array<i64: 16>, scalar_prefetch = 0 : i64, scratch_operands = 0 : i64, tpu.core_type = #tpu.core_type<tc>, window_params = [{transform_indices = @transform_0, window_bounds = array<i64: 2, 784, 128>}, {transform_indices = @transform_1, window_bounds = array<i64: 784, 128>}, {transform_indices = @transform_2, window_bounds = array<i64: 784, 128>}, {pipeline_mode = #tpu.pipeline_mode<synchronous>, transform_indices = @transform_3, window_bounds = array<i64: 128, 128>}, {pipeline_mode = #tpu.pipeline_mode<synchronous>, transform_indices = @transform_4, window_bounds = array<i64: 1, 128>}, {transform_indices = @transform_5, window_bounds = array<i64: 784, 128>}]} {
    %get3A = arith.constant 0 : index
    %get3A_0 = arith.constant 0 : index
    %get3A_1 = vector.load %arg3[%get3A, %get3A_0] : memref<784x128xf32, #tpu.memory_space<vmem>>, vector<784x128xf32>
    %get3A_2 = arith.constant 0 : index
    %get3A_3 = arith.constant 0 : index
    %get3A_4 = arith.constant 0 : index
    %get3A_5 = vector.load %arg1[%get3A_2, %get3A_3, %get3A_4] : memref<2x784x128xf32, #tpu.memory_space<vmem>>, vector<1x784x128xf32>
    %get3A_6 = vector.shape_cast %get3A_5 : vector<1x784x128xf32> to vector<784x128xf32>
    %get3A_7 = arith.constant 1 : index
    %get3A_8 = arith.constant 0 : index
    %get3A_9 = arith.constant 0 : index
    %get3A_10 = vector.load %arg1[%get3A_7, %get3A_8, %get3A_9] : memref<2x784x128xf32, #tpu.memory_space<vmem>>, vector<1x784x128xf32>
    %get3A_11 = vector.shape_cast %get3A_10 : vector<1x784x128xf32> to vector<784x128xf32>
    %add3A = arith.addf %get3A_6, %get3A_11 : vector<784x128xf32>
    %get3A_12 = arith.constant 0 : index
    %get3A_13 = arith.constant 0 : index
    %get3A_14 = vector.load %arg2[%get3A_12, %get3A_13] : memref<784x128xf32, #tpu.memory_space<vmem>>, vector<784x128xf32>
    %add3A_15 = arith.addf %add3A, %get3A_14 : vector<784x128xf32>
    %mul3A = arith.mulf %get3A_1, %add3A_15 : vector<784x128xf32>
    %get3A_16 = arith.constant 0 : index
    %get3A_17 = arith.constant 0 : index
    %get3A_18 = vector.load %arg5[%get3A_16, %get3A_17] : memref<1x128xf32, #tpu.memory_space<vmem>>, vector<1x128xf32>
    %add3A_19 = vector.broadcast %get3A_18 : vector<1x128xf32> to vector<784x128xf32>
    %add3A_20 = arith.addf %mul3A, %add3A_19 : vector<784x128xf32>
    %max3A = arith.constant 0.000000e+00 : f32
    %max3A_21 = vector.broadcast %max3A : f32 to vector<784x128xf32>
    %max3A_22 = arith.maximumf %add3A_20, %max3A_21 : vector<784x128xf32>
    %get3A_23 = arith.constant 0 : index
    %get3A_24 = arith.constant 0 : index
    %get3A_25 = vector.load %arg4[%get3A_23, %get3A_24] : memref<128x128xf32, #tpu.memory_space<vmem>>, vector<128x128xf32>
    %dot_general3A = arith.constant dense<0.000000e+00> : vector<784x128xf32>
    %dot_general3A_26 = tpu.matmul %max3A_22, %get3A_25, %dot_general3A {dimension_numbers = #tpu.dot_dimension_numbers<[1], [0], [0], [1], [0, 0, 1, 1], [], []>, transpose_lhs_hint = false} : vector<784x128xf32>, vector<128x128xf32>, vector<784x128xf32> -> vector<784x128xf32>
    %mul3A_27 = arith.mulf %dot_general3A_26, %get3A_1 : vector<784x128xf32>
    %swap3A = arith.constant 0 : index
    %swap3A_28 = arith.constant 0 : index
    %swap3A_29 = vector.load %arg6[%swap3A, %swap3A_28] : memref<784x128xf32, #tpu.memory_space<vmem>>, vector<784x128xf32>
    tpu.vector_store %arg6[%swap3A, %swap3A_28], %mul3A_27 {strides = array<i32>} : memref<784x128xf32, #tpu.memory_space<vmem>>, vector<784x128xf32>,
    return
  }
  func.func @transform_0(%arg0: i32) -> (i32, i32, i32) {
    %c0_i32 = arith.constant 0 : i32
    %c0_i32_0 = arith.constant 0 : i32
    %c0_i32_1 = arith.constant 0 : i32
    return %c0_i32, %arg0, %c0_i32_0 : i32, i32, i32
  }
  func.func @transform_1(%arg0: i32) -> (i32, i32) {
    %c0_i32 = arith.constant 0 : i32
    %c0_i32_0 = arith.constant 0 : i32
    return %arg0, %c0_i32 : i32, i32
  }
  func.func @transform_2(%arg0: i32) -> (i32, i32) {
    %c0_i32 = arith.constant 0 : i32
    %c0_i32_0 = arith.constant 0 : i32
    return %arg0, %c0_i32 : i32, i32
  }
  func.func @transform_3(%arg0: i32) -> (i32, i32) {
    %c0_i32 = arith.constant 0 : i32
    %c0_i32_0 = arith.constant 0 : i32
    %c0_i32_1 = arith.constant 0 : i32
    return %c0_i32, %c0_i32_0 : i32, i32
  }
  func.func @transform_4(%arg0: i32) -> (i32, i32) {
    %c0_i32 = arith.constant 0 : i32
    %c0_i32_0 = arith.constant 0 : i32
    %c0_i32_1 = arith.constant 0 : i32
    return %c0_i32, %c0_i32_0 : i32, i32
  }
  func.func @transform_5(%arg0: i32) -> (i32, i32) {
    %c0_i32 = arith.constant 0 : i32
    %c0_i32_0 = arith.constant 0 : i32
    return %arg0, %c0_i32 : i32, i32
  }
}

module attributes {stable_mosaic.version = 14 : i64} {
  func.func @body(%arg0: i32, %arg1: memref<2x784x128xf32, #tpu.memory_space<vmem>>, %arg2: memref<784x128xf32, #tpu.memory_space<vmem>>, %arg3: memref<784x128xf32, #tpu.memory_space<vmem>>, %arg4: memref<1x128xf32, #tpu.memory_space<vmem>>, %arg5: memref<784x8xi32, #tpu.memory_space<vmem>>, %arg6: memref<16x16xf32, #tpu.memory_space<vmem>>, %arg7: memref<1x16xf32, #tpu.memory_space<vmem>>, %arg8: memref<16x1xf32, #tpu.memory_space<vmem>>, %arg9: memref<1x1xf32, #tpu.memory_space<vmem>>, %arg10: memref<128x1xf32, #tpu.memory_space<vmem>>, %arg11: memref<128x16xf32, #tpu.memory_space<vmem>>) attributes {dimension_semantics = [#tpu.dimension_semantics<arbitrary>], iteration_bounds = array<i64: 16>, scalar_prefetch = 0 : i64, scratch_operands = 1 : i64, tpu.core_type = #tpu.core_type<tc>, window_params = [{transform_indices = @transform_0, window_bounds = array<i64: 2, 784, 128>}, {transform_indices = @transform_1, window_bounds = array<i64: 784, 128>}, {transform_indices = @transform_2, window_bounds = array<i64: 784, 128>}, {pipeline_mode = #tpu.pipeline_mode<synchronous>, transform_indices = @transform_3, window_bounds = array<i64: 1, 128>}, {transform_indices = @transform_4, window_bounds = array<i64: 784, 8>}, {pipeline_mode = #tpu.pipeline_mode<synchronous>, transform_indices = @transform_5, window_bounds = array<i64: 16, 16>}, {pipeline_mode = #tpu.pipeline_mode<synchronous>, transform_indices = @transform_6, window_bounds = array<i64: 1, 16>}, {pipeline_mode = #tpu.pipeline_mode<synchronous>, transform_indices = @transform_7, window_bounds = array<i64: 16, 1>}, {pipeline_mode = #tpu.pipeline_mode<synchronous>, transform_indices = @transform_8, window_bounds = array<i64: 1, 1>}, {pipeline_mode = #tpu.pipeline_mode<synchronous>, transform_indices = @transform_9, window_bounds = array<i64: 128, 1>}]} {
    %eq3A = arith.constant 0 : i32
    %eq3A_0 = arith.cmpi eq, %arg0, %eq3A : i32
    %convert_element_type3A = arith.extui %eq3A_0 : i1 to i32
    %cond3A = arith.constant 0 : i32
    %cond3A_1 = arith.cmpi ne, %convert_element_type3A, %cond3A : i32
    scf.if %cond3A_1 {
      %broadcast_in_dim3A_123 = arith.constant 0.000000e+00 : f32
      %broadcast_in_dim3A_124 = vector.broadcast %broadcast_in_dim3A_123 : f32 to vector<128x16xf32>
      %swap3A_125 = arith.constant 0 : index
      %swap3A_126 = arith.constant 0 : index
      %swap3A_127 = vector.load %arg11[%swap3A_125, %swap3A_126] : memref<128x16xf32, #tpu.memory_space<vmem>>, vector<128x16xf32>
      tpu.vector_store %arg11[%swap3A_125, %swap3A_126], %broadcast_in_dim3A_124 {strides = array<i32>} : memref<128x16xf32, #tpu.memory_space<vmem>>, vector<128x16xf32>,
    } else {
    }
    %get3A = arith.constant 0 : index
    %get3A_2 = arith.constant 0 : index
    %get3A_3 = vector.load %arg3[%get3A, %get3A_2] : memref<784x128xf32, #tpu.memory_space<vmem>>, vector<784x128xf32>
    %get3A_4 = arith.constant 0 : index
    %get3A_5 = arith.constant 0 : index
    %get3A_6 = arith.constant 0 : index
    %get3A_7 = vector.load %arg1[%get3A_4, %get3A_5, %get3A_6] : memref<2x784x128xf32, #tpu.memory_space<vmem>>, vector<1x784x128xf32>
    %get3A_8 = vector.shape_cast %get3A_7 : vector<1x784x128xf32> to vector<784x128xf32>
    %get3A_9 = arith.constant 1 : index
    %get3A_10 = arith.constant 0 : index
    %get3A_11 = arith.constant 0 : index
    %get3A_12 = vector.load %arg1[%get3A_9, %get3A_10, %get3A_11] : memref<2x784x128xf32, #tpu.memory_space<vmem>>, vector<1x784x128xf32>
    %get3A_13 = vector.shape_cast %get3A_12 : vector<1x784x128xf32> to vector<784x128xf32>
    %add3A = arith.addf %get3A_8, %get3A_13 : vector<784x128xf32>
    %get3A_14 = arith.constant 0 : index
    %get3A_15 = arith.constant 0 : index
    %get3A_16 = vector.load %arg2[%get3A_14, %get3A_15] : memref<784x128xf32, #tpu.memory_space<vmem>>, vector<784x128xf32>
    %add3A_17 = arith.addf %add3A, %get3A_16 : vector<784x128xf32>
    %mul3A = arith.mulf %get3A_3, %add3A_17 : vector<784x128xf32>
    %get3A_18 = arith.constant 0 : index
    %get3A_19 = arith.constant 0 : index
    %get3A_20 = vector.load %arg4[%get3A_18, %get3A_19] : memref<1x128xf32, #tpu.memory_space<vmem>>, vector<1x128xf32>
    %add3A_21 = vector.broadcast %get3A_20 : vector<1x128xf32> to vector<784x128xf32>
    %add3A_22 = arith.addf %mul3A, %add3A_21 : vector<784x128xf32>
    %max3A = arith.constant 0.000000e+00 : f32
    %max3A_23 = vector.broadcast %max3A : f32 to vector<784x128xf32>
    %max3A_24 = arith.maximumf %add3A_22, %max3A_23 : vector<784x128xf32>
    %iota3A = tpu.iota {dimensions = array<i32: 1>} : vector<784x128xi32>
    %broadcast_in_dim3A = arith.constant 0.000000e+00 : f32
    %broadcast_in_dim3A_25 = vector.broadcast %broadcast_in_dim3A : f32 to vector<128x16xf32>
    %get3A_26 = arith.constant 0 : index
    %get3A_27 = arith.constant 0 : index
    %get3A_28 = vector.load %arg5[%get3A_26, %get3A_27] : memref<784x8xi32, #tpu.memory_space<vmem>>, vector<784x1xi32>
    %eq3A_29 = vector.broadcast %get3A_28 : vector<784x1xi32> to vector<784x128xi32>
    %eq3A_30 = arith.cmpi eq, %eq3A_29, %iota3A : vector<784x128xi32>
    %convert_element_type3A_31 = arith.extui %eq3A_30 : vector<784x128xi1> to vector<784x128xi32>
    %convert_element_type3A_32 = arith.sitofp %convert_element_type3A_31 : vector<784x128xi32> to vector<784x128xf32>
    %slice3A = vector.extract_strided_slice %max3A_24 {offsets = [0, 0], sizes = [784, 16], strides = [1, 1]} : vector<784x128xf32> to vector<784x16xf32>
    %dot_general3A = arith.constant dense<0.000000e+00> : vector<128x16xf32>
    %dot_general3A_33 = tpu.matmul %convert_element_type3A_32, %slice3A, %dot_general3A {dimension_numbers = #tpu.dot_dimension_numbers<[0], [0], [1], [1], [0, 1, 1, 1], [], []>, transpose_lhs_hint = false} : vector<784x128xf32>, vector<784x16xf32>, vector<128x16xf32> -> vector<128x16xf32>
    %add3A_34 = arith.addf %broadcast_in_dim3A_25, %dot_general3A_33 : vector<128x16xf32>
    %get3A_35 = arith.constant 0 : index
    %get3A_36 = arith.constant 1 : index
    %get3A_37 = vector.load %arg5[%get3A_35, %get3A_36] : memref<784x8xi32, #tpu.memory_space<vmem>>, vector<784x1xi32>
    %eq3A_38 = vector.broadcast %get3A_37 : vector<784x1xi32> to vector<784x128xi32>
    %eq3A_39 = arith.cmpi eq, %eq3A_38, %iota3A : vector<784x128xi32>
    %convert_element_type3A_40 = arith.extui %eq3A_39 : vector<784x128xi1> to vector<784x128xi32>
    %convert_element_type3A_41 = arith.sitofp %convert_element_type3A_40 : vector<784x128xi32> to vector<784x128xf32>
    %slice3A_42 = vector.extract_strided_slice %max3A_24 {offsets = [0, 16], sizes = [784, 16], strides = [1, 1]} : vector<784x128xf32> to vector<784x16xf32>
    %dot_general3A_43 = arith.constant dense<0.000000e+00> : vector<128x16xf32>
    %dot_general3A_44 = tpu.matmul %convert_element_type3A_41, %slice3A_42, %dot_general3A_43 {dimension_numbers = #tpu.dot_dimension_numbers<[0], [0], [1], [1], [0, 1, 1, 1], [], []>, transpose_lhs_hint = false} : vector<784x128xf32>, vector<784x16xf32>, vector<128x16xf32> -> vector<128x16xf32>
    %add3A_45 = arith.addf %add3A_34, %dot_general3A_44 : vector<128x16xf32>
    %get3A_46 = arith.constant 0 : index
    %get3A_47 = arith.constant 2 : index
    %get3A_48 = vector.load %arg5[%get3A_46, %get3A_47] : memref<784x8xi32, #tpu.memory_space<vmem>>, vector<784x1xi32>
    %eq3A_49 = vector.broadcast %get3A_48 : vector<784x1xi32> to vector<784x128xi32>
    %eq3A_50 = arith.cmpi eq, %eq3A_49, %iota3A : vector<784x128xi32>
    %convert_element_type3A_51 = arith.extui %eq3A_50 : vector<784x128xi1> to vector<784x128xi32>
    %convert_element_type3A_52 = arith.sitofp %convert_element_type3A_51 : vector<784x128xi32> to vector<784x128xf32>
    %slice3A_53 = vector.extract_strided_slice %max3A_24 {offsets = [0, 32], sizes = [784, 16], strides = [1, 1]} : vector<784x128xf32> to vector<784x16xf32>
    %dot_general3A_54 = arith.constant dense<0.000000e+00> : vector<128x16xf32>
    %dot_general3A_55 = tpu.matmul %convert_element_type3A_52, %slice3A_53, %dot_general3A_54 {dimension_numbers = #tpu.dot_dimension_numbers<[0], [0], [1], [1], [0, 1, 1, 1], [], []>, transpose_lhs_hint = false} : vector<784x128xf32>, vector<784x16xf32>, vector<128x16xf32> -> vector<128x16xf32>
    %add3A_56 = arith.addf %add3A_45, %dot_general3A_55 : vector<128x16xf32>
    %get3A_57 = arith.constant 0 : index
    %get3A_58 = arith.constant 3 : index
    %get3A_59 = vector.load %arg5[%get3A_57, %get3A_58] : memref<784x8xi32, #tpu.memory_space<vmem>>, vector<784x1xi32>
    %eq3A_60 = vector.broadcast %get3A_59 : vector<784x1xi32> to vector<784x128xi32>
    %eq3A_61 = arith.cmpi eq, %eq3A_60, %iota3A : vector<784x128xi32>
    %convert_element_type3A_62 = arith.extui %eq3A_61 : vector<784x128xi1> to vector<784x128xi32>
    %convert_element_type3A_63 = arith.sitofp %convert_element_type3A_62 : vector<784x128xi32> to vector<784x128xf32>
    %slice3A_64 = vector.extract_strided_slice %max3A_24 {offsets = [0, 48], sizes = [784, 16], strides = [1, 1]} : vector<784x128xf32> to vector<784x16xf32>
    %dot_general3A_65 = arith.constant dense<0.000000e+00> : vector<128x16xf32>
    %dot_general3A_66 = tpu.matmul %convert_element_type3A_63, %slice3A_64, %dot_general3A_65 {dimension_numbers = #tpu.dot_dimension_numbers<[0], [0], [1], [1], [0, 1, 1, 1], [], []>, transpose_lhs_hint = false} : vector<784x128xf32>, vector<784x16xf32>, vector<128x16xf32> -> vector<128x16xf32>
    %add3A_67 = arith.addf %add3A_56, %dot_general3A_66 : vector<128x16xf32>
    %get3A_68 = arith.constant 0 : index
    %get3A_69 = arith.constant 4 : index
    %get3A_70 = vector.load %arg5[%get3A_68, %get3A_69] : memref<784x8xi32, #tpu.memory_space<vmem>>, vector<784x1xi32>
    %eq3A_71 = vector.broadcast %get3A_70 : vector<784x1xi32> to vector<784x128xi32>
    %eq3A_72 = arith.cmpi eq, %eq3A_71, %iota3A : vector<784x128xi32>
    %convert_element_type3A_73 = arith.extui %eq3A_72 : vector<784x128xi1> to vector<784x128xi32>
    %convert_element_type3A_74 = arith.sitofp %convert_element_type3A_73 : vector<784x128xi32> to vector<784x128xf32>
    %slice3A_75 = vector.extract_strided_slice %max3A_24 {offsets = [0, 64], sizes = [784, 16], strides = [1, 1]} : vector<784x128xf32> to vector<784x16xf32>
    %dot_general3A_76 = arith.constant dense<0.000000e+00> : vector<128x16xf32>
    %dot_general3A_77 = tpu.matmul %convert_element_type3A_74, %slice3A_75, %dot_general3A_76 {dimension_numbers = #tpu.dot_dimension_numbers<[0], [0], [1], [1], [0, 1, 1, 1], [], []>, transpose_lhs_hint = false} : vector<784x128xf32>, vector<784x16xf32>, vector<128x16xf32> -> vector<128x16xf32>
    %add3A_78 = arith.addf %add3A_67, %dot_general3A_77 : vector<128x16xf32>
    %get3A_79 = arith.constant 0 : index
    %get3A_80 = arith.constant 5 : index
    %get3A_81 = vector.load %arg5[%get3A_79, %get3A_80] : memref<784x8xi32, #tpu.memory_space<vmem>>, vector<784x1xi32>
    %eq3A_82 = vector.broadcast %get3A_81 : vector<784x1xi32> to vector<784x128xi32>
    %eq3A_83 = arith.cmpi eq, %eq3A_82, %iota3A : vector<784x128xi32>
    %convert_element_type3A_84 = arith.extui %eq3A_83 : vector<784x128xi1> to vector<784x128xi32>
    %convert_element_type3A_85 = arith.sitofp %convert_element_type3A_84 : vector<784x128xi32> to vector<784x128xf32>
    %slice3A_86 = vector.extract_strided_slice %max3A_24 {offsets = [0, 80], sizes = [784, 16], strides = [1, 1]} : vector<784x128xf32> to vector<784x16xf32>
    %dot_general3A_87 = arith.constant dense<0.000000e+00> : vector<128x16xf32>
    %dot_general3A_88 = tpu.matmul %convert_element_type3A_85, %slice3A_86, %dot_general3A_87 {dimension_numbers = #tpu.dot_dimension_numbers<[0], [0], [1], [1], [0, 1, 1, 1], [], []>, transpose_lhs_hint = false} : vector<784x128xf32>, vector<784x16xf32>, vector<128x16xf32> -> vector<128x16xf32>
    %add3A_89 = arith.addf %add3A_78, %dot_general3A_88 : vector<128x16xf32>
    %get3A_90 = arith.constant 0 : index
    %get3A_91 = arith.constant 6 : index
    %get3A_92 = vector.load %arg5[%get3A_90, %get3A_91] : memref<784x8xi32, #tpu.memory_space<vmem>>, vector<784x1xi32>
    %eq3A_93 = vector.broadcast %get3A_92 : vector<784x1xi32> to vector<784x128xi32>
    %eq3A_94 = arith.cmpi eq, %eq3A_93, %iota3A : vector<784x128xi32>
    %convert_element_type3A_95 = arith.extui %eq3A_94 : vector<784x128xi1> to vector<784x128xi32>
    %convert_element_type3A_96 = arith.sitofp %convert_element_type3A_95 : vector<784x128xi32> to vector<784x128xf32>
    %slice3A_97 = vector.extract_strided_slice %max3A_24 {offsets = [0, 96], sizes = [784, 16], strides = [1, 1]} : vector<784x128xf32> to vector<784x16xf32>
    %dot_general3A_98 = arith.constant dense<0.000000e+00> : vector<128x16xf32>
    %dot_general3A_99 = tpu.matmul %convert_element_type3A_96, %slice3A_97, %dot_general3A_98 {dimension_numbers = #tpu.dot_dimension_numbers<[0], [0], [1], [1], [0, 1, 1, 1], [], []>, transpose_lhs_hint = false} : vector<784x128xf32>, vector<784x16xf32>, vector<128x16xf32> -> vector<128x16xf32>
    %add3A_100 = arith.addf %add3A_89, %dot_general3A_99 : vector<128x16xf32>
    %get3A_101 = arith.constant 0 : index
    %get3A_102 = arith.constant 7 : index
    %get3A_103 = vector.load %arg5[%get3A_101, %get3A_102] : memref<784x8xi32, #tpu.memory_space<vmem>>, vector<784x1xi32>
    %eq3A_104 = vector.broadcast %get3A_103 : vector<784x1xi32> to vector<784x128xi32>
    %eq3A_105 = arith.cmpi eq, %eq3A_104, %iota3A : vector<784x128xi32>
    %convert_element_type3A_106 = arith.extui %eq3A_105 : vector<784x128xi1> to vector<784x128xi32>
    %convert_element_type3A_107 = arith.sitofp %convert_element_type3A_106 : vector<784x128xi32> to vector<784x128xf32>
    %slice3A_108 = vector.extract_strided_slice %max3A_24 {offsets = [0, 112], sizes = [784, 16], strides = [1, 1]} : vector<784x128xf32> to vector<784x16xf32>
    %dot_general3A_109 = arith.constant dense<0.000000e+00> : vector<128x16xf32>
    %dot_general3A_110 = tpu.matmul %convert_element_type3A_107, %slice3A_108, %dot_general3A_109 {dimension_numbers = #tpu.dot_dimension_numbers<[0], [0], [1], [1], [0, 1, 1, 1], [], []>, transpose_lhs_hint = false} : vector<784x128xf32>, vector<784x16xf32>, vector<128x16xf32> -> vector<128x16xf32>
    %add3A_111 = arith.addf %add3A_100, %dot_general3A_110 : vector<128x16xf32>
    %get3A_112 = arith.constant 0 : index
    %get3A_113 = arith.constant 0 : index
    %get3A_114 = vector.load %arg11[%get3A_112, %get3A_113] : memref<128x16xf32, #tpu.memory_space<vmem>>, vector<128x16xf32>
    %add3A_115 = arith.addf %get3A_114, %add3A_111 : vector<128x16xf32>
    %swap3A = arith.constant 0 : index
    %swap3A_116 = arith.constant 0 : index
    %swap3A_117 = vector.load %arg11[%swap3A, %swap3A_116] : memref<128x16xf32, #tpu.memory_space<vmem>>, vector<128x16xf32>
    tpu.vector_store %arg11[%swap3A, %swap3A_116], %add3A_115 {strides = array<i32>} : memref<128x16xf32, #tpu.memory_space<vmem>>, vector<128x16xf32>,
    %eq3A_118 = arith.constant 15 : i32
    %eq3A_119 = arith.cmpi eq, %arg0, %eq3A_118 : i32
    %convert_element_type3A_120 = arith.extui %eq3A_119 : i1 to i32
    %cond3A_121 = arith.constant 0 : i32
    %cond3A_122 = arith.cmpi ne, %convert_element_type3A_120, %cond3A_121 : i32
    scf.if %cond3A_122 {
      %get3A_123 = arith.constant 0 : index
      %get3A_124 = arith.constant 0 : index
      %get3A_125 = vector.load %arg11[%get3A_123, %get3A_124] : memref<128x16xf32, #tpu.memory_space<vmem>>, vector<128x16xf32>
      %get3A_126 = arith.constant 0 : index
      %get3A_127 = arith.constant 0 : index
      %get3A_128 = vector.load %arg6[%get3A_126, %get3A_127] : memref<16x16xf32, #tpu.memory_space<vmem>>, vector<16x16xf32>
      %dot_general3A_129 = arith.constant dense<0.000000e+00> : vector<128x16xf32>
      %dot_general3A_130 = tpu.matmul %get3A_125, %get3A_128, %dot_general3A_129 {dimension_numbers = #tpu.dot_dimension_numbers<[1], [0], [0], [1], [0, 0, 1, 1], [], []>, transpose_lhs_hint = false} : vector<128x16xf32>, vector<16x16xf32>, vector<128x16xf32> -> vector<128x16xf32>
      %get3A_131 = arith.constant 0 : index
      %get3A_132 = arith.constant 0 : index
      %get3A_133 = vector.load %arg7[%get3A_131, %get3A_132] : memref<1x16xf32, #tpu.memory_space<vmem>>, vector<1x16xf32>
      %add3A_134 = vector.broadcast %get3A_133 : vector<1x16xf32> to vector<128x16xf32>
      %add3A_135 = arith.addf %dot_general3A_130, %add3A_134 : vector<128x16xf32>
      %max3A_136 = arith.constant 0.000000e+00 : f32
      %max3A_137 = vector.broadcast %max3A_136 : f32 to vector<128x16xf32>
      %max3A_138 = arith.maximumf %add3A_135, %max3A_137 : vector<128x16xf32>
      %get3A_139 = arith.constant 0 : index
      %get3A_140 = arith.constant 0 : index
      %get3A_141 = vector.load %arg8[%get3A_139, %get3A_140] : memref<16x1xf32, #tpu.memory_space<vmem>>, vector<16x1xf32>
      %dot_general3A_142 = arith.constant dense<0.000000e+00> : vector<128x1xf32>
      %dot_general3A_143 = tpu.matmul %max3A_138, %get3A_141, %dot_general3A_142 {dimension_numbers = #tpu.dot_dimension_numbers<[1], [0], [0], [1], [0, 0, 1, 1], [], []>, transpose_lhs_hint = false} : vector<128x16xf32>, vector<16x1xf32>, vector<128x1xf32> -> vector<128x1xf32>
      %get3A_144 = arith.constant 0 : index
      %get3A_145 = arith.constant 0 : index
      %get3A_146 = vector.load %arg9[%get3A_144, %get3A_145] : memref<1x1xf32, #tpu.memory_space<vmem>>, vector<1x1xf32>
      %add3A_147 = vector.broadcast %get3A_146 : vector<1x1xf32> to vector<128x1xf32>
      %add3A_148 = arith.addf %dot_general3A_143, %add3A_147 : vector<128x1xf32>
      %swap3A_149 = arith.constant 0 : index
      %swap3A_150 = arith.constant 0 : index
      %swap3A_151 = vector.load %arg10[%swap3A_149, %swap3A_150] : memref<128x1xf32, #tpu.memory_space<vmem>>, vector<128x1xf32>
      tpu.vector_store %arg10[%swap3A_149, %swap3A_150], %add3A_148 {strides = array<i32>} : memref<128x1xf32, #tpu.memory_space<vmem>>, vector<128x1xf32>,
    } else {
    }
    return
  }
  func.func @transform_0(%arg0: i32) -> (i32, i32, i32) {
    %c0_i32 = arith.constant 0 : i32
    %c0_i32_0 = arith.constant 0 : i32
    %c0_i32_1 = arith.constant 0 : i32
    return %c0_i32, %arg0, %c0_i32_0 : i32, i32, i32
  }
  func.func @transform_1(%arg0: i32) -> (i32, i32) {
    %c0_i32 = arith.constant 0 : i32
    %c0_i32_0 = arith.constant 0 : i32
    return %arg0, %c0_i32 : i32, i32
  }
  func.func @transform_2(%arg0: i32) -> (i32, i32) {
    %c0_i32 = arith.constant 0 : i32
    %c0_i32_0 = arith.constant 0 : i32
    return %arg0, %c0_i32 : i32, i32
  }
  func.func @transform_3(%arg0: i32) -> (i32, i32) {
    %c0_i32 = arith.constant 0 : i32
    %c0_i32_0 = arith.constant 0 : i32
    %c0_i32_1 = arith.constant 0 : i32
    return %c0_i32, %c0_i32_0 : i32, i32
  }
  func.func @transform_4(%arg0: i32) -> (i32, i32) {
    %c0_i32 = arith.constant 0 : i32
    %c0_i32_0 = arith.constant 0 : i32
    return %arg0, %c0_i32 : i32, i32
  }
  func.func @transform_5(%arg0: i32) -> (i32, i32) {
    %c0_i32 = arith.constant 0 : i32
    %c0_i32_0 = arith.constant 0 : i32
    %c0_i32_1 = arith.constant 0 : i32
    return %c0_i32, %c0_i32_0 : i32, i32
  }
  func.func @transform_6(%arg0: i32) -> (i32, i32) {
    %c0_i32 = arith.constant 0 : i32
    %c0_i32_0 = arith.constant 0 : i32
    %c0_i32_1 = arith.constant 0 : i32
    return %c0_i32, %c0_i32_0 : i32, i32
  }
  func.func @transform_7(%arg0: i32) -> (i32, i32) {
    %c0_i32 = arith.constant 0 : i32
    %c0_i32_0 = arith.constant 0 : i32
    %c0_i32_1 = arith.constant 0 : i32
    return %c0_i32, %c0_i32_0 : i32, i32
  }
  func.func @transform_8(%arg0: i32) -> (i32, i32) {
    %c0_i32 = arith.constant 0 : i32
    %c0_i32_0 = arith.constant 0 : i32
    %c0_i32_1 = arith.constant 0 : i32
    return %c0_i32, %c0_i32_0 : i32, i32
  }
  func.func @transform_9(%arg0: i32) -> (i32, i32) {
    %c0_i32 = arith.constant 0 : i32
    %c0_i32_0 = arith.constant 0 : i32
    %c0_i32_1 = arith.constant 0 : i32
    return %c0_i32, %c0_i32_0 : i32, i32
  }
}

</mosaic_0001>

<sc_bundles>
// kernel: kernel.12.cloned.1.call-start
scs
__scs_entry_jumppad:
0x0: {  	(pc) =	sbr.rel $0x88, $3  }
0x1: {  	(tag) =	ssettag $0x0;
	lr =	simm.s32 $0x1  }
0x2: {  	[smem:$0x3F96] =	sst lr;
	_ =	strace $0xD0000000  }
0x3: {  	_ = 	snop  }
0x4: {  	_ = 	snop  }
0x5: {  	_ = 	snop  }
0x6: {  	_ = 	snop  }
0x7: {  	_ = 	snop  }
__scs_overlays_trampoline_lowered:
0x8: {  	[smem:$0x3FA5] =	sst s0  }
0x9: {  	[smem:$0x3FA6] =	sst s1  }
0xa: {  	[smem:$0x3FA7] =	sst s2  }
0xb: {  	[smem:$0x3FA8] =	sst s3  }
0xc: {  	[smem:$0x3FA9] =	sst s4  }
0xd: {  	[smem:$0x3FAA] =	sst s5  }
0xe: {  	[smem:$0x3FAB] =	sst s6  }
0xf: {  	[smem:$0x3FAC] =	sst s7  }
0x10: {  	[smem:$0x3FAD] =	sst s8  }
0x11: {  	[smem:$0x3FAE] =	sst s9;
	s0 =	simm.s32 @!p0 $0x0  }
0x12: {  	s1 =	sld [smem:$0x3F94];
	s0 =	simm.s32 @p0 $0x1  }
0x13: {  	[smem:$0x3FAF] =	sst s0;
	s0 =	simm.s32 @!p1 $0x0  }
0x14: {  	s2 =	sld [smem:$0x3F93];
	s0 =	simm.s32 @p1 $0x1  }
0x15: {  	[smem:$0x3FB0] =	sst s0;
	s0 =	simm.s32 @!p2 $0x0  }
0x16: {  	s3 =	sld [smem:$0x3FDB];
	s0 =	simm.s32 @p2 $0x1  }
0x17: {  	s4 =	simm.s32 $0x1BF5;
	[smem:$0x3FB2] =	sst s0  }
0x18: {  	s0 =	sld [smem:$0x3F95];
	_ =	swait.ge [sflag:s4], $0x0  }
0x19: {  	s7 =	sld [smem:$0x3F96]  }
0x1a: {  	s8 =	sadd.s32 $0xFFFFE003, lr  }
0x1b: {  	s9 =	sadd.s32 $0xFFFFFEF7, lr;
	s5 =	simm.s32 $0xFFFFFFFF;
	p2 =	slt.u32 s8, $0xFFFFF086  }
0x1c: {  	p1 =	slt.u32 s9, $0xF7A;
	s5 =	simm.s32 @!p2 $0x0  }
0x1d: {  	s5 =	simm.s32 @p1 $0x1;
	p0 =	seq.s32 s7, s2  }
0x1e: {  	s7 =	smul.u32 @!p0 $0xF7A, s2;
	p2 =	seq.s32 @!p0 s5, $0x0  }
0x1f: {  	s9 =	smul.u32 $0xF7A, s1;
	s8 =	simm.s32 @!p0 $0x1BF5;
	p2 =	por !p2, p0  }
0x20: {  	[sflag:s8] =	ssyncset.s32 @!p0 $0xFFFFF086;
	s6 =	sadd.s32 @!p0 s3, s7;
	s7 =	simm.s32 @!p0 $0x108  }
0x21: {  	s3 =	sadd.s32 s3, s9;
	s6 =	sadd.s32 @!p0 $0x88, s6;
	s7 =	simm.s32 @p2 $0x1082  }
0x22: {  	[simem:s7], [sflag:s8] =	dma.local @!p0 [hbm:s6], $0xF7A  }
0x23: {  	s9 =	sor.u32 $0xD0000000, s2;
	s6 =	simm.s32 $0x108;
	_ =	swait.ge @!p0 [sflag:s8], $0x0  }
0x24: {  	s3 =	sadd.s32 $0x88, s3;
	s6 =	simm.s32 @!p1 $0x1082;
	[sflag:s4] =	ssyncset.s32 $0xFFFFF086  }
0x25: {  	[simem:s6], [sflag:s4] =	dma.local [hbm:s3], $0xF7A  }
0x26: {  	[smem:$0x3F96] =	sst s1;
	(tag) =	ssettag s2;
	_ =	strace s9  }
0x27: {  	s1 =	sld [smem:$0x3FA6]  }
0x28: {  	s2 =	sld [smem:$0x3FA7]  }
0x29: {  	s4 =	sld [smem:$0x3FA9]  }
0x2a: {  	p0 =	seq.s32 s5, $0x0;
	s5 =	sld [smem:$0x3FAA]  }
0x2b: {  	s6 =	sld [smem:$0x3FAB]  }
0x2c: {  	s7 =	sld [smem:$0x3FAC]  }
0x2d: {  	s3 =	simm.s32 $0x108;
	s8 =	sld [smem:$0x3FAD]  }
0x2e: {  	s3 =	simm.s32 @!p0 $0x1082;
	s9 =	sld [smem:$0x3FAE]  }
0x2f: {  	lr =	sadd.s32 s0, s3;
	s0 =	sld [smem:$0x3FA5]  }
0x30: {  	s3 =	sld [smem:$0x3FA8]  }
0x31: {  	[smem:$0x3FB1] =	sst s10  }
0x32: {  	s10 =	sld [smem:$0x3FAF];
	_ =	sdelay $0x3  }
0x33: {  	p0 =	seq.s32 s10, $0x1;
	s10 =	sld [smem:$0x3FB1];
	_ =	sdelay $0x3  }
0x34: {  	[smem:$0x3FB1] =	sst s10  }
0x35: {  	s10 =	sld [smem:$0x3FB0];
	_ =	sdelay $0x3  }
0x36: {  	p1 =	seq.s32 s10, $0x1;
	s10 =	sld [smem:$0x3FB1];
	_ =	sdelay $0x3  }
0x37: {  	[smem:$0x3FB1] =	sst s10  }
0x38: {  	s10 =	sld [smem:$0x3FB2]  }
0x39: {  	_ = 	snop;
	(pc) =	sbr.ind lr, $3  }
0x3a: {  	_ = 	snop  }
0x3b: {  	_ = 	snop  }
0x3c: {  	p2 =	seq.s32 s10, $0x1;
	s10 =	sld [smem:$0x3FB1]  }
0x3d: {  	_ =	shalt  }
0x3e: {  	_ =	shalt  }
0x3f: {  	_ =	shalt  }
0x40: {  	_ =	shalt  }
0x41: {  	_ =	shalt  }
0x42: {  	_ =	shalt  }
0x43: {  	_ =	shalt  }
0x44: {  	_ =	shalt  }
0x45: {  	_ =	shalt  }
0x46: {  	_ =	shalt  }
0x47: {  	_ =	shalt  }
0x48: {  	_ =	shalt  }
0x49: {  	_ =	shalt  }
0x4a: {  	_ =	shalt  }
0x4b: {  	_ =	shalt  }
0x4c: {  	_ =	shalt  }
0x4d: {  	_ =	shalt  }
0x4e: {  	_ =	shalt  }
0x4f: {  	_ =	shalt  }
0x50: {  	_ =	shalt  }
0x51: {  	_ =	shalt  }
0x52: {  	_ =	shalt  }
0x53: {  	_ =	shalt  }
0x54: {  	_ =	shalt  }
0x55: {  	_ =	shalt  }
0x56: {  	_ =	shalt  }
0x57: {  	_ =	shalt  }
0x58: {  	_ =	shalt  }
0x59: {  	_ =	shalt  }
0x5a: {  	_ =	shalt  }
0x5b: {  	_ =	shalt  }
0x5c: {  	_ =	shalt  }
0x5d: {  	_ =	shalt  }
0x5e: {  	_ =	shalt  }
0x5f: {  	_ =	shalt  }
0x60: {  	_ =	shalt  }
0x61: {  	_ =	shalt  }
0x62: {  	_ =	shalt  }
0x63: {  	_ =	shalt  }
0x64: {  	_ =	shalt  }
0x65: {  	_ =	shalt  }
0x66: {  	_ =	shalt  }
0x67: {  	_ =	shalt  }
0x68: {  	_ =	shalt  }
0x69: {  	_ =	shalt  }
0x6a: {  	_ =	shalt  }
0x6b: {  	_ =	shalt  }
0x6c: {  	_ =	shalt  }
0x6d: {  	_ =	shalt  }
0x6e: {  	_ =	shalt  }
0x6f: {  	_ =	shalt  }
0x70: {  	_ =	shalt  }
0x71: {  	_ =	shalt  }
0x72: {  	_ =	shalt  }
0x73: {  	_ =	shalt  }
0x74: {  	_ =	shalt  }
0x75: {  	_ =	shalt  }
0x76: {  	_ =	shalt  }
0x77: {  	_ =	shalt  }
0x78: {  	_ =	shalt  }
0x79: {  	_ =	shalt  }
0x7a: {  	_ =	shalt  }
0x7b: {  	_ =	shalt  }
0x7c: {  	_ =	shalt  }
0x7d: {  	_ =	shalt  }
0x7e: {  	_ =	shalt  }
0x7f: {  	_ =	shalt  }
0x80: {  	_ =	shalt  }
0x81: {  	_ =	shalt  }
0x82: {  	_ =	shalt  }
0x83: {  	_ =	shalt  }
0x84: {  	_ =	shalt  }
0x85: {  	_ =	shalt  }
0x86: {  	_ =	shalt  }
0x87: {  	_ =	shalt  }
.Lfunc_end0:
.L_simem_size_0:
called_computation.1_lowered:
.L_overlay_start_0:
0x88: {  	s2 =	sld [smem:$0x3FD9]  }
0x89: {  	s3 =	sld [smem:$0x3FFE];
	_ =	sdelay $0x1  }
0x8a: {  	s1 =	srdreg.scid  }
0x8b: {  	s0 =	sand.u32 $0x1, s1  }
0x8c: {  	s16 =	sshll.u32 s0, $0xA;
	s2 =	sadd.s32 s3, s2  }
0x8d: {  	s2 =	sadd.s32 s2, s16  }
0x8e: {  	[smem:$0x3FBD] =	sst s2  }
0x8f: {  	_ = 	snop  }
0x90: {  	(tm) =	ssettm $0x1  }
0x91: {  	s17 =	sld [smem:$0x3FFB];
	_ =	sdelay $0x3  }
0x92: {  	_ =	strace s17  }
0x93: {  	s2 =	sld [smem:$0x3FFC];
	_ =	sdelay $0x3  }
0x94: {  	_ =	strace s2  }
0x95: {  	s2 =	sld [smem:$0x3FFD];
	_ =	sdelay $0x3  }
0x96: {  	_ =	strace s2  }
0x97: {  	_ =	strace $0x8FFFFFFF  }
0x98: {  	s18 =	sld [smem:$0x3FDB];
	_ =	sdelay $0x1  }
0x99: {  	s19 =	simm.s32 $_scs_section_size  }
0x9a: {  	s4 =	simm.s32 $_size__tile_overlayer_lowered;
	s5 =	simm.s32 $_tile_overlayer_lowered  }
0x9b: {  	s22 =	simm.s32 $0x1BFF;
	s21 =	sshll.u32 s5, $0x1;
	s2 =	sadd.s32 s19, s18  }
0x9c: {  	s6 =	simm.s32 $0x0;
	s20 =	sshll.u32 s4, $0x1;
	s4 =	sadd.s32 s21, s2  }
0x9d: {  	[timem:s6], [sflag:s22] =	dma.local [hbm:s4], s20  }
0x9e: {  	_ =	swait.ge [sflag:s22], s20  }
0x9f: {  	s3 =	ssub.s32 $0x0, s20;
	[sflag:s22] =	ssyncset.done $0x0  }
0xa0: {  	[sflag:s22] =	ssyncadd.s32 s3;
	_ =	sdelay $0x1  }
0xa1: {  	s23 =	simm.s32 $0x1B8B  }
0xa2: {  	_ =	swait.ge [sflag:s23], $0x1  }
0xa3: {  	[sflag:s23] =	ssyncset.done $0x0  }
0xa4: {  	s25 =	simm.s32 $0x1B8E;
	s24 =	sld [smem:$0x3FFE];
	[sflag:s23] =	ssyncadd.s32 $0xFFFFFFFF  }
0xa5: {  	s26 =	simm.s32 $execute0_lowered;
	[smem:$0x3FD2] =	sst s25  }
0xa6: {  	s4 =	sshll.u32 s26, $0x1;
	_ =	strace $0x80000049;
	[dreg:$0x1] =	wrdreg $0xFFFFFFFF  }
0xa7: {  	s28 =	simm.s32 $_size_execute0_lowered;
	s2 =	sadd.s32 s2, s4;
	[dreg:$0x0] =	wrdreg $0x0  }
0xa8: {  	s4 =	sshll.u32 s28, $0x1;
	[dreg:$0x2] =	wrdreg s2  }
0xa9: {  	[dreg:$0x3] =	wrdreg s4  }
0xaa: {  	[dreg:$0x4] =	wrdreg $0xC0  }
0xab: {  	_ =	task [dreg:s6], $0x5FFFF  }
0xac: {  	[dreg:$0x1] =	wrdreg $0xFFFFFFFF  }
0xad: {  	[dreg:$0x0] =	wrdreg $0x60  }
0xae: {  	[dreg:$0x2] =	wrdreg s24  }
0xaf: {  	[dreg:$0x3] =	wrdreg $0x78000  }
0xb0: {  	[dreg:$0x4] =	wrdreg $0x9  }
0xb1: {  	_ =	task.clear_ibuf [dreg:s6], $0x5FFFF;
	_ =	strace $0x90000049  }
0xb2: {  	s29 =	simm.s32 $0x9;
	_ =	strace $0x8000004B  }
0xb3: {  	_ =	swait.ge [sflag:s29], $0x1  }
0xb4: {  	[sflag:s29] =	ssyncadd.s32 $0xFFFFFFFF  }
0xb5: {  	_ =	strace $0x9000004B  }
0xb6: {  	_ =	sfence  }
0xb7: {  	s30 =	sld [smem:$0x0];
	_ =	sdelay $0x2  }
0xb8: {  	s31 =	sshll.u32 s1, $0xD;
	s1 =	sshrl.u32 s1, $0x2  }
0xb9: {  	s3 =	sand.u32 $0x4000, s31;
	s1 =	sadd.s32 s1, s30  }
0xba: {  	s0 =	sor.u32 s3, s0;
	s1 =	sshll.u32 s1, $0x11  }
0xbb: {  	s0 =	sor.u32 s1, s0  }
0xbc: {  	s0 =	sadd.s32 $0x8F2B, s0  }
0xbd: {  	[sflag:s0] =	ssyncadd.remote.s32 $0x1  }
0xbe: {  	_ =	sfence.sel $0xFFFF  }
0xbf: {  	[dreg:$0x0] =	wrdreg $0xFFFFFFFF;
	(pc) =	sbr.abs _section_cstart, $3  }
0xc0: {  	[dreg:$0x1] =	wrdreg $0xFFFFFFFF  }
0xc1: {  	_ =	task.clear_ibuf [dreg:s6], $0x2FFFF;
	_ =	strace $0x9FFFFFFF  }
0xc2: {  	(tm) =	ssettm $0x7FFFFFFF  }
0xc3: {  	_ =	shalt  }
tec
execute0_lowered:
.L_overlay_start_1:
0x0: {  	(tag) =	ssettag $0x1  }
0x1: {  	s0 =	rddreg [dreg:$0x0];
	s20 =	stileid.u32  }
0x2: {  	s1 =	rddreg [dreg:$0x1];
	s13 =	smul.u32 $0x18800, s20  }
0x3: {  	s3 =	simm.s32 $0x0;
	s2 =	srdreg.scid;
	s9 =	smul.u32 $0x62000, s20  }
0x4: {  	s21 =	simm.s32 $0x200;
	s28 =	simm.s32 $0x0;
	s16 =	smul.u32 $0x31000, s20  }
0x5: {  	[smem:$0x7FF] =	sst s3;
	s2 =	sand.u32 $0x1, s2;
	s18 =	smul.u32 $0x6200, s20  }
0x6: {  	s14 =	sadd.s32 $0x3800, s0;
	s4 =	sadd.s32 $0x129800, s0;
	s30 =	smul.u32 $0x188, s20  }
0x7: {  	s5 =	sadd.s32 $0xC7000, s0;
	s7 =	sshll.u32 s20, $0x1;
	s6 =	smul.u32 $0x188000, s2  }
0x8: {  	s23 =	sadd.s32 $0xC6E00, s0;
	s20 =	simm.s32 $0x5;
	s17 =	smul.u32 $0x18800, s2  }
0x9: {  	_ =	strace $0x8000004A;
	s8 =	ssub.s32 $0x2, s2;
	s26 =	smul.u32 $0x3100, s2  }
0xa: {  	s7 =	sor.u32 s2, s7;
	[dreg:$0x3] =	wrdreg s23;
	s2 =	smul.u32 $0xC4, s2  }
0xb: {  	s11 =	sshrl.u32 s8, $0x1;
	s7 =	smul.u32 $0x18800, s7;
	s24 =	sshrl.u32 s9, $0x2  }
0xc: {  	s19 =	sadd.s32 s13, s1;
	s29 =	sadd.s32 s18, s14;
	s18 =	simm.s32 $0xC  }
0xd: {  	s6 =	sadd.s32 s13, s6;
	s15 =	ssub.s32 s8, s11;
	s31 =	sadd.s32 s17, s16  }
0xe: {  	s16 =	sadd.s32 s2, s30;
	s17 =	simm.s32 $0x7000;
	s10 =	sshrl.u32 s6, $0x3  }
0xf: {  	s25 =	sshrl.u32 s7, $0x3;
	s7 =	sadd.s32 s24, s1;
	s13 =	smax.u32 s15, $0x1  }
0x10: {  	s24 =	simm.s32 $0x9;
	s0 =	sadd.s32 s10, s0;
	s8 =	sadd.s32 s14, s25  }
0x11: {  	s14 =	sadd.s32 $0xFFCF3000, s31;
	s25 =	sshrl.u32 s19, $0x3;
	s9 =	sadd.s32 $0x61A80, s8  }
0x12: {  	s10 =	sadd.s32 $0x40, s8;
	s12 =	sadd.s32 $0x12A400, s0;
	s0 =	sadd.s32 s26, s29  }
0x13: {  	s11 =	sadd.s32 $0x61AC0, s8;
	s26 =	simm.s32 $0xB;
	s15 =	sadd.s32 $0x61B00, s0  }
.LBB2_1:
0x14: {  	s0 =	rddreg [dreg:$0x3]  }
0x15: {  	[tilespmem:s17], [sflag:$0xC] =	stream.linear.gather [hbm4b:s0+s3], $0x800, $0x38;
	v63 =	vld [tilespmem:$0x0]  }
0x16: {  	_ =	swait.ge [sflag:s18], $0x800  }
0x17: {  	[sflag:s18] =	ssyncset.done $0x0  }
0x18: {  	s31 =	sadd.s32 $0x0, s7;
	[sflag:s18] =	ssyncadd.s32 $0xFFFFF800  }
0x19: {  	[spmem:s31] =	stream.linear.scatter [tilespmem:s17], [sflag:$0xC], $0x800, $0x38;
	v63 =	vld [tilespmem:$0x0]  }
0x1a: {  	s0 =	simm.s32 $0x2000;
	_ =	swait.ge [sflag:s18], $0x800  }
.LBB2_2:
0x1b: {  	s2 =	sshra.s32 s0, $0x2;
	[sflag:s18] =	ssyncset.done $0x0;
	p0 =	sne.s32 s0, $0x60000  }
.Ltmp0:
0x1c: {  	s2 =	sadd.s32 s2, s7;
	[sflag:s18] =	ssyncadd.s32 $0xFFFFF800;
	(pc) =	sbr.rel @p0 .LBB2_2-.Ltmp0, $3  }
0x1d: {  	[spmem:s2] =	stream.linear.scatter [tilespmem:s17], [sflag:$0xC], $0x800, $0x38;
	v63 =	vld [tilespmem:$0x0]  }
0x1e: {  	s0 =	sadd.s32 $0x2000, s0;
	_ =	sdelay $0x1  }
0x1f: {  	_ =	swait.ge [sflag:s18], $0x800  }
0x20: {  	[sflag:s18] =	ssyncset.done $0x0  }
0x21: {  	[sflag:s18] =	ssyncadd.s32 $0xFFFFF800  }
0x22: {  	[bflag:$0x0] =	sbarrier.arrive $0xFFFF  }
0x23: {  	[tilespmem:s3], [sflag:$0x5] =	stream.linear.gather [hbm4b:s8+s3], $0x200, $0x38;
	v63 =	vld [tilespmem:$0x0]  }
0x24: {  	s0 =	simm.s32 $0x800  }
0x25: {  	[tilespmem:s0], [sflag:$0x5] =	stream.linear.gather [hbm4b:s9+s3], $0x200, $0x38;
	v63 =	vld [tilespmem:$0x0]  }
0x26: {  	_ =	swait.ge [sflag:s20], $0x200  }
0x27: {  	[sflag:s20] =	ssyncset.done $0x0  }
0x28: {  	[sflag:s20] =	ssyncadd.s32 $0xFFFFFE00  }
0x29: {  	_ =	swait.ge [sflag:s20], $0x200  }
0x2a: {  	[sflag:s20] =	ssyncset.done $0x0  }
0x2b: {  	s22 =	simm.s32 $0x1000;
	[sflag:s20] =	ssyncadd.s32 $0xFFFFFE00  }
0x2c: {  	[tilespmem:s22], [sflag:$0x1] =	stream.indirect.gather [hbm4b:s5+s21], $0x10, s3, s21, $0xb8;
	v63 =	vld [tilespmem:$0x0]  }
0x2d: {  	s23 =	simm.s32 $0xA00  }
0x2e: {  	[tilespmem:s21], [sflag:$0x6] =	stream.linear.gather [hbm4b:s10+s3], $0x200, $0x38;
	v63 =	vld [tilespmem:$0x0]  }
0x2f: {  	s29 =	simm.s32 $0x2;
	s30 =	smov.u32 s15;
	s31 =	smov.u32 s14  }
0x30: {  	[tilespmem:s23], [sflag:$0x6] =	stream.linear.gather [hbm4b:s11+s3], $0x200, $0x38;
	v63 =	vld [tilespmem:$0x0]  }
.LBB2_4:
0x31: {  	s19 =	sadd.s32 $0xFFFFFFFF, s29  }
0x32: {  	s0 =	sand.u32 $0xFF, s19  }
0x33: {  	s0 =	smul.u32 $0xAB, s0;
	_ =	sdelay $0x1  }
0x34: {  	s0 =	sshrl.u32 s0, $0x9  }
0x35: {  	s2 =	smul.u32 $0x3, s0;
	_ =	sdelay $0x1  }
0x36: {  	s0 =	sadd.s32 $0xFFFFFFFE, s29;
	s2 =	ssub.s32 s19, s2  }
0x37: {  	p0 =	slt.u32 s0, $0x2;
	s2 =	sand.u32 $0xFF, s2  }
0x38: {  	p1 =	seq.s32 @!p0 s29, $0xC5;
	s22 =	sadd.s32 @!p0 $0x9, s2  }
0x39: {  	p1 =	por p0, !p1;
	_ =	swait.ge @!p0 [sflag:s22], $0x2000  }
0x3a: {  	s19 =	sand.u32 @p1 $0x3, s19;
	[sflag:s22] =	ssyncset.done @!p0 $0x0  }
0x3b: {  	[sflag:s22] =	ssyncadd.s32 @!p0 $0xFFFFE000;
	s22 =	sadd.s32 @p1 $0x5, s19  }
0x3c: {  	_ =	swait.ge @p1 [sflag:s22], $0x200  }
0x3d: {  	[sflag:s22] =	ssyncset.done @p1 $0x0  }
0x3e: {  	[sflag:s22] =	ssyncadd.s32 @p1 $0xFFFFFE00  }
0x3f: {  	s2 =	sshll.u32 @p1 s2, $0xD;
	_ =	swait.ge @p1 [sflag:s22], $0x200  }
0x40: {  	s2 =	sor.u32 @p1 $0x1000, s2;
	[sflag:s22] =	ssyncset.done @p1 $0x0  }
0x41: {  	[sflag:s22] =	ssyncadd.s32 @p1 $0xFFFFFE00;
	s22 =	sshll.u32 @p1 s19, $0x9;
	s19 =	sadd.s32 @p1 $0x1, s19  }
0x42: {  	[tilespmem:s2], [sflag:s19] =	stream.indirect.gather @p1 [hbm4b:s5+s21], $0x10, s22, s21, $0xb8;
	v63 =	vld [tilespmem:$0x0]  }
0x43: {  	s19 =	smul.u32 $0xAB, s0;
	_ =	sdelay $0x1  }
0x44: {  	s2 =	sshrl.u32 s19, $0x9  }
0x45: {  	s22 =	sand.u32 $0x3, s0;
	s2 =	sand.u32 $0x7F, s2  }
0x46: {  	s6 =	sadd.s32 $0x1, s22;
	s2 =	smul.u32 $0x3, s2  }
0x47: {  	p0 =	sgt.u32 s0, $0xC1;
	_ =	swait.ge [sflag:s6], $0x2000;
	s19 =	sshll.u32 s22, $0x9  }
0x48: {  	[sflag:s6] =	ssyncset.done $0x0;
	s19 =	sor.u32 $0x800, s19;
	s2 =	ssub.s32 s0, s2  }
0x49: {  	[sflag:s6] =	ssyncadd.s32 $0xFFFFE000;
	s0 =	sadd.s32 @!p0 s29, s16;
	s2 =	sand.u32 $0xFF, s2  }
0x4a: {  	p2 =	sgt.u32 @!p0 s0, $0x1869;
	s0 =	sand.u32 @!p0 $0x3, s29;
	s23 =	sshll.u32 s2, $0xD  }
0x4b: {  	s2 =	sadd.s32 $0x9, s2;
	p1 =	por !p2, p0;
	s23 =	sor.u32 $0x1000, s23  }
0x4c: {  	[spmem:s1] =	stream.indirect.scatter.add.f32 [tilespmem:s23], [sflag:s2], $0x10, s19, s21, $0xb8;
	v63 =	vld [tilespmem:$0x0]  }
0x4d: {  	p2 =	por p2, p0;
	s22 =	sshll.u32 @!p1 s0, $0x9;
	s19 =	sshrl.u32 @!p1 s31, $0x3  }
0x4e: {  	s2 =	sadd.s32 @!p0 $0x5, s0;
	s23 =	simm.s32 @!p1 $0x0;
	s19 =	sadd.s32 @!p1 s4, s19  }
0x4f: {  	[tilespmem:s22], [sflag:s2] =	stream.linear.gather @!p1 [hbm4b:s19+s23], $0x200, $0x38;
	v63 =	vld [tilespmem:$0x0]  }
0x50: {  	s6 =	simm.s32 @!p2 $0x0;
	s19 =	sadd.s32 @!p1 $0x2C00, s31  }
0x51: {  	s0 =	sshll.u32 @!p2 s0, $0x9;
	s23 =	sadd.s32 @!p2 $0xFFF9E580, s30;
	s19 =	sshrl.u32 @!p1 s19, $0x3  }
0x52: {  	[tilespmem:s0], [sflag:s2] =	stream.linear.gather @!p2 [hbm4b:s23+s6], $0x200, $0x38;
	v63 =	vld [tilespmem:$0x0]  }
0x53: {  	s29 =	sadd.s32 $0x1, s29;
	s22 =	smov.u32 @p1 s0;
	s6 =	sadd.s32 @!p1 s4, s19  }
0x54: {  	s0 =	sor.u32 @!p0 $0x800, s22;
	s19 =	simm.s32 @!p0 $0x0;
	s6 =	smov.u32 @p1 s30  }
0x55: {  	[tilespmem:s0], [sflag:s2] =	stream.linear.gather @!p0 [hbm4b:s6+s19], $0x200, $0x38;
	v63 =	vld [tilespmem:$0x0]  }
0x56: {  	p0 =	sne.s32 s29, $0xC6  }
.Ltmp1:
0x57: {  	_ = 	snop;
	(pc) =	sbr.rel @p0 .LBB2_4-.Ltmp1, $2  }
0x58: {  	_ =	sdelay $0x2  }
0x59: {  	s31 =	sadd.s32 $0x200, s31;
	s30 =	sadd.s32 $0x40, s30  }
0x5a: {  	_ =	swait.ge [sflag:s24], $0x2000  }
0x5b: {  	[sflag:s24] =	ssyncset.done $0x0  }
0x5c: {  	[sflag:s24] =	ssyncadd.s32 $0xFFFFE000  }
0x5d: {  	_ =	swait.ge [sflag:s26], $0x2000  }
0x5e: {  	s0 =	stileid.u32;
	s28 =	sadd.s32 $0x1, s28;
	[sflag:s26] =	ssyncset.done $0x0  }
0x5f: {  	s0 =	sshll.u32 s0, $0x6;
	p0 =	sne.s32 s28, s13;
	[sflag:s26] =	ssyncadd.s32 $0xFFFFE000  }
.Ltmp2:
0x60: {  	s0 =	sor.u32 $0x1C0C, s0;
	[bflag:$0x0] =	sbarrier.arrive $0xFFFF;
	(pc) =	sbr.rel @p0 .LBB2_1-.Ltmp2, $4  }
0x61: {  	[hbm:s12], [sflag:s0] =	dma.local [spmem:s25], $0x3100  }
0x62: {  	_ =	swait.ge [sflag:s18], $0x3100  }
0x63: {  	[sflag:s18] =	ssyncset.done $0x0  }
0x64: {  	[sflag:s18] =	ssyncadd.s32 $0xFFFFCF00  }
0x65: {  	_ =	sfence.sel $0x180000  }
0x66: {  	[bflag:$0x0] =	sbarrier.arrive $0xFFFF  }
0x67: {  	_ =	strace $0x9000004A  }
0x68: {  	s0 =	stileid.u32;
	[bflag:$0x2] =	sbarrier.arrive $0xFFFF  }
0x69: {  	p0 =	sne.s32 s0, $0x0;
	s0 =	rddreg [dreg:$0x2]  }
0x6a: {  	s0 =	sadd.s32 @!p0 $0x100000, s0  }
0x6b: {  	[sflag:s0] =	ssyncadd.tile.s32 @!p0 $0x1;
	_ =	shalt  }
.Lfunc_end2:
_tile_overlayer_lowered:
.L_overlay_start_2:
0x6c: {  	(tag) =	ssettag $0x2  }
0x6d: {  	s0 =	rddreg [dreg:$0x0];
	s2 =	stileid.u32  }
0x6e: {  	s1 =	rddreg [dreg:$0x1];
	p0 =	sne.s32 s2, $0x0  }
0x6f: {  	s3 =	rddreg [dreg:$0x2];
	[bflag:$0x3] =	sbarrier.arrive $0xFFFF;
	s2 =	simm.s32 @!p0 $0x1C0C  }
0x70: {  	[timem:s3], [sflag:s2] =	dma.local @!p0 [hbm:s0], s1  }
0x71: {  	s0 =	simm.s32 @!p0 $0xC  }
0x72: {  	_ =	swait.ge @!p0 [sflag:s0], s1  }
0x73: {  	s1 =	ssub.s32 @!p0 $0x0, s1;
	[sflag:s0] =	ssyncset.done @!p0 $0x0  }
0x74: {  	[sflag:s0] =	ssyncadd.s32 @!p0 s1  }
0x75: {  	[bflag:$0x3] =	sbarrier.arrive $0xFFFF  }
0x76: {  	_ =	shalt  }

// kernel: kernel.15.cloned.1.call-start
scs
__scs_entry_jumppad:
0x0: {  	(pc) =	sbr.rel $0x88, $3  }
0x1: {  	(tag) =	ssettag $0x0;
	lr =	simm.s32 $0x1  }
0x2: {  	[smem:$0x3F96] =	sst lr;
	_ =	strace $0xD0000000  }
0x3: {  	_ = 	snop  }
0x4: {  	_ = 	snop  }
0x5: {  	_ = 	snop  }
0x6: {  	_ = 	snop  }
0x7: {  	_ = 	snop  }
__scs_overlays_trampoline_lowered:
0x8: {  	[smem:$0x3FA5] =	sst s0  }
0x9: {  	[smem:$0x3FA6] =	sst s1  }
0xa: {  	[smem:$0x3FA7] =	sst s2  }
0xb: {  	[smem:$0x3FA8] =	sst s3  }
0xc: {  	[smem:$0x3FA9] =	sst s4  }
0xd: {  	[smem:$0x3FAA] =	sst s5  }
0xe: {  	[smem:$0x3FAB] =	sst s6  }
0xf: {  	[smem:$0x3FAC] =	sst s7  }
0x10: {  	[smem:$0x3FAD] =	sst s8  }
0x11: {  	[smem:$0x3FAE] =	sst s9;
	s0 =	simm.s32 @!p0 $0x0  }
0x12: {  	s1 =	sld [smem:$0x3F94];
	s0 =	simm.s32 @p0 $0x1  }
0x13: {  	[smem:$0x3FAF] =	sst s0;
	s0 =	simm.s32 @!p1 $0x0  }
0x14: {  	s2 =	sld [smem:$0x3F93];
	s0 =	simm.s32 @p1 $0x1  }
0x15: {  	[smem:$0x3FB0] =	sst s0;
	s0 =	simm.s32 @!p2 $0x0  }
0x16: {  	s3 =	sld [smem:$0x3FDB];
	s0 =	simm.s32 @p2 $0x1  }
0x17: {  	s4 =	simm.s32 $0x1BF5;
	[smem:$0x3FB2] =	sst s0  }
0x18: {  	s0 =	sld [smem:$0x3F95];
	_ =	swait.ge [sflag:s4], $0x0  }
0x19: {  	s7 =	sld [smem:$0x3F96]  }
0x1a: {  	s8 =	sadd.s32 $0xFFFFE003, lr  }
0x1b: {  	s9 =	sadd.s32 $0xFFFFFEF7, lr;
	s5 =	simm.s32 $0xFFFFFFFF;
	p2 =	slt.u32 s8, $0xFFFFF086  }
0x1c: {  	p1 =	slt.u32 s9, $0xF7A;
	s5 =	simm.s32 @!p2 $0x0  }
0x1d: {  	s5 =	simm.s32 @p1 $0x1;
	p0 =	seq.s32 s7, s2  }
0x1e: {  	s7 =	smul.u32 @!p0 $0xF7A, s2;
	p2 =	seq.s32 @!p0 s5, $0x0  }
0x1f: {  	s9 =	smul.u32 $0xF7A, s1;
	s8 =	simm.s32 @!p0 $0x1BF5;
	p2 =	por !p2, p0  }
0x20: {  	[sflag:s8] =	ssyncset.s32 @!p0 $0xFFFFF086;
	s6 =	sadd.s32 @!p0 s3, s7;
	s7 =	simm.s32 @!p0 $0x108  }
0x21: {  	s3 =	sadd.s32 s3, s9;
	s6 =	sadd.s32 @!p0 $0x88, s6;
	s7 =	simm.s32 @p2 $0x1082  }
0x22: {  	[simem:s7], [sflag:s8] =	dma.local @!p0 [hbm:s6], $0xF7A  }
0x23: {  	s9 =	sor.u32 $0xD0000000, s2;
	s6 =	simm.s32 $0x108;
	_ =	swait.ge @!p0 [sflag:s8], $0x0  }
0x24: {  	s3 =	sadd.s32 $0x88, s3;
	s6 =	simm.s32 @!p1 $0x1082;
	[sflag:s4] =	ssyncset.s32 $0xFFFFF086  }
0x25: {  	[simem:s6], [sflag:s4] =	dma.local [hbm:s3], $0xF7A  }
0x26: {  	[smem:$0x3F96] =	sst s1;
	(tag) =	ssettag s2;
	_ =	strace s9  }
0x27: {  	s1 =	sld [smem:$0x3FA6]  }
0x28: {  	s2 =	sld [smem:$0x3FA7]  }
0x29: {  	s4 =	sld [smem:$0x3FA9]  }
0x2a: {  	p0 =	seq.s32 s5, $0x0;
	s5 =	sld [smem:$0x3FAA]  }
0x2b: {  	s6 =	sld [smem:$0x3FAB]  }
0x2c: {  	s7 =	sld [smem:$0x3FAC]  }
0x2d: {  	s3 =	simm.s32 $0x108;
	s8 =	sld [smem:$0x3FAD]  }
0x2e: {  	s3 =	simm.s32 @!p0 $0x1082;
	s9 =	sld [smem:$0x3FAE]  }
0x2f: {  	lr =	sadd.s32 s0, s3;
	s0 =	sld [smem:$0x3FA5]  }
0x30: {  	s3 =	sld [smem:$0x3FA8]  }
0x31: {  	[smem:$0x3FB1] =	sst s10  }
0x32: {  	s10 =	sld [smem:$0x3FAF];
	_ =	sdelay $0x3  }
0x33: {  	p0 =	seq.s32 s10, $0x1;
	s10 =	sld [smem:$0x3FB1];
	_ =	sdelay $0x3  }
0x34: {  	[smem:$0x3FB1] =	sst s10  }
0x35: {  	s10 =	sld [smem:$0x3FB0];
	_ =	sdelay $0x3  }
0x36: {  	p1 =	seq.s32 s10, $0x1;
	s10 =	sld [smem:$0x3FB1];
	_ =	sdelay $0x3  }
0x37: {  	[smem:$0x3FB1] =	sst s10  }
0x38: {  	s10 =	sld [smem:$0x3FB2]  }
0x39: {  	_ = 	snop;
	(pc) =	sbr.ind lr, $3  }
0x3a: {  	_ = 	snop  }
0x3b: {  	_ = 	snop  }
0x3c: {  	p2 =	seq.s32 s10, $0x1;
	s10 =	sld [smem:$0x3FB1]  }
0x3d: {  	_ =	shalt  }
0x3e: {  	_ =	shalt  }
0x3f: {  	_ =	shalt  }
0x40: {  	_ =	shalt  }
0x41: {  	_ =	shalt  }
0x42: {  	_ =	shalt  }
0x43: {  	_ =	shalt  }
0x44: {  	_ =	shalt  }
0x45: {  	_ =	shalt  }
0x46: {  	_ =	shalt  }
0x47: {  	_ =	shalt  }
0x48: {  	_ =	shalt  }
0x49: {  	_ =	shalt  }
0x4a: {  	_ =	shalt  }
0x4b: {  	_ =	shalt  }
0x4c: {  	_ =	shalt  }
0x4d: {  	_ =	shalt  }
0x4e: {  	_ =	shalt  }
0x4f: {  	_ =	shalt  }
0x50: {  	_ =	shalt  }
0x51: {  	_ =	shalt  }
0x52: {  	_ =	shalt  }
0x53: {  	_ =	shalt  }
0x54: {  	_ =	shalt  }
0x55: {  	_ =	shalt  }
0x56: {  	_ =	shalt  }
0x57: {  	_ =	shalt  }
0x58: {  	_ =	shalt  }
0x59: {  	_ =	shalt  }
0x5a: {  	_ =	shalt  }
0x5b: {  	_ =	shalt  }
0x5c: {  	_ =	shalt  }
0x5d: {  	_ =	shalt  }
0x5e: {  	_ =	shalt  }
0x5f: {  	_ =	shalt  }
0x60: {  	_ =	shalt  }
0x61: {  	_ =	shalt  }
0x62: {  	_ =	shalt  }
0x63: {  	_ =	shalt  }
0x64: {  	_ =	shalt  }
0x65: {  	_ =	shalt  }
0x66: {  	_ =	shalt  }
0x67: {  	_ =	shalt  }
0x68: {  	_ =	shalt  }
0x69: {  	_ =	shalt  }
0x6a: {  	_ =	shalt  }
0x6b: {  	_ =	shalt  }
0x6c: {  	_ =	shalt  }
0x6d: {  	_ =	shalt  }
0x6e: {  	_ =	shalt  }
0x6f: {  	_ =	shalt  }
0x70: {  	_ =	shalt  }
0x71: {  	_ =	shalt  }
0x72: {  	_ =	shalt  }
0x73: {  	_ =	shalt  }
0x74: {  	_ =	shalt  }
0x75: {  	_ =	shalt  }
0x76: {  	_ =	shalt  }
0x77: {  	_ =	shalt  }
0x78: {  	_ =	shalt  }
0x79: {  	_ =	shalt  }
0x7a: {  	_ =	shalt  }
0x7b: {  	_ =	shalt  }
0x7c: {  	_ =	shalt  }
0x7d: {  	_ =	shalt  }
0x7e: {  	_ =	shalt  }
0x7f: {  	_ =	shalt  }
0x80: {  	_ =	shalt  }
0x81: {  	_ =	shalt  }
0x82: {  	_ =	shalt  }
0x83: {  	_ =	shalt  }
0x84: {  	_ =	shalt  }
0x85: {  	_ =	shalt  }
0x86: {  	_ =	shalt  }
0x87: {  	_ =	shalt  }
.Lfunc_end0:
.L_simem_size_0:
called_computation.2_lowered:
.L_overlay_start_0:
0x88: {  	s2 =	sld [smem:$0x3FD9]  }
0x89: {  	s3 =	sld [smem:$0x3FFE];
	_ =	sdelay $0x1  }
0x8a: {  	s1 =	srdreg.scid  }
0x8b: {  	s0 =	sand.u32 $0x1, s1  }
0x8c: {  	s16 =	sshll.u32 s0, $0xA;
	s2 =	sadd.s32 s3, s2  }
0x8d: {  	s2 =	sadd.s32 s2, s16  }
0x8e: {  	[smem:$0x3FBD] =	sst s2  }
0x8f: {  	_ = 	snop  }
0x90: {  	(tm) =	ssettm $0x1  }
0x91: {  	s17 =	sld [smem:$0x3FFB];
	_ =	sdelay $0x3  }
0x92: {  	_ =	strace s17  }
0x93: {  	s2 =	sld [smem:$0x3FFC];
	_ =	sdelay $0x3  }
0x94: {  	_ =	strace s2  }
0x95: {  	s2 =	sld [smem:$0x3FFD];
	_ =	sdelay $0x3  }
0x96: {  	_ =	strace s2  }
0x97: {  	_ =	strace $0x8FFFFFFF  }
0x98: {  	s18 =	sld [smem:$0x3FDB];
	_ =	sdelay $0x1  }
0x99: {  	s19 =	simm.s32 $_scs_section_size  }
0x9a: {  	s4 =	simm.s32 $_size__tile_overlayer_lowered;
	s5 =	simm.s32 $_tile_overlayer_lowered  }
0x9b: {  	s22 =	simm.s32 $0x1BFF;
	s21 =	sshll.u32 s5, $0x1;
	s2 =	sadd.s32 s19, s18  }
0x9c: {  	s6 =	simm.s32 $0x0;
	s20 =	sshll.u32 s4, $0x1;
	s4 =	sadd.s32 s21, s2  }
0x9d: {  	[timem:s6], [sflag:s22] =	dma.local [hbm:s4], s20  }
0x9e: {  	_ =	swait.ge [sflag:s22], s20  }
0x9f: {  	s3 =	ssub.s32 $0x0, s20;
	[sflag:s22] =	ssyncset.done $0x0  }
0xa0: {  	[sflag:s22] =	ssyncadd.s32 s3;
	_ =	sdelay $0x1  }
0xa1: {  	s23 =	simm.s32 $0x1B8B  }
0xa2: {  	_ =	swait.ge [sflag:s23], $0x1  }
0xa3: {  	[sflag:s23] =	ssyncset.done $0x0  }
0xa4: {  	s25 =	simm.s32 $0x1B8E;
	s24 =	sld [smem:$0x3FFE];
	[sflag:s23] =	ssyncadd.s32 $0xFFFFFFFF  }
0xa5: {  	s26 =	simm.s32 $execute0_lowered;
	[smem:$0x3FD2] =	sst s25  }
0xa6: {  	s4 =	sshll.u32 s26, $0x1;
	_ =	strace $0x8000004C;
	[dreg:$0x1] =	wrdreg $0xFFFFFFFF  }
0xa7: {  	s28 =	simm.s32 $_size_execute0_lowered;
	s2 =	sadd.s32 s2, s4;
	[dreg:$0x0] =	wrdreg $0x0  }
0xa8: {  	s4 =	sshll.u32 s28, $0x1;
	[dreg:$0x2] =	wrdreg s2  }
0xa9: {  	[dreg:$0x3] =	wrdreg s4  }
0xaa: {  	[dreg:$0x4] =	wrdreg $0xC0  }
0xab: {  	_ =	task [dreg:s6], $0x5FFFF  }
0xac: {  	[dreg:$0x1] =	wrdreg $0xFFFFFFFF  }
0xad: {  	[dreg:$0x0] =	wrdreg $0x60  }
0xae: {  	[dreg:$0x2] =	wrdreg s24  }
0xaf: {  	[dreg:$0x3] =	wrdreg $0x78000  }
0xb0: {  	[dreg:$0x4] =	wrdreg $0x9  }
0xb1: {  	_ =	task.clear_ibuf [dreg:s6], $0x5FFFF;
	_ =	strace $0x9000004C  }
0xb2: {  	s29 =	simm.s32 $0x9;
	_ =	strace $0x8000004E  }
0xb3: {  	_ =	swait.ge [sflag:s29], $0x1  }
0xb4: {  	[sflag:s29] =	ssyncadd.s32 $0xFFFFFFFF  }
0xb5: {  	_ =	strace $0x9000004E  }
0xb6: {  	_ =	sfence  }
0xb7: {  	s30 =	sld [smem:$0x0];
	_ =	sdelay $0x2  }
0xb8: {  	s31 =	sshll.u32 s1, $0xD;
	s1 =	sshrl.u32 s1, $0x2  }
0xb9: {  	s3 =	sand.u32 $0x4000, s31;
	s1 =	sadd.s32 s1, s30  }
0xba: {  	s0 =	sor.u32 s3, s0;
	s1 =	sshll.u32 s1, $0x11  }
0xbb: {  	s0 =	sor.u32 s1, s0  }
0xbc: {  	s0 =	sadd.s32 $0x8F2B, s0  }
0xbd: {  	[sflag:s0] =	ssyncadd.remote.s32 $0x1  }
0xbe: {  	_ =	sfence.sel $0xFFFF  }
0xbf: {  	[dreg:$0x0] =	wrdreg $0xFFFFFFFF;
	(pc) =	sbr.abs _section_cstart, $3  }
0xc0: {  	[dreg:$0x1] =	wrdreg $0xFFFFFFFF  }
0xc1: {  	_ =	task.clear_ibuf [dreg:s6], $0x2FFFF;
	_ =	strace $0x9FFFFFFF  }
0xc2: {  	(tm) =	ssettm $0x7FFFFFFF  }
0xc3: {  	_ =	shalt  }
tec
execute0_lowered:
.L_overlay_start_1:
0x0: {  	(tag) =	ssettag $0x1  }
0x1: {  	s0 =	rddreg [dreg:$0x0];
	s20 =	stileid.u32  }
0x2: {  	s1 =	rddreg [dreg:$0x1];
	s13 =	smul.u32 $0x18800, s20  }
0x3: {  	s3 =	simm.s32 $0x0;
	s2 =	srdreg.scid;
	s9 =	smul.u32 $0x62000, s20  }
0x4: {  	s21 =	simm.s32 $0x200;
	s28 =	simm.s32 $0x0;
	s16 =	smul.u32 $0x31000, s20  }
0x5: {  	[smem:$0x7FF] =	sst s3;
	s2 =	sand.u32 $0x1, s2;
	s18 =	smul.u32 $0x6200, s20  }
0x6: {  	s14 =	sadd.s32 $0x3800, s0;
	s4 =	sadd.s32 $0x129800, s0;
	s30 =	smul.u32 $0x188, s20  }
0x7: {  	s5 =	sadd.s32 $0xC7000, s0;
	s7 =	sshll.u32 s20, $0x1;
	s6 =	smul.u32 $0x188000, s2  }
0x8: {  	s23 =	sadd.s32 $0xC6E00, s0;
	s20 =	simm.s32 $0x5;
	s17 =	smul.u32 $0x18800, s2  }
0x9: {  	_ =	strace $0x8000004D;
	s8 =	ssub.s32 $0x2, s2;
	s26 =	smul.u32 $0x3100, s2  }
0xa: {  	s7 =	sor.u32 s2, s7;
	[dreg:$0x3] =	wrdreg s23;
	s2 =	smul.u32 $0xC4, s2  }
0xb: {  	s11 =	sshrl.u32 s8, $0x1;
	s7 =	smul.u32 $0x18800, s7;
	s24 =	sshrl.u32 s9, $0x2  }
0xc: {  	s19 =	sadd.s32 s13, s1;
	s29 =	sadd.s32 s18, s14;
	s18 =	simm.s32 $0xC  }
0xd: {  	s6 =	sadd.s32 s13, s6;
	s15 =	ssub.s32 s8, s11;
	s31 =	sadd.s32 s17, s16  }
0xe: {  	s16 =	sadd.s32 s2, s30;
	s17 =	simm.s32 $0x7000;
	s10 =	sshrl.u32 s6, $0x3  }
0xf: {  	s25 =	sshrl.u32 s7, $0x3;
	s7 =	sadd.s32 s24, s1;
	s13 =	smax.u32 s15, $0x1  }
0x10: {  	s24 =	simm.s32 $0x9;
	s0 =	sadd.s32 s10, s0;
	s8 =	sadd.s32 s14, s25  }
0x11: {  	s14 =	sadd.s32 $0xFFCF3000, s31;
	s25 =	sshrl.u32 s19, $0x3;
	s9 =	sadd.s32 $0x61A80, s8  }
0x12: {  	s10 =	sadd.s32 $0x40, s8;
	s12 =	sadd.s32 $0x12A400, s0;
	s0 =	sadd.s32 s26, s29  }
0x13: {  	s11 =	sadd.s32 $0x61AC0, s8;
	s26 =	simm.s32 $0xB;
	s15 =	sadd.s32 $0x61B00, s0  }
.LBB2_1:
0x14: {  	s0 =	rddreg [dreg:$0x3]  }
0x15: {  	[tilespmem:s17], [sflag:$0xC] =	stream.linear.gather [hbm4b:s0+s3], $0x800, $0x38;
	v63 =	vld [tilespmem:$0x0]  }
0x16: {  	_ =	swait.ge [sflag:s18], $0x800  }
0x17: {  	[sflag:s18] =	ssyncset.done $0x0  }
0x18: {  	s31 =	sadd.s32 $0x0, s7;
	[sflag:s18] =	ssyncadd.s32 $0xFFFFF800  }
0x19: {  	[spmem:s31] =	stream.linear.scatter [tilespmem:s17], [sflag:$0xC], $0x800, $0x38;
	v63 =	vld [tilespmem:$0x0]  }
0x1a: {  	s0 =	simm.s32 $0x2000;
	_ =	swait.ge [sflag:s18], $0x800  }
.LBB2_2:
0x1b: {  	s2 =	sshra.s32 s0, $0x2;
	[sflag:s18] =	ssyncset.done $0x0;
	p0 =	sne.s32 s0, $0x60000  }
.Ltmp0:
0x1c: {  	s2 =	sadd.s32 s2, s7;
	[sflag:s18] =	ssyncadd.s32 $0xFFFFF800;
	(pc) =	sbr.rel @p0 .LBB2_2-.Ltmp0, $3  }
0x1d: {  	[spmem:s2] =	stream.linear.scatter [tilespmem:s17], [sflag:$0xC], $0x800, $0x38;
	v63 =	vld [tilespmem:$0x0]  }
0x1e: {  	s0 =	sadd.s32 $0x2000, s0;
	_ =	sdelay $0x1  }
0x1f: {  	_ =	swait.ge [sflag:s18], $0x800  }
0x20: {  	[sflag:s18] =	ssyncset.done $0x0  }
0x21: {  	[sflag:s18] =	ssyncadd.s32 $0xFFFFF800  }
0x22: {  	[bflag:$0x0] =	sbarrier.arrive $0xFFFF  }
0x23: {  	[tilespmem:s3], [sflag:$0x5] =	stream.linear.gather [hbm4b:s8+s3], $0x200, $0x38;
	v63 =	vld [tilespmem:$0x0]  }
0x24: {  	s0 =	simm.s32 $0x800  }
0x25: {  	[tilespmem:s0], [sflag:$0x5] =	stream.linear.gather [hbm4b:s9+s3], $0x200, $0x38;
	v63 =	vld [tilespmem:$0x0]  }
0x26: {  	_ =	swait.ge [sflag:s20], $0x200  }
0x27: {  	[sflag:s20] =	ssyncset.done $0x0  }
0x28: {  	[sflag:s20] =	ssyncadd.s32 $0xFFFFFE00  }
0x29: {  	_ =	swait.ge [sflag:s20], $0x200  }
0x2a: {  	[sflag:s20] =	ssyncset.done $0x0  }
0x2b: {  	s22 =	simm.s32 $0x1000;
	[sflag:s20] =	ssyncadd.s32 $0xFFFFFE00  }
0x2c: {  	[tilespmem:s22], [sflag:$0x1] =	stream.indirect.gather [hbm4b:s5+s21], $0x10, s3, s21, $0xb8;
	v63 =	vld [tilespmem:$0x0]  }
0x2d: {  	s23 =	simm.s32 $0xA00  }
0x2e: {  	[tilespmem:s21], [sflag:$0x6] =	stream.linear.gather [hbm4b:s10+s3], $0x200, $0x38;
	v63 =	vld [tilespmem:$0x0]  }
0x2f: {  	s29 =	simm.s32 $0x2;
	s30 =	smov.u32 s15;
	s31 =	smov.u32 s14  }
0x30: {  	[tilespmem:s23], [sflag:$0x6] =	stream.linear.gather [hbm4b:s11+s3], $0x200, $0x38;
	v63 =	vld [tilespmem:$0x0]  }
.LBB2_4:
0x31: {  	s19 =	sadd.s32 $0xFFFFFFFF, s29  }
0x32: {  	s0 =	sand.u32 $0xFF, s19  }
0x33: {  	s0 =	smul.u32 $0xAB, s0;
	_ =	sdelay $0x1  }
0x34: {  	s0 =	sshrl.u32 s0, $0x9  }
0x35: {  	s2 =	smul.u32 $0x3, s0;
	_ =	sdelay $0x1  }
0x36: {  	s0 =	sadd.s32 $0xFFFFFFFE, s29;
	s2 =	ssub.s32 s19, s2  }
0x37: {  	p0 =	slt.u32 s0, $0x2;
	s2 =	sand.u32 $0xFF, s2  }
0x38: {  	p1 =	seq.s32 @!p0 s29, $0xC5;
	s22 =	sadd.s32 @!p0 $0x9, s2  }
0x39: {  	p1 =	por p0, !p1;
	_ =	swait.ge @!p0 [sflag:s22], $0x2000  }
0x3a: {  	s19 =	sand.u32 @p1 $0x3, s19;
	[sflag:s22] =	ssyncset.done @!p0 $0x0  }
0x3b: {  	[sflag:s22] =	ssyncadd.s32 @!p0 $0xFFFFE000;
	s22 =	sadd.s32 @p1 $0x5, s19  }
0x3c: {  	_ =	swait.ge @p1 [sflag:s22], $0x200  }
0x3d: {  	[sflag:s22] =	ssyncset.done @p1 $0x0  }
0x3e: {  	[sflag:s22] =	ssyncadd.s32 @p1 $0xFFFFFE00  }
0x3f: {  	s2 =	sshll.u32 @p1 s2, $0xD;
	_ =	swait.ge @p1 [sflag:s22], $0x200  }
0x40: {  	s2 =	sor.u32 @p1 $0x1000, s2;
	[sflag:s22] =	ssyncset.done @p1 $0x0  }
0x41: {  	[sflag:s22] =	ssyncadd.s32 @p1 $0xFFFFFE00;
	s22 =	sshll.u32 @p1 s19, $0x9;
	s19 =	sadd.s32 @p1 $0x1, s19  }
0x42: {  	[tilespmem:s2], [sflag:s19] =	stream.indirect.gather @p1 [hbm4b:s5+s21], $0x10, s22, s21, $0xb8;
	v63 =	vld [tilespmem:$0x0]  }
0x43: {  	s19 =	smul.u32 $0xAB, s0;
	_ =	sdelay $0x1  }
0x44: {  	s2 =	sshrl.u32 s19, $0x9  }
0x45: {  	s22 =	sand.u32 $0x3, s0;
	s2 =	sand.u32 $0x7F, s2  }
0x46: {  	s6 =	sadd.s32 $0x1, s22;
	s2 =	smul.u32 $0x3, s2  }
0x47: {  	p0 =	sgt.u32 s0, $0xC1;
	_ =	swait.ge [sflag:s6], $0x2000;
	s19 =	sshll.u32 s22, $0x9  }
0x48: {  	[sflag:s6] =	ssyncset.done $0x0;
	s19 =	sor.u32 $0x800, s19;
	s2 =	ssub.s32 s0, s2  }
0x49: {  	[sflag:s6] =	ssyncadd.s32 $0xFFFFE000;
	s0 =	sadd.s32 @!p0 s29, s16;
	s2 =	sand.u32 $0xFF, s2  }
0x4a: {  	p2 =	sgt.u32 @!p0 s0, $0x1869;
	s0 =	sand.u32 @!p0 $0x3, s29;
	s23 =	sshll.u32 s2, $0xD  }
0x4b: {  	s2 =	sadd.s32 $0x9, s2;
	p1 =	por !p2, p0;
	s23 =	sor.u32 $0x1000, s23  }
0x4c: {  	[spmem:s1] =	stream.indirect.scatter.add.f32 [tilespmem:s23], [sflag:s2], $0x10, s19, s21, $0xb8;
	v63 =	vld [tilespmem:$0x0]  }
0x4d: {  	p2 =	por p2, p0;
	s22 =	sshll.u32 @!p1 s0, $0x9;
	s19 =	sshrl.u32 @!p1 s31, $0x3  }
0x4e: {  	s2 =	sadd.s32 @!p0 $0x5, s0;
	s23 =	simm.s32 @!p1 $0x0;
	s19 =	sadd.s32 @!p1 s4, s19  }
0x4f: {  	[tilespmem:s22], [sflag:s2] =	stream.linear.gather @!p1 [hbm4b:s19+s23], $0x200, $0x38;
	v63 =	vld [tilespmem:$0x0]  }
0x50: {  	s6 =	simm.s32 @!p2 $0x0;
	s19 =	sadd.s32 @!p1 $0x2C00, s31  }
0x51: {  	s0 =	sshll.u32 @!p2 s0, $0x9;
	s23 =	sadd.s32 @!p2 $0xFFF9E580, s30;
	s19 =	sshrl.u32 @!p1 s19, $0x3  }
0x52: {  	[tilespmem:s0], [sflag:s2] =	stream.linear.gather @!p2 [hbm4b:s23+s6], $0x200, $0x38;
	v63 =	vld [tilespmem:$0x0]  }
0x53: {  	s29 =	sadd.s32 $0x1, s29;
	s22 =	smov.u32 @p1 s0;
	s6 =	sadd.s32 @!p1 s4, s19  }
0x54: {  	s0 =	sor.u32 @!p0 $0x800, s22;
	s19 =	simm.s32 @!p0 $0x0;
	s6 =	smov.u32 @p1 s30  }
0x55: {  	[tilespmem:s0], [sflag:s2] =	stream.linear.gather @!p0 [hbm4b:s6+s19], $0x200, $0x38;
	v63 =	vld [tilespmem:$0x0]  }
0x56: {  	p0 =	sne.s32 s29, $0xC6  }
.Ltmp1:
0x57: {  	_ = 	snop;
	(pc) =	sbr.rel @p0 .LBB2_4-.Ltmp1, $2  }
0x58: {  	_ =	sdelay $0x2  }
0x59: {  	s31 =	sadd.s32 $0x200, s31;
	s30 =	sadd.s32 $0x40, s30  }
0x5a: {  	_ =	swait.ge [sflag:s24], $0x2000  }
0x5b: {  	[sflag:s24] =	ssyncset.done $0x0  }
0x5c: {  	[sflag:s24] =	ssyncadd.s32 $0xFFFFE000  }
0x5d: {  	_ =	swait.ge [sflag:s26], $0x2000  }
0x5e: {  	s0 =	stileid.u32;
	s28 =	sadd.s32 $0x1, s28;
	[sflag:s26] =	ssyncset.done $0x0  }
0x5f: {  	s0 =	sshll.u32 s0, $0x6;
	p0 =	sne.s32 s28, s13;
	[sflag:s26] =	ssyncadd.s32 $0xFFFFE000  }
.Ltmp2:
0x60: {  	s0 =	sor.u32 $0x1C0C, s0;
	[bflag:$0x0] =	sbarrier.arrive $0xFFFF;
	(pc) =	sbr.rel @p0 .LBB2_1-.Ltmp2, $4  }
0x61: {  	[hbm:s12], [sflag:s0] =	dma.local [spmem:s25], $0x3100  }
0x62: {  	_ =	swait.ge [sflag:s18], $0x3100  }
0x63: {  	[sflag:s18] =	ssyncset.done $0x0  }
0x64: {  	[sflag:s18] =	ssyncadd.s32 $0xFFFFCF00  }
0x65: {  	_ =	sfence.sel $0x180000  }
0x66: {  	[bflag:$0x0] =	sbarrier.arrive $0xFFFF  }
0x67: {  	_ =	strace $0x9000004D  }
0x68: {  	s0 =	stileid.u32;
	[bflag:$0x2] =	sbarrier.arrive $0xFFFF  }
0x69: {  	p0 =	sne.s32 s0, $0x0;
	s0 =	rddreg [dreg:$0x2]  }
0x6a: {  	s0 =	sadd.s32 @!p0 $0x100000, s0  }
0x6b: {  	[sflag:s0] =	ssyncadd.tile.s32 @!p0 $0x1;
	_ =	shalt  }
.Lfunc_end2:
_tile_overlayer_lowered:
.L_overlay_start_2:
0x6c: {  	(tag) =	ssettag $0x2  }
0x6d: {  	s0 =	rddreg [dreg:$0x0];
	s2 =	stileid.u32  }
0x6e: {  	s1 =	rddreg [dreg:$0x1];
	p0 =	sne.s32 s2, $0x0  }
0x6f: {  	s3 =	rddreg [dreg:$0x2];
	[bflag:$0x3] =	sbarrier.arrive $0xFFFF;
	s2 =	simm.s32 @!p0 $0x1C0C  }
0x70: {  	[timem:s3], [sflag:s2] =	dma.local @!p0 [hbm:s0], s1  }
0x71: {  	s0 =	simm.s32 @!p0 $0xC  }
0x72: {  	_ =	swait.ge @!p0 [sflag:s0], s1  }
0x73: {  	s1 =	ssub.s32 @!p0 $0x0, s1;
	[sflag:s0] =	ssyncset.done @!p0 $0x0  }
0x74: {  	[sflag:s0] =	ssyncadd.s32 @!p0 s1  }
0x75: {  	[bflag:$0x3] =	sbarrier.arrive $0xFFFF  }
0x76: {  	_ =	shalt  }

// kernel: kernel.9.cloned.1.call-start
scs
__scs_entry_jumppad:
0x0: {  	(pc) =	sbr.rel $0x88, $3  }
0x1: {  	(tag) =	ssettag $0x0;
	lr =	simm.s32 $0x1  }
0x2: {  	[smem:$0x3F96] =	sst lr;
	_ =	strace $0xD0000000  }
0x3: {  	_ = 	snop  }
0x4: {  	_ = 	snop  }
0x5: {  	_ = 	snop  }
0x6: {  	_ = 	snop  }
0x7: {  	_ = 	snop  }
__scs_overlays_trampoline_lowered:
0x8: {  	[smem:$0x3FA5] =	sst s0  }
0x9: {  	[smem:$0x3FA6] =	sst s1  }
0xa: {  	[smem:$0x3FA7] =	sst s2  }
0xb: {  	[smem:$0x3FA8] =	sst s3  }
0xc: {  	[smem:$0x3FA9] =	sst s4  }
0xd: {  	[smem:$0x3FAA] =	sst s5  }
0xe: {  	[smem:$0x3FAB] =	sst s6  }
0xf: {  	[smem:$0x3FAC] =	sst s7  }
0x10: {  	[smem:$0x3FAD] =	sst s8  }
0x11: {  	[smem:$0x3FAE] =	sst s9;
	s0 =	simm.s32 @!p0 $0x0  }
0x12: {  	s1 =	sld [smem:$0x3F94];
	s0 =	simm.s32 @p0 $0x1  }
0x13: {  	[smem:$0x3FAF] =	sst s0;
	s0 =	simm.s32 @!p1 $0x0  }
0x14: {  	s2 =	sld [smem:$0x3F93];
	s0 =	simm.s32 @p1 $0x1  }
0x15: {  	[smem:$0x3FB0] =	sst s0;
	s0 =	simm.s32 @!p2 $0x0  }
0x16: {  	s3 =	sld [smem:$0x3FDB];
	s0 =	simm.s32 @p2 $0x1  }
0x17: {  	s4 =	simm.s32 $0x1BF5;
	[smem:$0x3FB2] =	sst s0  }
0x18: {  	s0 =	sld [smem:$0x3F95];
	_ =	swait.ge [sflag:s4], $0x0  }
0x19: {  	s7 =	sld [smem:$0x3F96]  }
0x1a: {  	s8 =	sadd.s32 $0xFFFFE003, lr  }
0x1b: {  	s9 =	sadd.s32 $0xFFFFFEF7, lr;
	s5 =	simm.s32 $0xFFFFFFFF;
	p2 =	slt.u32 s8, $0xFFFFF086  }
0x1c: {  	p1 =	slt.u32 s9, $0xF7A;
	s5 =	simm.s32 @!p2 $0x0  }
0x1d: {  	s5 =	simm.s32 @p1 $0x1;
	p0 =	seq.s32 s7, s2  }
0x1e: {  	s7 =	smul.u32 @!p0 $0xF7A, s2;
	p2 =	seq.s32 @!p0 s5, $0x0  }
0x1f: {  	s9 =	smul.u32 $0xF7A, s1;
	s8 =	simm.s32 @!p0 $0x1BF5;
	p2 =	por !p2, p0  }
0x20: {  	[sflag:s8] =	ssyncset.s32 @!p0 $0xFFFFF086;
	s6 =	sadd.s32 @!p0 s3, s7;
	s7 =	simm.s32 @!p0 $0x108  }
0x21: {  	s3 =	sadd.s32 s3, s9;
	s6 =	sadd.s32 @!p0 $0x88, s6;
	s7 =	simm.s32 @p2 $0x1082  }
0x22: {  	[simem:s7], [sflag:s8] =	dma.local @!p0 [hbm:s6], $0xF7A  }
0x23: {  	s9 =	sor.u32 $0xD0000000, s2;
	s6 =	simm.s32 $0x108;
	_ =	swait.ge @!p0 [sflag:s8], $0x0  }
0x24: {  	s3 =	sadd.s32 $0x88, s3;
	s6 =	simm.s32 @!p1 $0x1082;
	[sflag:s4] =	ssyncset.s32 $0xFFFFF086  }
0x25: {  	[simem:s6], [sflag:s4] =	dma.local [hbm:s3], $0xF7A  }
0x26: {  	[smem:$0x3F96] =	sst s1;
	(tag) =	ssettag s2;
	_ =	strace s9  }
0x27: {  	s1 =	sld [smem:$0x3FA6]  }
0x28: {  	s2 =	sld [smem:$0x3FA7]  }
0x29: {  	s4 =	sld [smem:$0x3FA9]  }
0x2a: {  	p0 =	seq.s32 s5, $0x0;
	s5 =	sld [smem:$0x3FAA]  }
0x2b: {  	s6 =	sld [smem:$0x3FAB]  }
0x2c: {  	s7 =	sld [smem:$0x3FAC]  }
0x2d: {  	s3 =	simm.s32 $0x108;
	s8 =	sld [smem:$0x3FAD]  }
0x2e: {  	s3 =	simm.s32 @!p0 $0x1082;
	s9 =	sld [smem:$0x3FAE]  }
0x2f: {  	lr =	sadd.s32 s0, s3;
	s0 =	sld [smem:$0x3FA5]  }
0x30: {  	s3 =	sld [smem:$0x3FA8]  }
0x31: {  	[smem:$0x3FB1] =	sst s10  }
0x32: {  	s10 =	sld [smem:$0x3FAF];
	_ =	sdelay $0x3  }
0x33: {  	p0 =	seq.s32 s10, $0x1;
	s10 =	sld [smem:$0x3FB1];
	_ =	sdelay $0x3  }
0x34: {  	[smem:$0x3FB1] =	sst s10  }
0x35: {  	s10 =	sld [smem:$0x3FB0];
	_ =	sdelay $0x3  }
0x36: {  	p1 =	seq.s32 s10, $0x1;
	s10 =	sld [smem:$0x3FB1];
	_ =	sdelay $0x3  }
0x37: {  	[smem:$0x3FB1] =	sst s10  }
0x38: {  	s10 =	sld [smem:$0x3FB2]  }
0x39: {  	_ = 	snop;
	(pc) =	sbr.ind lr, $3  }
0x3a: {  	_ = 	snop  }
0x3b: {  	_ = 	snop  }
0x3c: {  	p2 =	seq.s32 s10, $0x1;
	s10 =	sld [smem:$0x3FB1]  }
0x3d: {  	_ =	shalt  }
0x3e: {  	_ =	shalt  }
0x3f: {  	_ =	shalt  }
0x40: {  	_ =	shalt  }
0x41: {  	_ =	shalt  }
0x42: {  	_ =	shalt  }
0x43: {  	_ =	shalt  }
0x44: {  	_ =	shalt  }
0x45: {  	_ =	shalt  }
0x46: {  	_ =	shalt  }
0x47: {  	_ =	shalt  }
0x48: {  	_ =	shalt  }
0x49: {  	_ =	shalt  }
0x4a: {  	_ =	shalt  }
0x4b: {  	_ =	shalt  }
0x4c: {  	_ =	shalt  }
0x4d: {  	_ =	shalt  }
0x4e: {  	_ =	shalt  }
0x4f: {  	_ =	shalt  }
0x50: {  	_ =	shalt  }
0x51: {  	_ =	shalt  }
0x52: {  	_ =	shalt  }
0x53: {  	_ =	shalt  }
0x54: {  	_ =	shalt  }
0x55: {  	_ =	shalt  }
0x56: {  	_ =	shalt  }
0x57: {  	_ =	shalt  }
0x58: {  	_ =	shalt  }
0x59: {  	_ =	shalt  }
0x5a: {  	_ =	shalt  }
0x5b: {  	_ =	shalt  }
0x5c: {  	_ =	shalt  }
0x5d: {  	_ =	shalt  }
0x5e: {  	_ =	shalt  }
0x5f: {  	_ =	shalt  }
0x60: {  	_ =	shalt  }
0x61: {  	_ =	shalt  }
0x62: {  	_ =	shalt  }
0x63: {  	_ =	shalt  }
0x64: {  	_ =	shalt  }
0x65: {  	_ =	shalt  }
0x66: {  	_ =	shalt  }
0x67: {  	_ =	shalt  }
0x68: {  	_ =	shalt  }
0x69: {  	_ =	shalt  }
0x6a: {  	_ =	shalt  }
0x6b: {  	_ =	shalt  }
0x6c: {  	_ =	shalt  }
0x6d: {  	_ =	shalt  }
0x6e: {  	_ =	shalt  }
0x6f: {  	_ =	shalt  }
0x70: {  	_ =	shalt  }
0x71: {  	_ =	shalt  }
0x72: {  	_ =	shalt  }
0x73: {  	_ =	shalt  }
0x74: {  	_ =	shalt  }
0x75: {  	_ =	shalt  }
0x76: {  	_ =	shalt  }
0x77: {  	_ =	shalt  }
0x78: {  	_ =	shalt  }
0x79: {  	_ =	shalt  }
0x7a: {  	_ =	shalt  }
0x7b: {  	_ =	shalt  }
0x7c: {  	_ =	shalt  }
0x7d: {  	_ =	shalt  }
0x7e: {  	_ =	shalt  }
0x7f: {  	_ =	shalt  }
0x80: {  	_ =	shalt  }
0x81: {  	_ =	shalt  }
0x82: {  	_ =	shalt  }
0x83: {  	_ =	shalt  }
0x84: {  	_ =	shalt  }
0x85: {  	_ =	shalt  }
0x86: {  	_ =	shalt  }
0x87: {  	_ =	shalt  }
.Lfunc_end0:
.L_simem_size_0:
called_computation_lowered:
.L_overlay_start_0:
0x88: {  	s2 =	sld [smem:$0x3FD9]  }
0x89: {  	s3 =	sld [smem:$0x3FFE];
	_ =	sdelay $0x1  }
0x8a: {  	s1 =	srdreg.scid  }
0x8b: {  	s0 =	sand.u32 $0x1, s1  }
0x8c: {  	s16 =	sshll.u32 s0, $0xA;
	s2 =	sadd.s32 s3, s2  }
0x8d: {  	s2 =	sadd.s32 s2, s16  }
0x8e: {  	[smem:$0x3FBD] =	sst s2  }
0x8f: {  	_ = 	snop  }
0x90: {  	(tm) =	ssettm $0x1  }
0x91: {  	s17 =	sld [smem:$0x3FFB];
	_ =	sdelay $0x3  }
0x92: {  	_ =	strace s17  }
0x93: {  	s2 =	sld [smem:$0x3FFC];
	_ =	sdelay $0x3  }
0x94: {  	_ =	strace s2  }
0x95: {  	s2 =	sld [smem:$0x3FFD];
	_ =	sdelay $0x3  }
0x96: {  	_ =	strace s2  }
0x97: {  	_ =	strace $0x8FFFFFFF  }
0x98: {  	s18 =	sld [smem:$0x3FDB];
	_ =	sdelay $0x1  }
0x99: {  	s19 =	simm.s32 $_scs_section_size  }
0x9a: {  	s4 =	simm.s32 $_size__tile_overlayer_lowered;
	s5 =	simm.s32 $_tile_overlayer_lowered  }
0x9b: {  	s22 =	simm.s32 $0x1BFF;
	s21 =	sshll.u32 s5, $0x1;
	s2 =	sadd.s32 s19, s18  }
0x9c: {  	s6 =	simm.s32 $0x0;
	s20 =	sshll.u32 s4, $0x1;
	s4 =	sadd.s32 s21, s2  }
0x9d: {  	[timem:s6], [sflag:s22] =	dma.local [hbm:s4], s20  }
0x9e: {  	_ =	swait.ge [sflag:s22], s20  }
0x9f: {  	s3 =	ssub.s32 $0x0, s20;
	[sflag:s22] =	ssyncset.done $0x0  }
0xa0: {  	[sflag:s22] =	ssyncadd.s32 s3;
	_ =	sdelay $0x1  }
0xa1: {  	s23 =	simm.s32 $0x1B8B  }
0xa2: {  	_ =	swait.ge [sflag:s23], $0x1  }
0xa3: {  	[sflag:s23] =	ssyncset.done $0x0  }
0xa4: {  	s25 =	simm.s32 $0x1B8E;
	s24 =	sld [smem:$0x3FFE];
	[sflag:s23] =	ssyncadd.s32 $0xFFFFFFFF  }
0xa5: {  	s26 =	simm.s32 $execute0_lowered;
	[smem:$0x3FD2] =	sst s25  }
0xa6: {  	s4 =	sshll.u32 s26, $0x1;
	_ =	strace $0x80000046;
	[dreg:$0x1] =	wrdreg $0xFFFFFFFF  }
0xa7: {  	s28 =	simm.s32 $_size_execute0_lowered;
	s2 =	sadd.s32 s2, s4;
	[dreg:$0x0] =	wrdreg $0x0  }
0xa8: {  	s4 =	sshll.u32 s28, $0x1;
	[dreg:$0x2] =	wrdreg s2  }
0xa9: {  	[dreg:$0x3] =	wrdreg s4  }
0xaa: {  	[dreg:$0x4] =	wrdreg $0xC0  }
0xab: {  	_ =	task [dreg:s6], $0x5FFFF  }
0xac: {  	[dreg:$0x1] =	wrdreg $0xFFFFFFFF  }
0xad: {  	[dreg:$0x0] =	wrdreg $0x60  }
0xae: {  	[dreg:$0x2] =	wrdreg s24  }
0xaf: {  	[dreg:$0x3] =	wrdreg $0x58000  }
0xb0: {  	[dreg:$0x4] =	wrdreg $0x9  }
0xb1: {  	_ =	task.clear_ibuf [dreg:s6], $0x5FFFF;
	_ =	strace $0x90000046  }
0xb2: {  	s29 =	simm.s32 $0x9;
	_ =	strace $0x80000048  }
0xb3: {  	_ =	swait.ge [sflag:s29], $0x1  }
0xb4: {  	[sflag:s29] =	ssyncadd.s32 $0xFFFFFFFF  }
0xb5: {  	_ =	strace $0x90000048  }
0xb6: {  	_ =	sfence  }
0xb7: {  	s30 =	sld [smem:$0x0];
	_ =	sdelay $0x2  }
0xb8: {  	s31 =	sshll.u32 s1, $0xD;
	s1 =	sshrl.u32 s1, $0x2  }
0xb9: {  	s3 =	sand.u32 $0x4000, s31;
	s1 =	sadd.s32 s1, s30  }
0xba: {  	s0 =	sor.u32 s3, s0;
	s1 =	sshll.u32 s1, $0x11  }
0xbb: {  	s0 =	sor.u32 s1, s0  }
0xbc: {  	s0 =	sadd.s32 $0x8F2B, s0  }
0xbd: {  	[sflag:s0] =	ssyncadd.remote.s32 $0x1  }
0xbe: {  	_ =	sfence.sel $0xFFFF  }
0xbf: {  	[dreg:$0x0] =	wrdreg $0xFFFFFFFF;
	(pc) =	sbr.abs _section_cstart, $3  }
0xc0: {  	[dreg:$0x1] =	wrdreg $0xFFFFFFFF  }
0xc1: {  	_ =	task.clear_ibuf [dreg:s6], $0x2FFFF;
	_ =	strace $0x9FFFFFFF  }
0xc2: {  	(tm) =	ssettm $0x7FFFFFFF  }
0xc3: {  	_ =	shalt  }
tec
execute0_lowered:
.L_overlay_start_1:
0x0: {  	(tag) =	ssettag $0x1  }
0x1: {  	s1 =	srdreg.scid;
	s11 =	rddreg [dreg:$0x0]  }
0x2: {  	s0 =	stileid.u32;
	s2 =	rddreg [dreg:$0x1]  }
0x3: {  	s3 =	simm.s32 $0x0;
	s16 =	simm.s32 $0x5000;
	s17 =	simm.s32 $0x400  }
0x4: {  	s18 =	simm.s32 $0x1;
	s19 =	simm.s32 $0x6;
	s20 =	simm.s32 $0x5  }
0x5: {  	s23 =	simm.s32 $0x0;
	s7 =	sand.u32 $0x1, s1;
	s1 =	rddreg [dreg:$0x2]  }
0x6: {  	s31 =	sshll.u32 s0, $0x1;
	[smem:$0x7FF] =	sst s3;
	s13 =	smul.u32 $0x18800, s0  }
0x7: {  	s5 =	sadd.s32 $0xC7000, s11;
	s12 =	smul.u32 $0x62000, s0;
	s6 =	sadd.s32 $0xC6E00, s11  }
0x8: {  	s21 =	sshll.u32 s0, $0x6;
	s8 =	sor.u32 s7, s31;
	s9 =	smul.u32 $0x188000, s7  }
0x9: {  	_ =	strace $0x80000047;
	s7 =	ssub.s32 $0x2, s7;
	s21 =	sor.u32 $0x1C08, s21  }
0xa: {  	s4 =	smul.u32 $0x18800, s8;
	s14 =	sshrl.u32 s7, $0x1;
	s12 =	sshrl.u32 s12, $0x2  }
0xb: {  	s8 =	smul.u32 $0x62, s8;
	s22 =	sadd.s32 s13, s2;
	s9 =	sadd.s32 s13, s9  }
0xc: {  	s14 =	ssub.s32 s7, s14;
	s7 =	sadd.s32 s12, s2;
	s22 =	sshrl.u32 s22, $0x3  }
0xd: {  	s4 =	sshrl.u32 s4, $0x3;
	s9 =	sshrl.u32 s9, $0x3;
	s13 =	smax.u32 s14, $0x1  }
0xe: {  	s14 =	simm.s32 $0x1000;
	s10 =	sadd.s32 s4, s11;
	s4 =	sadd.s32 $0x2C00, s11  }
0xf: {  	s15 =	sadd.s32 s9, s11;
	s11 =	sadd.s32 $0x65280, s11;
	s9 =	sadd.s32 $0x65280, s10  }
0x10: {  	s10 =	sadd.s32 $0x65300, s10;
	s12 =	sadd.s32 $0xC7800, s15;
	s15 =	simm.s32 $0x8  }
.LBB2_1:
0x11: {  	[tilespmem:s14], [sflag:$0x8] =	stream.linear.gather [hbm4b:s5+s3], $0x4000, $0x38;
	[tilespmem:$0x1E000] =	vst v63  }
0x12: {  	_ =	swait.ge [sflag:s15], $0x4000  }
0x13: {  	[sflag:s15] =	ssyncset.done $0x0  }
0x14: {  	[sflag:s15] =	ssyncadd.s32 $0xFFFFC000  }
0x15: {  	[tilespmem:s16], [sflag:$0x8] =	stream.linear.gather [hbm4b:s6+s3], $0x800, $0x38;
	[tilespmem:$0x1E000] =	vst v63  }
0x16: {  	_ =	swait.ge [sflag:s15], $0x800  }
0x17: {  	[sflag:s15] =	ssyncset.done $0x0  }
0x18: {  	s24 =	sadd.s32 $0x0, s7;
	[sflag:s15] =	ssyncadd.s32 $0xFFFFF800  }
0x19: {  	[spmem:s24] =	stream.linear.scatter [tilespmem:s16], [sflag:$0x8], $0x800, $0x38;
	[tilespmem:$0x1E000] =	vst v63  }
0x1a: {  	s24 =	simm.s32 $0x2000;
	_ =	swait.ge [sflag:s15], $0x800  }
.LBB2_2:
0x1b: {  	s25 =	sshra.s32 s24, $0x2;
	[sflag:s15] =	ssyncset.done $0x0;
	p0 =	sne.s32 s24, $0x60000  }
.Ltmp0:
0x1c: {  	s25 =	sadd.s32 s25, s7;
	[sflag:s15] =	ssyncadd.s32 $0xFFFFF800;
	(pc) =	sbr.rel @p0 .LBB2_2-.Ltmp0, $3  }
0x1d: {  	[spmem:s25] =	stream.linear.scatter [tilespmem:s16], [sflag:$0x8], $0x800, $0x38;
	[tilespmem:$0x1E000] =	vst v63  }
0x1e: {  	s24 =	sadd.s32 $0x2000, s24;
	_ =	sdelay $0x1  }
0x1f: {  	_ =	swait.ge [sflag:s15], $0x800  }
0x20: {  	[sflag:s15] =	ssyncset.done $0x0  }
0x21: {  	[sflag:s15] =	ssyncadd.s32 $0xFFFFF800  }
0x22: {  	s24 =	simm.s32 $0x0;
	[bflag:$0x0] =	sbarrier.arrive $0xFFFF  }
0x23: {  	[tilespmem:s24], [sflag:$0x1] =	stream.linear.gather [hbm4b:s9+s24], $0x400, $0x38;
	[tilespmem:$0x1E000] =	vst v63  }
0x24: {  	_ = 	snop  }
0x25: {  	[tilespmem:s17], [sflag:$0x2] =	stream.linear.gather [hbm4b:s10+s24], $0x400, $0x38;
	[tilespmem:$0x1E000] =	vst v63  }
0x26: {  	_ =	swait.ge [sflag:s18], $0x400  }
0x27: {  	[sflag:s18] =	ssyncset.done $0x0  }
0x28: {  	[sflag:s18] =	ssyncadd.s32 $0xFFFFFC00  }
.LBB2_4:
0x29: {  	p0 =	slt.u32 s24, $0x2  }
0x2a: {  	s25 =	sadd.s32 @!p0 $0x1, s24  }
0x2b: {  	s26 =	sand.u32 @!p0 $0xFF, s25  }
0x2c: {  	s26 =	smul.u32 @!p0 $0xAB, s26;
	_ =	sdelay $0x1  }
0x2d: {  	s26 =	sshrl.u32 @!p0 s26, $0x9  }
0x2e: {  	s26 =	smul.u32 @!p0 $0x3, s26;
	_ =	sdelay $0x1  }
0x2f: {  	s25 =	ssub.s32 @!p0 s25, s26  }
0x30: {  	s25 =	sand.u32 @!p0 $0xFF, s25  }
0x31: {  	s25 =	sadd.s32 @!p0 $0x5, s25  }
0x32: {  	_ =	swait.ge @!p0 [sflag:s25], $0x4000  }
0x33: {  	p1 =	seq.s32 @!p0 s24, $0x61;
	[sflag:s25] =	ssyncset.done @!p0 $0x0  }
0x34: {  	p1 =	por p0, !p1;
	[sflag:s25] =	ssyncadd.s32 @!p0 $0xFFFFC000;
	s25 =	simm.s32 @!p0 $0x62  }
0x35: {  	s25 =	sadd.s32 @p1 $0x1, s24  }
0x36: {  	s26 =	sand.u32 @p1 $0x3, s25  }
0x37: {  	s26 =	sadd.s32 @p1 $0x1, s26  }
0x38: {  	s31 =	smul.u32 $0xAB, s24;
	_ =	swait.ge @p1 [sflag:s26], $0x400  }
0x39: {  	[sflag:s26] =	ssyncset.done @p1 $0x0  }
0x3a: {  	[sflag:s26] =	ssyncadd.s32 @p1 $0xFFFFFC00;
	s26 =	sshrl.u32 s31, $0x9  }
0x3b: {  	s26 =	sand.u32 $0x7F, s26  }
0x3c: {  	s26 =	smul.u32 $0x3, s26;
	_ =	sdelay $0x1  }
0x3d: {  	s26 =	ssub.s32 s24, s26  }
0x3e: {  	s28 =	sshll.u32 s24, $0xA;
	p0 =	sgt.u32 s24, $0x5F;
	s26 =	sand.u32 $0xFF, s26  }
0x3f: {  	s28 =	sand.u32 $0xC00, s28;
	s24 =	sadd.s32 @!p0 $0x2, s24;
	s26 =	sadd.s32 $0x5, s26  }
0x40: {  	[spmem:s2] =	stream.indirect.scatter.add.f32 [tilespmem:s14], [sflag:s26], $0x10, s28, s17, $0xb8;
	[tilespmem:$0x1E000] =	vst v63  }
0x41: {  	s26 =	sadd.s32 @!p0 s8, s24  }
0x42: {  	p1 =	sgt.u32 @!p0 s26, $0xC34  }
0x43: {  	p2 =	por !p1, p0  }
0x44: {  	s24 =	sand.u32 @!p0 $0x3, s24;
	s28 =	sshll.u32 @!p2 s26, $0xA  }
0x45: {  	p0 =	por p1, p0;
	s29 =	sshll.u32 @!p2 s24, $0xA;
	s28 =	sadd.s32 @!p2 $0xFFCF5800, s28  }
0x46: {  	s30 =	sadd.s32 @!p2 $0x1, s24;
	s26 =	sshll.u32 @!p0 s26, $0x7;
	s28 =	sshrl.u32 @!p2 s28, $0x3  }
0x47: {  	s31 =	simm.s32 @!p2 $0x0;
	s26 =	sadd.s32 @!p0 s26, s11;
	s28 =	sadd.s32 @!p2 s4, s28  }
0x48: {  	[tilespmem:s29], [sflag:s30] =	stream.linear.gather @!p2 [hbm4b:s28+s31], $0x400, $0x38;
	[tilespmem:$0x1E000] =	vst v63  }
0x49: {  	s28 =	sshll.u32 @!p0 s24, $0xA;
	s24 =	sadd.s32 @!p0 $0x1, s24;
	s29 =	simm.s32 @!p0 $0x0  }
0x4a: {  	[tilespmem:s28], [sflag:s24] =	stream.linear.gather @!p0 [hbm4b:s26+s29], $0x400, $0x38;
	[tilespmem:$0x1E000] =	vst v63  }
0x4b: {  	p0 =	slt.u32 s25, $0x62  }
.Ltmp1:
0x4c: {  	_ = 	snop;
	(pc) =	sbr.rel @p0 .LBB2_4-.Ltmp1, $2  }
0x4d: {  	_ =	sdelay $0x2  }
0x4e: {  	s24 =	smov.u32 s25  }
0x4f: {  	_ =	swait.ge [sflag:s19], $0x4000  }
0x50: {  	[sflag:s19] =	ssyncset.done $0x0  }
0x51: {  	[sflag:s19] =	ssyncadd.s32 $0xFFFFC000  }
0x52: {  	_ =	swait.ge [sflag:s20], $0x4000  }
0x53: {  	s23 =	sadd.s32 $0x1, s23;
	[sflag:s20] =	ssyncset.done $0x0  }
0x54: {  	p0 =	sne.s32 s23, s13;
	[sflag:s20] =	ssyncadd.s32 $0xFFFFC000  }
.Ltmp2:
0x55: {  	[bflag:$0x0] =	sbarrier.arrive $0xFFFF;
	(pc) =	sbr.rel @p0 .LBB2_1-.Ltmp2, $4  }
0x56: {  	[hbm:s12], [sflag:s21] =	dma.local [spmem:s22], $0x3100  }
0x57: {  	_ =	swait.ge [sflag:s15], $0x3100  }
0x58: {  	[sflag:s15] =	ssyncset.done $0x0  }
0x59: {  	[sflag:s15] =	ssyncadd.s32 $0xFFFFCF00  }
0x5a: {  	_ =	sfence.sel $0x180000  }
0x5b: {  	[bflag:$0x0] =	sbarrier.arrive $0xFFFF  }
0x5c: {  	p0 =	sne.s32 s0, $0x0;
	_ =	strace $0x90000047  }
0x5d: {  	s0 =	sadd.s32 @!p0 $0x100000, s1;
	[bflag:$0x2] =	sbarrier.arrive $0xFFFF  }
0x5e: {  	[sflag:s0] =	ssyncadd.tile.s32 @!p0 $0x1;
	_ =	shalt  }
.Lfunc_end2:
_tile_overlayer_lowered:
.L_overlay_start_2:
0x5f: {  	(tag) =	ssettag $0x2  }
0x60: {  	s0 =	rddreg [dreg:$0x0];
	s2 =	stileid.u32  }
0x61: {  	s1 =	rddreg [dreg:$0x1];
	p0 =	sne.s32 s2, $0x0  }
0x62: {  	s3 =	rddreg [dreg:$0x2];
	[bflag:$0x3] =	sbarrier.arrive $0xFFFF;
	s2 =	simm.s32 @!p0 $0x1C08  }
0x63: {  	[timem:s3], [sflag:s2] =	dma.local @!p0 [hbm:s0], s1  }
0x64: {  	s0 =	simm.s32 @!p0 $0x8  }
0x65: {  	_ =	swait.ge @!p0 [sflag:s0], s1  }
0x66: {  	s1 =	ssub.s32 @!p0 $0x0, s1;
	[sflag:s0] =	ssyncset.done @!p0 $0x0  }
0x67: {  	[sflag:s0] =	ssyncadd.s32 @!p0 s1  }
0x68: {  	[bflag:$0x3] =	sbarrier.arrive $0xFFFF  }
0x69: {  	_ =	shalt  }

</sc_bundles>
